<compile_context>
chip_gen: v7x
topology: tpu7x:2x2x1
jax: 0.10.2.dev20260603
libtpu: 0.0.44.dev20260713+nightly
codegen_flags: <defaults>
</compile_context>

<pallas_src>
import jax
import jax.numpy as jnp
from jax import lax
from jax.experimental import pallas as pl
from jax.experimental.pallas import tpu as pltpu
from jax.experimental.pallas import tpu_sc as plsc

N = 10000
E = 320000
F_IN = 128
H = 16
C = 10

NC = 2
NS = 16
NW = NC * NS
CH = 128
EPT = -(-E // NW)
K = -(-EPT // CH)
if K % 2:
    K += 1
E_PAD = NW * K * CH
N_PAD = 10240
RPS = N_PAD // NS

_F32 = jnp.float32
_HIGH = jax.lax.Precision.HIGHEST



_BM = 1000
_GRID = N // _BM


def _dgT(a, b):
    return lax.dot_general(a, b, (((1,), (1,)), ((), ())),
                           preferred_element_type=_F32, precision=_HIGH)


def _proj1_body(x_ref, wl_ref, wr_ref, y_ref, r_ref):
    xb = x_ref[...]
    y_ref[...] = _dgT(xb, wl_ref[...])
    r_ref[...] = _dgT(xb, wr_ref[...])


def _tc_proj1(x, wlT, wrT):
    return pl.pallas_call(
        _proj1_body,
        grid=(_GRID,),
        in_specs=[
            pl.BlockSpec((_BM, F_IN), lambda i: (i, 0)),
            pl.BlockSpec((H, F_IN), lambda i: (0, 0)),
            pl.BlockSpec((H, F_IN), lambda i: (0, 0)),
        ],
        out_specs=[
            pl.BlockSpec((_BM, H), lambda i: (i, 0)),
            pl.BlockSpec((_BM, H), lambda i: (i, 0)),
        ],
        out_shape=[
            jax.ShapeDtypeStruct((N_PAD, H), _F32),
            jax.ShapeDtypeStruct((N, H), _F32),
        ],
    )(x, wlT, wrT)


def _comb2_body(p_ref, c_ref, r_ref, bl_ref, wl_ref, wr_ref,
                y_ref, r2_ref, inv_ref):
    ps = p_ref[0] + p_ref[1]
    cnt = c_ref[0] + c_ref[1]
    inv = 1.0 / jnp.maximum(cnt, 1.0)
    h = jnp.maximum(ps * inv + bl_ref[...] + r_ref[...], 0.0)
    y_ref[...] = _dgT(h, wl_ref[...])
    r2_ref[...] = _dgT(h, wr_ref[...])
    inv_ref[...] = inv


def _tc_comb2(p, cntp, r1, bl1, wlT, wrT):
    return pl.pallas_call(
        _comb2_body,
        grid=(_GRID,),
        in_specs=[
            pl.BlockSpec((NC, _BM, H), lambda i: (0, i, 0)),
            pl.BlockSpec((NC, _BM, H), lambda i: (0, i, 0)),
            pl.BlockSpec((_BM, H), lambda i: (i, 0)),
            pl.BlockSpec((1, H), lambda i: (0, 0)),
            pl.BlockSpec((H, H), lambda i: (0, 0)),
            pl.BlockSpec((H, H), lambda i: (0, 0)),
        ],
        out_specs=[
            pl.BlockSpec((_BM, H), lambda i: (i, 0)),
            pl.BlockSpec((_BM, H), lambda i: (i, 0)),
            pl.BlockSpec((_BM, H), lambda i: (i, 0)),
        ],
        out_shape=[
            jax.ShapeDtypeStruct((N_PAD, H), _F32),
            jax.ShapeDtypeStruct((N, H), _F32),
            jax.ShapeDtypeStruct((N, H), _F32),
        ],
    )(p, cntp, r1, bl1, wlT, wrT)


def _comb3_body(p_ref, inv_ref, r_ref, bl_ref, wl_ref, wr_ref,
                y_ref, r3_ref):
    ps = p_ref[0] + p_ref[1]
    h = jnp.maximum(ps * inv_ref[...] + bl_ref[...] + r_ref[...], 0.0)
    zpad = jnp.zeros((h.shape[0], H - C), _F32)
    y_ref[...] = jnp.concatenate([_dgT(h, wl_ref[...]), zpad], axis=1)
    r3_ref[...] = jnp.concatenate([_dgT(h, wr_ref[...]), zpad], axis=1)


def _tc_comb3(p, inv, r2, bl2, wlT, wrT):
    return pl.pallas_call(
        _comb3_body,
        grid=(_GRID,),
        in_specs=[
            pl.BlockSpec((NC, _BM, H), lambda i: (0, i, 0)),
            pl.BlockSpec((_BM, H), lambda i: (i, 0)),
            pl.BlockSpec((_BM, H), lambda i: (i, 0)),
            pl.BlockSpec((1, H), lambda i: (0, 0)),
            pl.BlockSpec((C, H), lambda i: (0, 0)),
            pl.BlockSpec((C, H), lambda i: (0, 0)),
        ],
        out_specs=[
            pl.BlockSpec((_BM, H), lambda i: (i, 0)),
            pl.BlockSpec((_BM, H), lambda i: (i, 0)),
        ],
        out_shape=[
            jax.ShapeDtypeStruct((N_PAD, H), _F32),
            jax.ShapeDtypeStruct((N, H), _F32),
        ],
    )(p, inv, r2, bl2, wlT, wrT)


def _final_body(p_ref, inv_ref, r_ref, bl_ref, o_ref):
    ps = p_ref[0] + p_ref[1]
    z16 = ps * inv_ref[...] + r_ref[...]
    z = z16[:, :C] + bl_ref[...]
    m = jnp.max(z, axis=1, keepdims=True)
    s = jnp.sum(jnp.exp(z - m), axis=1, keepdims=True)
    o_ref[...] = z - m - jnp.log(s)


def _tc_final(p, inv, r3, bl3):
    return pl.pallas_call(
        _final_body,
        grid=(_GRID,),
        in_specs=[
            pl.BlockSpec((NC, _BM, H), lambda i: (0, i, 0)),
            pl.BlockSpec((_BM, H), lambda i: (i, 0)),
            pl.BlockSpec((_BM, H), lambda i: (i, 0)),
            pl.BlockSpec((1, C), lambda i: (0, 0)),
        ],
        out_specs=pl.BlockSpec((_BM, C), lambda i: (i, 0)),
        out_shape=jax.ShapeDtypeStruct((N, C), _F32),
    )(p, inv, r3, bl3)




def _make_sc_agg(with_count):
    mesh = plsc.VectorSubcoreMesh(core_axis_name="c", subcore_axis_name="s")

    NBUF = 4
    NGRP = K // NBUF

    out_type = [jax.ShapeDtypeStruct((NC, N_PAD, H), _F32)]
    scratch = [
        pltpu.VMEM((K, CH), jnp.int32),
        pltpu.VMEM((K, CH), jnp.int32),
        pltpu.VMEM_SHARED((N_PAD, H), _F32),
        pltpu.VMEM_SHARED((N_PAD, H), _F32),
    ]
    scratch += [pltpu.VMEM((CH, H), _F32)] * NBUF
    scratch += [pltpu.SemaphoreType.DMA] * NBUF
    scratch += [pltpu.SemaphoreType.DMA] * 6
    if with_count:
        out_type.append(jax.ShapeDtypeStruct((NC, N_PAD, H), _F32))
        scratch.append(pltpu.VMEM((CH, H), _F32))
        scratch.append(pltpu.VMEM_SHARED((N_PAD, H), _F32))

    def body(y_hbm, src_hbm, dst_hbm, z_hbm, one_hbm, *rest):
        if with_count:
            p_hbm, cnt_hbm = rest[:2]
            rest = rest[2:]
            ones_v, cacc = rest[4 + 2 * NBUF + 6:]
        else:
            p_hbm = rest[0]
            rest = rest[1:]
        src_v, dst_v, acc, y_sh = rest[:4]
        gbufs = rest[4:4 + NBUF]
        gsems = rest[4 + NBUF:4 + 2 * NBUF]
        isems = rest[4 + 2 * NBUF:4 + 2 * NBUF + 6]
        cid = lax.axis_index("c")
        sid = lax.axis_index("s")
        wid = cid * NS + sid
        row0 = sid * RPS
        inits = [
            (z_hbm, acc.at[pl.ds(row0, RPS)], isems[0]),
            (y_hbm.at[pl.ds(row0, RPS)], y_sh.at[pl.ds(row0, RPS)], isems[1]),
            (src_hbm.at[wid], src_v, isems[2]),
            (dst_hbm.at[wid], dst_v, isems[3]),
        ]
        if with_count:
            inits.append((z_hbm, cacc.at[pl.ds(row0, RPS)], isems[4]))
            inits.append((one_hbm, ones_v, isems[5]))
        for a, b_, sm in inits:
            pltpu.async_copy(a, b_, sm)
        for a, b_, sm in inits:
            pltpu.make_async_copy(a, b_, sm).wait()
        plsc.subcore_barrier()

        def gfire(j, b):
            pltpu.async_copy(y_sh.at[src_v.at[j]], gbufs[b], gsems[b])

        for b in range(NBUF):
            gfire(b, b)

        @pl.loop(0, NGRP)
        def _(g):
            j0 = g * NBUF
            for b in range(NBUF):
                j = j0 + b
                pltpu.make_async_copy(
                    y_sh.at[src_v.at[j]], gbufs[b], gsems[b]).wait()
                pltpu.sync_copy(gbufs[b], acc.at[dst_v.at[j]], add=True)
                if with_count:
                    pltpu.sync_copy(ones_v, cacc.at[dst_v.at[j]], add=True)
                nj = j + NBUF

                @pl.when(nj < K)
                def _():
                    gfire(nj, b)

        plsc.subcore_barrier()
        pltpu.async_copy(acc.at[pl.ds(row0, RPS)],
                         p_hbm.at[cid, pl.ds(row0, RPS)], isems[0])
        if with_count:
            pltpu.async_copy(cacc.at[pl.ds(row0, RPS)],
                             cnt_hbm.at[cid, pl.ds(row0, RPS)], isems[4])
        pltpu.make_async_copy(acc.at[pl.ds(row0, RPS)],
                              p_hbm.at[cid, pl.ds(row0, RPS)], isems[0]).wait()
        if with_count:
            pltpu.make_async_copy(
                cacc.at[pl.ds(row0, RPS)],
                cnt_hbm.at[cid, pl.ds(row0, RPS)], isems[4]).wait()

    return pl.kernel(body,
                     out_type=tuple(out_type) if with_count else out_type[0],
                     mesh=mesh, scratch_types=scratch,
                     compiler_params=pltpu.CompilerParams(
                         use_tc_tiling_on_sc=False))




def kernel(x, edge_index, Wl1, bl1, Wr1, Wl2, bl2, Wr2, Wl3, bl3, Wr3):
    b1 = bl1.reshape(1, H)
    b2 = bl2.reshape(1, H)
    b3 = bl3.reshape(1, C)

    pad = E_PAD - E
    src = jnp.concatenate([edge_index[0], jnp.zeros((pad,), jnp.int32)])
    dst = jnp.concatenate([edge_index[1], jnp.full((pad,), N, jnp.int32)])
    src_r = src.reshape(NW, K, CH)
    dst_r = dst.reshape(NW, K, CH)
    zeros = jnp.zeros((RPS, H), _F32)
    ones = jnp.ones((CH, H), _F32)

    sc_agg_cnt = _make_sc_agg(True)
    sc_agg = _make_sc_agg(False)

    y1, r1 = _tc_proj1(x, Wl1, Wr1)
    p1, cntp = sc_agg_cnt(y1, src_r, dst_r, zeros, ones)
    y2, r2, inv = _tc_comb2(p1, cntp, r1, b1, Wl2, Wr2)

    p2 = sc_agg(y2, src_r, dst_r, zeros, ones)
    y3, r3 = _tc_comb3(p2, inv, r2, b2, Wl3, Wr3)

    p3 = sc_agg(y3, src_r, dst_r, zeros, ones)
    return _tc_final(p3, inv, r3, b3)

# --- scband reference (transcript-rebuilt; emitter-appended) ---
"""Pipeline reference for scband-gs-model-79714593013808 (READ-ONLY COPY).

The authoritative reference and input builder live on the scoring server;
editing this copy changes nothing except your own understanding.
"""

import jax, jax.numpy as jnp
import numpy as np

N, E, F_IN, H, C = 10000, 320000, 128, 16, 10


def _glorot(key, shape):
    fan_in = shape[1]
    bound = 1.0 / np.sqrt(fan_in)
    return jax.random.uniform(key, shape, dtype=jnp.float32, minval=-bound, maxval=bound)


def setup_inputs(seed: int = 0) -> dict:
    key = jax.random.key(seed)
    ks = jax.random.split(key, 12)
    x = jax.random.normal(ks[0], (N, F_IN), dtype=jnp.float32)
    edge_index = jax.random.randint(ks[1], (2, E), 0, N, dtype=jnp.int32)
    # SAGEConv params: lin_l (neighbor aggr, with bias), lin_r (root, no bias)
    Wl1 = _glorot(ks[2], (H, F_IN)); bl1 = jnp.zeros((H,), jnp.float32); Wr1 = _glorot(ks[3], (H, F_IN))
    Wl2 = _glorot(ks[4], (H, H));    bl2 = jnp.zeros((H,), jnp.float32); Wr2 = _glorot(ks[5], (H, H))
    Wl3 = _glorot(ks[6], (C, H));    bl3 = jnp.zeros((C,), jnp.float32); Wr3 = _glorot(ks[7], (C, H))
    return {"x": x, "edge_index": edge_index,
            "Wl1": Wl1, "bl1": bl1, "Wr1": Wr1,
            "Wl2": Wl2, "bl2": bl2, "Wr2": Wr2,
            "Wl3": Wl3, "bl3": bl3, "Wr3": Wr3}


def _sage_conv(h, edge_index, Wl, bl, Wr):
    src = edge_index[0]
    dst = edge_index[1]
    n = h.shape[0]
    msgs = jnp.take(h, src, axis=0)                                   # gather (SparseCore)
    summed = jax.ops.segment_sum(msgs, dst, num_segments=n)           # scatter-add
    cnt = jax.ops.segment_sum(jnp.ones((edge_index.shape[1],), h.dtype), dst, num_segments=n)
    mean = summed / jnp.clip(cnt, 1.0)[:, None]                       # mean aggregation
    return mean @ Wl.T + bl + h @ Wr.T


def reference(x, edge_index, Wl1, bl1, Wr1, Wl2, bl2, Wr2, Wl3, bl3, Wr3):
    h = _sage_conv(x, edge_index, Wl1, bl1, Wr1)
    h = jax.nn.relu(h)
    h = _sage_conv(h, edge_index, Wl2, bl2, Wr2)
    h = jax.nn.relu(h)
    h = _sage_conv(h, edge_index, Wl3, bl3, Wr3)
    return jax.nn.log_softmax(h, axis=1)

if __name__ == "__main__":
    import jax
    _d = setup_inputs()
    print(jax.jit(kernel)(*tuple(_d.values())))

</pallas_src>

<mosaic_0001>
#map = affine_map<(d0, d1) -> (0, 0)>
#map1 = affine_map<(d0, d1) -> (0, 0, 0)>
module attributes {stable_mosaic.version = 14 : i64} {
  func.func @body(%arg0: i32, %arg1: i32, %arg2: memref<10240x16xf32, #tpu.memory_space<hbm>>, %arg3: memref<32x80x128xi32, #tpu.memory_space<hbm>>, %arg4: memref<32x80x128xi32, #tpu.memory_space<hbm>>, %arg5: memref<640x16xf32, #tpu.memory_space<hbm>>, %arg6: memref<128x16xf32, #tpu.memory_space<hbm>>, %arg7: memref<2x10240x16xf32, #tpu.memory_space<hbm>>, %arg8: memref<80x128xi32, #tpu.memory_space<vmem>>, %arg9: memref<80x128xi32, #tpu.memory_space<vmem>>, %arg10: memref<10240x16xf32, #tpu.memory_space<vmem_shared>>, %arg11: memref<10240x16xf32, #tpu.memory_space<vmem_shared>>, %arg12: memref<128x16xf32, #tpu.memory_space<vmem>>, %arg13: memref<128x16xf32, #tpu.memory_space<vmem>>, %arg14: memref<128x16xf32, #tpu.memory_space<vmem>>, %arg15: memref<128x16xf32, #tpu.memory_space<vmem>>, %arg16: memref<!tpu.dma_semaphore, #tpu.memory_space<semaphore_mem>>, %arg17: memref<!tpu.dma_semaphore, #tpu.memory_space<semaphore_mem>>, %arg18: memref<!tpu.dma_semaphore, #tpu.memory_space<semaphore_mem>>, %arg19: memref<!tpu.dma_semaphore, #tpu.memory_space<semaphore_mem>>, %arg20: memref<!tpu.dma_semaphore, #tpu.memory_space<semaphore_mem>>, %arg21: memref<!tpu.dma_semaphore, #tpu.memory_space<semaphore_mem>>, %arg22: memref<!tpu.dma_semaphore, #tpu.memory_space<semaphore_mem>>, %arg23: memref<!tpu.dma_semaphore, #tpu.memory_space<semaphore_mem>>, %arg24: memref<!tpu.dma_semaphore, #tpu.memory_space<semaphore_mem>>, %arg25: memref<!tpu.dma_semaphore, #tpu.memory_space<semaphore_mem>>) attributes {dimension_semantics = [#tpu.dimension_semantics<core_parallel>, #tpu.dimension_semantics<subcore_parallel>], iteration_bounds = array<i64: 2, 16>, scalar_prefetch = 0 : i64, scratch_operands = 18 : i64, tpu.core_type = #tpu.core_type<sc_vector_subcore>, window_params = [{transform_indices = #map}, {transform_indices = #map1}, {transform_indices = #map1}, {transform_indices = #map}, {transform_indices = #map}, {transform_indices = #map1}]} {
    %mul3A = arith.constant 16 : i32
    %mul3A_0 = arith.muli %arg0, %mul3A : i32
    %add3A = arith.addi %mul3A_0, %arg1 : i32
    %mul3A_1 = arith.constant 640 : i32
    %mul3A_2 = arith.muli %arg1, %mul3A_1 : i32
    %dma_start3A = arith.constant 0 : i32
    %dma_start3A_3 = tpu.memref_slice %arg10[%mul3A_2, %dma_start3A] : memref<10240x16xf32, #tpu.memory_space<vmem_shared>> -> memref<640x16xf32, #tpu.memory_space<vmem_shared>>
    tpu.enqueue_dma source(%arg5 : memref<640x16xf32, #tpu.memory_space<hbm>>) target(%dma_start3A_3 : memref<640x16xf32, #tpu.memory_space<vmem_shared>>) target_semaphore(%arg20 : memref<!tpu.dma_semaphore, #tpu.memory_space<semaphore_mem>>)
    %dma_start3A_4 = arith.constant 0 : i32
    %dma_start3A_5 = tpu.memref_slice %arg11[%mul3A_2, %dma_start3A_4] : memref<10240x16xf32, #tpu.memory_space<vmem_shared>> -> memref<640x16xf32, #tpu.memory_space<vmem_shared>>
    %dma_start3A_6 = arith.constant 0 : i32
    %dma_start3A_7 = tpu.memref_slice %arg2[%mul3A_2, %dma_start3A_6] : memref<10240x16xf32, #tpu.memory_space<hbm>> -> memref<640x16xf32, #tpu.memory_space<hbm>>
    tpu.enqueue_dma source(%dma_start3A_7 : memref<640x16xf32, #tpu.memory_space<hbm>>) target(%dma_start3A_5 : memref<640x16xf32, #tpu.memory_space<vmem_shared>>) target_semaphore(%arg21 : memref<!tpu.dma_semaphore, #tpu.memory_space<semaphore_mem>>)
    %dma_start3A_8 = arith.constant 0 : i32
    %dma_start3A_9 = arith.constant 0 : i32
    %dma_start3A_10 = tpu.memref_slice %arg3[%add3A, %dma_start3A_8, %dma_start3A_9] : memref<32x80x128xi32, #tpu.memory_space<hbm>> -> memref<1x80x128xi32, #tpu.memory_space<hbm>>
    %dma_start3A_11 = tpu.memref_squeeze %dma_start3A_10 : memref<1x80x128xi32, #tpu.memory_space<hbm>> -> memref<80x128xi32, #tpu.memory_space<hbm>>
    %dma_start3A_12 = arith.constant 0 : i32
    %dma_start3A_13 = arith.constant 0 : i32
    %dma_start3A_14 = tpu.memref_slice %arg3[%add3A, %dma_start3A_12, %dma_start3A_13] : memref<32x80x128xi32, #tpu.memory_space<hbm>> -> memref<1x80x128xi32, #tpu.memory_space<hbm>>
    %dma_start3A_15 = tpu.memref_squeeze %dma_start3A_14 : memref<1x80x128xi32, #tpu.memory_space<hbm>> -> memref<80x128xi32, #tpu.memory_space<hbm>>
    tpu.enqueue_dma source(%dma_start3A_15 : memref<80x128xi32, #tpu.memory_space<hbm>>) target(%arg8 : memref<80x128xi32, #tpu.memory_space<vmem>>) target_semaphore(%arg22 : memref<!tpu.dma_semaphore, #tpu.memory_space<semaphore_mem>>)
    %dma_start3A_16 = arith.constant 0 : i32
    %dma_start3A_17 = arith.constant 0 : i32
    %dma_start3A_18 = tpu.memref_slice %arg4[%add3A, %dma_start3A_16, %dma_start3A_17] : memref<32x80x128xi32, #tpu.memory_space<hbm>> -> memref<1x80x128xi32, #tpu.memory_space<hbm>>
    %dma_start3A_19 = tpu.memref_squeeze %dma_start3A_18 : memref<1x80x128xi32, #tpu.memory_space<hbm>> -> memref<80x128xi32, #tpu.memory_space<hbm>>
    %dma_start3A_20 = arith.constant 0 : i32
    %dma_start3A_21 = arith.constant 0 : i32
    %dma_start3A_22 = tpu.memref_slice %arg4[%add3A, %dma_start3A_20, %dma_start3A_21] : memref<32x80x128xi32, #tpu.memory_space<hbm>> -> memref<1x80x128xi32, #tpu.memory_space<hbm>>
    %dma_start3A_23 = tpu.memref_squeeze %dma_start3A_22 : memref<1x80x128xi32, #tpu.memory_space<hbm>> -> memref<80x128xi32, #tpu.memory_space<hbm>>
    tpu.enqueue_dma source(%dma_start3A_23 : memref<80x128xi32, #tpu.memory_space<hbm>>) target(%arg9 : memref<80x128xi32, #tpu.memory_space<vmem>>) target_semaphore(%arg23 : memref<!tpu.dma_semaphore, #tpu.memory_space<semaphore_mem>>)
    %dma_wait3A = arith.constant 0 : i32
    %dma_wait3A_24 = tpu.memref_slice %arg10[%mul3A_2, %dma_wait3A] : memref<10240x16xf32, #tpu.memory_space<vmem_shared>> -> memref<640x16xf32, #tpu.memory_space<vmem_shared>>
    tpu.wait_dma2 semaphore(%arg20 : memref<!tpu.dma_semaphore, #tpu.memory_space<semaphore_mem>>) src(%arg5 : memref<640x16xf32, #tpu.memory_space<hbm>>) dst(%dma_wait3A_24 : memref<640x16xf32, #tpu.memory_space<vmem_shared>>)
    %dma_wait3A_25 = arith.constant 0 : i32
    %dma_wait3A_26 = tpu.memref_slice %arg11[%mul3A_2, %dma_wait3A_25] : memref<10240x16xf32, #tpu.memory_space<vmem_shared>> -> memref<640x16xf32, #tpu.memory_space<vmem_shared>>
    %dma_wait3A_27 = arith.constant 0 : i32
    %dma_wait3A_28 = tpu.memref_slice %arg2[%mul3A_2, %dma_wait3A_27] : memref<10240x16xf32, #tpu.memory_space<hbm>> -> memref<640x16xf32, #tpu.memory_space<hbm>>
    tpu.wait_dma2 semaphore(%arg21 : memref<!tpu.dma_semaphore, #tpu.memory_space<semaphore_mem>>) src(%dma_wait3A_28 : memref<640x16xf32, #tpu.memory_space<hbm>>) dst(%dma_wait3A_26 : memref<640x16xf32, #tpu.memory_space<vmem_shared>>)
    %dma_wait3A_29 = arith.constant 0 : i32
    %dma_wait3A_30 = arith.constant 0 : i32
    %dma_wait3A_31 = tpu.memref_slice %arg3[%add3A, %dma_wait3A_29, %dma_wait3A_30] : memref<32x80x128xi32, #tpu.memory_space<hbm>> -> memref<1x80x128xi32, #tpu.memory_space<hbm>>
    %dma_wait3A_32 = tpu.memref_squeeze %dma_wait3A_31 : memref<1x80x128xi32, #tpu.memory_space<hbm>> -> memref<80x128xi32, #tpu.memory_space<hbm>>
    %dma_wait3A_33 = arith.constant 0 : i32
    %dma_wait3A_34 = arith.constant 0 : i32
    %dma_wait3A_35 = tpu.memref_slice %arg3[%add3A, %dma_wait3A_33, %dma_wait3A_34] : memref<32x80x128xi32, #tpu.memory_space<hbm>> -> memref<1x80x128xi32, #tpu.memory_space<hbm>>
    %dma_wait3A_36 = tpu.memref_squeeze %dma_wait3A_35 : memref<1x80x128xi32, #tpu.memory_space<hbm>> -> memref<80x128xi32, #tpu.memory_space<hbm>>
    tpu.wait_dma2 semaphore(%arg22 : memref<!tpu.dma_semaphore, #tpu.memory_space<semaphore_mem>>) src(%dma_wait3A_36 : memref<80x128xi32, #tpu.memory_space<hbm>>) dst(%arg8 : memref<80x128xi32, #tpu.memory_space<vmem>>)
    %dma_wait3A_37 = arith.constant 0 : i32
    %dma_wait3A_38 = arith.constant 0 : i32
    %dma_wait3A_39 = tpu.memref_slice %arg4[%add3A, %dma_wait3A_37, %dma_wait3A_38] : memref<32x80x128xi32, #tpu.memory_space<hbm>> -> memref<1x80x128xi32, #tpu.memory_space<hbm>>
    %dma_wait3A_40 = tpu.memref_squeeze %dma_wait3A_39 : memref<1x80x128xi32, #tpu.memory_space<hbm>> -> memref<80x128xi32, #tpu.memory_space<hbm>>
    %dma_wait3A_41 = arith.constant 0 : i32
    %dma_wait3A_42 = arith.constant 0 : i32
    %dma_wait3A_43 = tpu.memref_slice %arg4[%add3A, %dma_wait3A_41, %dma_wait3A_42] : memref<32x80x128xi32, #tpu.memory_space<hbm>> -> memref<1x80x128xi32, #tpu.memory_space<hbm>>
    %dma_wait3A_44 = tpu.memref_squeeze %dma_wait3A_43 : memref<1x80x128xi32, #tpu.memory_space<hbm>> -> memref<80x128xi32, #tpu.memory_space<hbm>>
    tpu.wait_dma2 semaphore(%arg23 : memref<!tpu.dma_semaphore, #tpu.memory_space<semaphore_mem>>) src(%dma_wait3A_44 : memref<80x128xi32, #tpu.memory_space<hbm>>) dst(%arg9 : memref<80x128xi32, #tpu.memory_space<vmem>>)
    %barrier3A = arith.constant 0 : index
    tpu.barrier barrier_id(%barrier3A)
    %dma_start3A_45 = arith.constant 0 : i32
    %dma_start3A_46 = arith.constant 0 : i32
    %dma_start3A_47 = tpu.memref_slice %arg8[%dma_start3A_45, %dma_start3A_46] : memref<80x128xi32, #tpu.memory_space<vmem>> -> memref<1x128xi32, #tpu.memory_space<vmem>>
    %dma_start3A_48 = tpu.memref_squeeze %dma_start3A_47 : memref<1x128xi32, #tpu.memory_space<vmem>> -> memref<128xi32, #tpu.memory_space<vmem>>
    %dma_start3A_49 = arith.constant 0 : i32
    %dma_start3A_50 = arith.constant 0 : i32
    %dma_start3A_51 = tpu.memref_slice %arg11[%dma_start3A_49, %dma_start3A_50] : memref<10240x16xf32, #tpu.memory_space<vmem_shared>> -> memref<10240x16xf32, #tpu.memory_space<vmem_shared>>
    tpu.enqueue_indirect_dma source(%dma_start3A_51 : memref<10240x16xf32, #tpu.memory_space<vmem_shared>>) target(%arg12 : memref<128x16xf32, #tpu.memory_space<vmem>>) offsets(%dma_start3A_48 : memref<128xi32, #tpu.memory_space<vmem>>) semaphore(%arg16 : memref<!tpu.dma_semaphore, #tpu.memory_space<semaphore_mem>>)
    %dma_start3A_52 = arith.constant 1 : i32
    %dma_start3A_53 = arith.constant 0 : i32
    %dma_start3A_54 = tpu.memref_slice %arg8[%dma_start3A_52, %dma_start3A_53] : memref<80x128xi32, #tpu.memory_space<vmem>> -> memref<1x128xi32, #tpu.memory_space<vmem>>
    %dma_start3A_55 = tpu.memref_squeeze %dma_start3A_54 : memref<1x128xi32, #tpu.memory_space<vmem>> -> memref<128xi32, #tpu.memory_space<vmem>>
    %dma_start3A_56 = arith.constant 0 : i32
    %dma_start3A_57 = arith.constant 0 : i32
    %dma_start3A_58 = tpu.memref_slice %arg11[%dma_start3A_56, %dma_start3A_57] : memref<10240x16xf32, #tpu.memory_space<vmem_shared>> -> memref<10240x16xf32, #tpu.memory_space<vmem_shared>>
    tpu.enqueue_indirect_dma source(%dma_start3A_58 : memref<10240x16xf32, #tpu.memory_space<vmem_shared>>) target(%arg13 : memref<128x16xf32, #tpu.memory_space<vmem>>) offsets(%dma_start3A_55 : memref<128xi32, #tpu.memory_space<vmem>>) semaphore(%arg17 : memref<!tpu.dma_semaphore, #tpu.memory_space<semaphore_mem>>)
    %dma_start3A_59 = arith.constant 2 : i32
    %dma_start3A_60 = arith.constant 0 : i32
    %dma_start3A_61 = tpu.memref_slice %arg8[%dma_start3A_59, %dma_start3A_60] : memref<80x128xi32, #tpu.memory_space<vmem>> -> memref<1x128xi32, #tpu.memory_space<vmem>>
    %dma_start3A_62 = tpu.memref_squeeze %dma_start3A_61 : memref<1x128xi32, #tpu.memory_space<vmem>> -> memref<128xi32, #tpu.memory_space<vmem>>
    %dma_start3A_63 = arith.constant 0 : i32
    %dma_start3A_64 = arith.constant 0 : i32
    %dma_start3A_65 = tpu.memref_slice %arg11[%dma_start3A_63, %dma_start3A_64] : memref<10240x16xf32, #tpu.memory_space<vmem_shared>> -> memref<10240x16xf32, #tpu.memory_space<vmem_shared>>
    tpu.enqueue_indirect_dma source(%dma_start3A_65 : memref<10240x16xf32, #tpu.memory_space<vmem_shared>>) target(%arg14 : memref<128x16xf32, #tpu.memory_space<vmem>>) offsets(%dma_start3A_62 : memref<128xi32, #tpu.memory_space<vmem>>) semaphore(%arg18 : memref<!tpu.dma_semaphore, #tpu.memory_space<semaphore_mem>>)
    %dma_start3A_66 = arith.constant 3 : i32
    %dma_start3A_67 = arith.constant 0 : i32
    %dma_start3A_68 = tpu.memref_slice %arg8[%dma_start3A_66, %dma_start3A_67] : memref<80x128xi32, #tpu.memory_space<vmem>> -> memref<1x128xi32, #tpu.memory_space<vmem>>
    %dma_start3A_69 = tpu.memref_squeeze %dma_start3A_68 : memref<1x128xi32, #tpu.memory_space<vmem>> -> memref<128xi32, #tpu.memory_space<vmem>>
    %dma_start3A_70 = arith.constant 0 : i32
    %dma_start3A_71 = arith.constant 0 : i32
    %dma_start3A_72 = tpu.memref_slice %arg11[%dma_start3A_70, %dma_start3A_71] : memref<10240x16xf32, #tpu.memory_space<vmem_shared>> -> memref<10240x16xf32, #tpu.memory_space<vmem_shared>>
    tpu.enqueue_indirect_dma source(%dma_start3A_72 : memref<10240x16xf32, #tpu.memory_space<vmem_shared>>) target(%arg15 : memref<128x16xf32, #tpu.memory_space<vmem>>) offsets(%dma_start3A_69 : memref<128xi32, #tpu.memory_space<vmem>>) semaphore(%arg19 : memref<!tpu.dma_semaphore, #tpu.memory_space<semaphore_mem>>)
    %scan3A = arith.constant 0 : i32
    %scan3A_73 = arith.constant 20 : i32
    %scan3A_74 = arith.addi %scan3A, %scan3A_73 : i32
    %scan3A_75 = arith.constant 1 : i32
    scf.for %scan3A_88 = %scan3A to %scan3A_74 step %scan3A_75  : i32 {
      %mul3A_89 = arith.constant 1 : i32
      %mul3A_90 = arith.muli %scan3A_88, %mul3A_89 : i32
      %add3A_91 = arith.constant 0 : i32
      %add3A_92 = arith.addi %add3A_91, %mul3A_90 : i32
      %mul3A_93 = arith.constant 4 : i32
      %mul3A_94 = arith.muli %add3A_92, %mul3A_93 : i32
      %add3A_95 = arith.constant 0 : i32
      %add3A_96 = arith.addi %mul3A_94, %add3A_95 : i32
      %dma_wait3A_97 = arith.constant 0 : i32
      %dma_wait3A_98 = tpu.memref_slice %arg8[%add3A_96, %dma_wait3A_97] : memref<80x128xi32, #tpu.memory_space<vmem>> -> memref<1x128xi32, #tpu.memory_space<vmem>>
      %dma_wait3A_99 = tpu.memref_squeeze %dma_wait3A_98 : memref<1x128xi32, #tpu.memory_space<vmem>> -> memref<128xi32, #tpu.memory_space<vmem>>
      %dma_wait3A_100 = arith.constant 0 : i32
      %dma_wait3A_101 = arith.constant 0 : i32
      %dma_wait3A_102 = tpu.memref_slice %arg11[%dma_wait3A_100, %dma_wait3A_101] : memref<10240x16xf32, #tpu.memory_space<vmem_shared>> -> memref<10240x16xf32, #tpu.memory_space<vmem_shared>>
      tpu.wait_indirect_dma semaphore(%arg16 : memref<!tpu.dma_semaphore, #tpu.memory_space<semaphore_mem>>) src(%dma_wait3A_102 : memref<10240x16xf32, #tpu.memory_space<vmem_shared>>) dst(%arg12 : memref<128x16xf32, #tpu.memory_space<vmem>>)
      "tpu.region"() ({
        %run_scoped3A = tpu.sem_alloc : memref<!tpu.dma_semaphore, #tpu.memory_space<semaphore_mem>>
        %dma_start3A_152 = arith.constant 0 : i32
        %dma_start3A_153 = tpu.memref_slice %arg9[%add3A_96, %dma_start3A_152] : memref<80x128xi32, #tpu.memory_space<vmem>> -> memref<1x128xi32, #tpu.memory_space<vmem>>
        %dma_start3A_154 = tpu.memref_squeeze %dma_start3A_153 : memref<1x128xi32, #tpu.memory_space<vmem>> -> memref<128xi32, #tpu.memory_space<vmem>>
        %dma_start3A_155 = arith.constant 0 : i32
        %dma_start3A_156 = arith.constant 0 : i32
        %dma_start3A_157 = tpu.memref_slice %arg10[%dma_start3A_155, %dma_start3A_156] : memref<10240x16xf32, #tpu.memory_space<vmem_shared>> -> memref<10240x16xf32, #tpu.memory_space<vmem_shared>>
        tpu.enqueue_indirect_dma source(%arg12 : memref<128x16xf32, #tpu.memory_space<vmem>>) target(%dma_start3A_157 : memref<10240x16xf32, #tpu.memory_space<vmem_shared>>) offsets(%dma_start3A_154 : memref<128xi32, #tpu.memory_space<vmem>>) semaphore(%run_scoped3A : memref<!tpu.dma_semaphore, #tpu.memory_space<semaphore_mem>>) {add = true}
        %dma_wait3A_158 = arith.constant 0 : i32
        %dma_wait3A_159 = tpu.memref_slice %arg9[%add3A_96, %dma_wait3A_158] : memref<80x128xi32, #tpu.memory_space<vmem>> -> memref<1x128xi32, #tpu.memory_space<vmem>>
        %dma_wait3A_160 = tpu.memref_squeeze %dma_wait3A_159 : memref<1x128xi32, #tpu.memory_space<vmem>> -> memref<128xi32, #tpu.memory_space<vmem>>
        %dma_wait3A_161 = arith.constant 0 : i32
        %dma_wait3A_162 = arith.constant 0 : i32
        %dma_wait3A_163 = tpu.memref_slice %arg10[%dma_wait3A_161, %dma_wait3A_162] : memref<10240x16xf32, #tpu.memory_space<vmem_shared>> -> memref<10240x16xf32, #tpu.memory_space<vmem_shared>>
        tpu.wait_indirect_dma semaphore(%run_scoped3A : memref<!tpu.dma_semaphore, #tpu.memory_space<semaphore_mem>>) src(%arg12 : memref<128x16xf32, #tpu.memory_space<vmem>>) dst(%dma_wait3A_163 : memref<10240x16xf32, #tpu.memory_space<vmem_shared>>)
        tpu.yield
      }) : () -> ()
      %add3A_103 = arith.constant 4 : i32
      %add3A_104 = arith.addi %add3A_96, %add3A_103 : i32
      %lt3A = arith.constant 80 : i32
      %lt3A_105 = arith.cmpi slt, %add3A_104, %lt3A : i32
      %convert_element_type3A = arith.extui %lt3A_105 : i1 to i32
      %cond3A = arith.constant 0 : i32
      %cond3A_106 = arith.cmpi ne, %convert_element_type3A, %cond3A : i32
      scf.if %cond3A_106 {
        %dma_start3A_152 = arith.constant 0 : i32
        %dma_start3A_153 = tpu.memref_slice %arg8[%add3A_104, %dma_start3A_152] : memref<80x128xi32, #tpu.memory_space<vmem>> -> memref<1x128xi32, #tpu.memory_space<vmem>>
        %dma_start3A_154 = tpu.memref_squeeze %dma_start3A_153 : memref<1x128xi32, #tpu.memory_space<vmem>> -> memref<128xi32, #tpu.memory_space<vmem>>
        %dma_start3A_155 = arith.constant 0 : i32
        %dma_start3A_156 = arith.constant 0 : i32
        %dma_start3A_157 = tpu.memref_slice %arg11[%dma_start3A_155, %dma_start3A_156] : memref<10240x16xf32, #tpu.memory_space<vmem_shared>> -> memref<10240x16xf32, #tpu.memory_space<vmem_shared>>
        tpu.enqueue_indirect_dma source(%dma_start3A_157 : memref<10240x16xf32, #tpu.memory_space<vmem_shared>>) target(%arg12 : memref<128x16xf32, #tpu.memory_space<vmem>>) offsets(%dma_start3A_154 : memref<128xi32, #tpu.memory_space<vmem>>) semaphore(%arg16 : memref<!tpu.dma_semaphore, #tpu.memory_space<semaphore_mem>>)
      } else {
      }
      %add3A_107 = arith.constant 1 : i32
      %add3A_108 = arith.addi %mul3A_94, %add3A_107 : i32
      %dma_wait3A_109 = arith.constant 0 : i32
      %dma_wait3A_110 = tpu.memref_slice %arg8[%add3A_108, %dma_wait3A_109] : memref<80x128xi32, #tpu.memory_space<vmem>> -> memref<1x128xi32, #tpu.memory_space<vmem>>
      %dma_wait3A_111 = tpu.memref_squeeze %dma_wait3A_110 : memref<1x128xi32, #tpu.memory_space<vmem>> -> memref<128xi32, #tpu.memory_space<vmem>>
      %dma_wait3A_112 = arith.constant 0 : i32
      %dma_wait3A_113 = arith.constant 0 : i32
      %dma_wait3A_114 = tpu.memref_slice %arg11[%dma_wait3A_112, %dma_wait3A_113] : memref<10240x16xf32, #tpu.memory_space<vmem_shared>> -> memref<10240x16xf32, #tpu.memory_space<vmem_shared>>
      tpu.wait_indirect_dma semaphore(%arg17 : memref<!tpu.dma_semaphore, #tpu.memory_space<semaphore_mem>>) src(%dma_wait3A_114 : memref<10240x16xf32, #tpu.memory_space<vmem_shared>>) dst(%arg13 : memref<128x16xf32, #tpu.memory_space<vmem>>)
      "tpu.region"() ({
        %run_scoped3A = tpu.sem_alloc : memref<!tpu.dma_semaphore, #tpu.memory_space<semaphore_mem>>
        %dma_start3A_152 = arith.constant 0 : i32
        %dma_start3A_153 = tpu.memref_slice %arg9[%add3A_108, %dma_start3A_152] : memref<80x128xi32, #tpu.memory_space<vmem>> -> memref<1x128xi32, #tpu.memory_space<vmem>>
        %dma_start3A_154 = tpu.memref_squeeze %dma_start3A_153 : memref<1x128xi32, #tpu.memory_space<vmem>> -> memref<128xi32, #tpu.memory_space<vmem>>
        %dma_start3A_155 = arith.constant 0 : i32
        %dma_start3A_156 = arith.constant 0 : i32
        %dma_start3A_157 = tpu.memref_slice %arg10[%dma_start3A_155, %dma_start3A_156] : memref<10240x16xf32, #tpu.memory_space<vmem_shared>> -> memref<10240x16xf32, #tpu.memory_space<vmem_shared>>
        tpu.enqueue_indirect_dma source(%arg13 : memref<128x16xf32, #tpu.memory_space<vmem>>) target(%dma_start3A_157 : memref<10240x16xf32, #tpu.memory_space<vmem_shared>>) offsets(%dma_start3A_154 : memref<128xi32, #tpu.memory_space<vmem>>) semaphore(%run_scoped3A : memref<!tpu.dma_semaphore, #tpu.memory_space<semaphore_mem>>) {add = true}
        %dma_wait3A_158 = arith.constant 0 : i32
        %dma_wait3A_159 = tpu.memref_slice %arg9[%add3A_108, %dma_wait3A_158] : memref<80x128xi32, #tpu.memory_space<vmem>> -> memref<1x128xi32, #tpu.memory_space<vmem>>
        %dma_wait3A_160 = tpu.memref_squeeze %dma_wait3A_159 : memref<1x128xi32, #tpu.memory_space<vmem>> -> memref<128xi32, #tpu.memory_space<vmem>>
        %dma_wait3A_161 = arith.constant 0 : i32
        %dma_wait3A_162 = arith.constant 0 : i32
        %dma_wait3A_163 = tpu.memref_slice %arg10[%dma_wait3A_161, %dma_wait3A_162] : memref<10240x16xf32, #tpu.memory_space<vmem_shared>> -> memref<10240x16xf32, #tpu.memory_space<vmem_shared>>
        tpu.wait_indirect_dma semaphore(%run_scoped3A : memref<!tpu.dma_semaphore, #tpu.memory_space<semaphore_mem>>) src(%arg13 : memref<128x16xf32, #tpu.memory_space<vmem>>) dst(%dma_wait3A_163 : memref<10240x16xf32, #tpu.memory_space<vmem_shared>>)
        tpu.yield
      }) : () -> ()
      %add3A_115 = arith.constant 4 : i32
      %add3A_116 = arith.addi %add3A_108, %add3A_115 : i32
      %lt3A_117 = arith.constant 80 : i32
      %lt3A_118 = arith.cmpi slt, %add3A_116, %lt3A_117 : i32
      %convert_element_type3A_119 = arith.extui %lt3A_118 : i1 to i32
      %cond3A_120 = arith.constant 0 : i32
      %cond3A_121 = arith.cmpi ne, %convert_element_type3A_119, %cond3A_120 : i32
      scf.if %cond3A_121 {
        %dma_start3A_152 = arith.constant 0 : i32
        %dma_start3A_153 = tpu.memref_slice %arg8[%add3A_116, %dma_start3A_152] : memref<80x128xi32, #tpu.memory_space<vmem>> -> memref<1x128xi32, #tpu.memory_space<vmem>>
        %dma_start3A_154 = tpu.memref_squeeze %dma_start3A_153 : memref<1x128xi32, #tpu.memory_space<vmem>> -> memref<128xi32, #tpu.memory_space<vmem>>
        %dma_start3A_155 = arith.constant 0 : i32
        %dma_start3A_156 = arith.constant 0 : i32
        %dma_start3A_157 = tpu.memref_slice %arg11[%dma_start3A_155, %dma_start3A_156] : memref<10240x16xf32, #tpu.memory_space<vmem_shared>> -> memref<10240x16xf32, #tpu.memory_space<vmem_shared>>
        tpu.enqueue_indirect_dma source(%dma_start3A_157 : memref<10240x16xf32, #tpu.memory_space<vmem_shared>>) target(%arg13 : memref<128x16xf32, #tpu.memory_space<vmem>>) offsets(%dma_start3A_154 : memref<128xi32, #tpu.memory_space<vmem>>) semaphore(%arg17 : memref<!tpu.dma_semaphore, #tpu.memory_space<semaphore_mem>>)
      } else {
      }
      %add3A_122 = arith.constant 2 : i32
      %add3A_123 = arith.addi %mul3A_94, %add3A_122 : i32
      %dma_wait3A_124 = arith.constant 0 : i32
      %dma_wait3A_125 = tpu.memref_slice %arg8[%add3A_123, %dma_wait3A_124] : memref<80x128xi32, #tpu.memory_space<vmem>> -> memref<1x128xi32, #tpu.memory_space<vmem>>
      %dma_wait3A_126 = tpu.memref_squeeze %dma_wait3A_125 : memref<1x128xi32, #tpu.memory_space<vmem>> -> memref<128xi32, #tpu.memory_space<vmem>>
      %dma_wait3A_127 = arith.constant 0 : i32
      %dma_wait3A_128 = arith.constant 0 : i32
      %dma_wait3A_129 = tpu.memref_slice %arg11[%dma_wait3A_127, %dma_wait3A_128] : memref<10240x16xf32, #tpu.memory_space<vmem_shared>> -> memref<10240x16xf32, #tpu.memory_space<vmem_shared>>
      tpu.wait_indirect_dma semaphore(%arg18 : memref<!tpu.dma_semaphore, #tpu.memory_space<semaphore_mem>>) src(%dma_wait3A_129 : memref<10240x16xf32, #tpu.memory_space<vmem_shared>>) dst(%arg14 : memref<128x16xf32, #tpu.memory_space<vmem>>)
      "tpu.region"() ({
        %run_scoped3A = tpu.sem_alloc : memref<!tpu.dma_semaphore, #tpu.memory_space<semaphore_mem>>
        %dma_start3A_152 = arith.constant 0 : i32
        %dma_start3A_153 = tpu.memref_slice %arg9[%add3A_123, %dma_start3A_152] : memref<80x128xi32, #tpu.memory_space<vmem>> -> memref<1x128xi32, #tpu.memory_space<vmem>>
        %dma_start3A_154 = tpu.memref_squeeze %dma_start3A_153 : memref<1x128xi32, #tpu.memory_space<vmem>> -> memref<128xi32, #tpu.memory_space<vmem>>
        %dma_start3A_155 = arith.constant 0 : i32
        %dma_start3A_156 = arith.constant 0 : i32
        %dma_start3A_157 = tpu.memref_slice %arg10[%dma_start3A_155, %dma_start3A_156] : memref<10240x16xf32, #tpu.memory_space<vmem_shared>> -> memref<10240x16xf32, #tpu.memory_space<vmem_shared>>
        tpu.enqueue_indirect_dma source(%arg14 : memref<128x16xf32, #tpu.memory_space<vmem>>) target(%dma_start3A_157 : memref<10240x16xf32, #tpu.memory_space<vmem_shared>>) offsets(%dma_start3A_154 : memref<128xi32, #tpu.memory_space<vmem>>) semaphore(%run_scoped3A : memref<!tpu.dma_semaphore, #tpu.memory_space<semaphore_mem>>) {add = true}
        %dma_wait3A_158 = arith.constant 0 : i32
        %dma_wait3A_159 = tpu.memref_slice %arg9[%add3A_123, %dma_wait3A_158] : memref<80x128xi32, #tpu.memory_space<vmem>> -> memref<1x128xi32, #tpu.memory_space<vmem>>
        %dma_wait3A_160 = tpu.memref_squeeze %dma_wait3A_159 : memref<1x128xi32, #tpu.memory_space<vmem>> -> memref<128xi32, #tpu.memory_space<vmem>>
        %dma_wait3A_161 = arith.constant 0 : i32
        %dma_wait3A_162 = arith.constant 0 : i32
        %dma_wait3A_163 = tpu.memref_slice %arg10[%dma_wait3A_161, %dma_wait3A_162] : memref<10240x16xf32, #tpu.memory_space<vmem_shared>> -> memref<10240x16xf32, #tpu.memory_space<vmem_shared>>
        tpu.wait_indirect_dma semaphore(%run_scoped3A : memref<!tpu.dma_semaphore, #tpu.memory_space<semaphore_mem>>) src(%arg14 : memref<128x16xf32, #tpu.memory_space<vmem>>) dst(%dma_wait3A_163 : memref<10240x16xf32, #tpu.memory_space<vmem_shared>>)
        tpu.yield
      }) : () -> ()
      %add3A_130 = arith.constant 4 : i32
      %add3A_131 = arith.addi %add3A_123, %add3A_130 : i32
      %lt3A_132 = arith.constant 80 : i32
      %lt3A_133 = arith.cmpi slt, %add3A_131, %lt3A_132 : i32
      %convert_element_type3A_134 = arith.extui %lt3A_133 : i1 to i32
      %cond3A_135 = arith.constant 0 : i32
      %cond3A_136 = arith.cmpi ne, %convert_element_type3A_134, %cond3A_135 : i32
      scf.if %cond3A_136 {
        %dma_start3A_152 = arith.constant 0 : i32
        %dma_start3A_153 = tpu.memref_slice %arg8[%add3A_131, %dma_start3A_152] : memref<80x128xi32, #tpu.memory_space<vmem>> -> memref<1x128xi32, #tpu.memory_space<vmem>>
        %dma_start3A_154 = tpu.memref_squeeze %dma_start3A_153 : memref<1x128xi32, #tpu.memory_space<vmem>> -> memref<128xi32, #tpu.memory_space<vmem>>
        %dma_start3A_155 = arith.constant 0 : i32
        %dma_start3A_156 = arith.constant 0 : i32
        %dma_start3A_157 = tpu.memref_slice %arg11[%dma_start3A_155, %dma_start3A_156] : memref<10240x16xf32, #tpu.memory_space<vmem_shared>> -> memref<10240x16xf32, #tpu.memory_space<vmem_shared>>
        tpu.enqueue_indirect_dma source(%dma_start3A_157 : memref<10240x16xf32, #tpu.memory_space<vmem_shared>>) target(%arg14 : memref<128x16xf32, #tpu.memory_space<vmem>>) offsets(%dma_start3A_154 : memref<128xi32, #tpu.memory_space<vmem>>) semaphore(%arg18 : memref<!tpu.dma_semaphore, #tpu.memory_space<semaphore_mem>>)
      } else {
      }
      %add3A_137 = arith.constant 3 : i32
      %add3A_138 = arith.addi %mul3A_94, %add3A_137 : i32
      %dma_wait3A_139 = arith.constant 0 : i32
      %dma_wait3A_140 = tpu.memref_slice %arg8[%add3A_138, %dma_wait3A_139] : memref<80x128xi32, #tpu.memory_space<vmem>> -> memref<1x128xi32, #tpu.memory_space<vmem>>
      %dma_wait3A_141 = tpu.memref_squeeze %dma_wait3A_140 : memref<1x128xi32, #tpu.memory_space<vmem>> -> memref<128xi32, #tpu.memory_space<vmem>>
      %dma_wait3A_142 = arith.constant 0 : i32
      %dma_wait3A_143 = arith.constant 0 : i32
      %dma_wait3A_144 = tpu.memref_slice %arg11[%dma_wait3A_142, %dma_wait3A_143] : memref<10240x16xf32, #tpu.memory_space<vmem_shared>> -> memref<10240x16xf32, #tpu.memory_space<vmem_shared>>
      tpu.wait_indirect_dma semaphore(%arg19 : memref<!tpu.dma_semaphore, #tpu.memory_space<semaphore_mem>>) src(%dma_wait3A_144 : memref<10240x16xf32, #tpu.memory_space<vmem_shared>>) dst(%arg15 : memref<128x16xf32, #tpu.memory_space<vmem>>)
      "tpu.region"() ({
        %run_scoped3A = tpu.sem_alloc : memref<!tpu.dma_semaphore, #tpu.memory_space<semaphore_mem>>
        %dma_start3A_152 = arith.constant 0 : i32
        %dma_start3A_153 = tpu.memref_slice %arg9[%add3A_138, %dma_start3A_152] : memref<80x128xi32, #tpu.memory_space<vmem>> -> memref<1x128xi32, #tpu.memory_space<vmem>>
        %dma_start3A_154 = tpu.memref_squeeze %dma_start3A_153 : memref<1x128xi32, #tpu.memory_space<vmem>> -> memref<128xi32, #tpu.memory_space<vmem>>
        %dma_start3A_155 = arith.constant 0 : i32
        %dma_start3A_156 = arith.constant 0 : i32
        %dma_start3A_157 = tpu.memref_slice %arg10[%dma_start3A_155, %dma_start3A_156] : memref<10240x16xf32, #tpu.memory_space<vmem_shared>> -> memref<10240x16xf32, #tpu.memory_space<vmem_shared>>
        tpu.enqueue_indirect_dma source(%arg15 : memref<128x16xf32, #tpu.memory_space<vmem>>) target(%dma_start3A_157 : memref<10240x16xf32, #tpu.memory_space<vmem_shared>>) offsets(%dma_start3A_154 : memref<128xi32, #tpu.memory_space<vmem>>) semaphore(%run_scoped3A : memref<!tpu.dma_semaphore, #tpu.memory_space<semaphore_mem>>) {add = true}
        %dma_wait3A_158 = arith.constant 0 : i32
        %dma_wait3A_159 = tpu.memref_slice %arg9[%add3A_138, %dma_wait3A_158] : memref<80x128xi32, #tpu.memory_space<vmem>> -> memref<1x128xi32, #tpu.memory_space<vmem>>
        %dma_wait3A_160 = tpu.memref_squeeze %dma_wait3A_159 : memref<1x128xi32, #tpu.memory_space<vmem>> -> memref<128xi32, #tpu.memory_space<vmem>>
        %dma_wait3A_161 = arith.constant 0 : i32
        %dma_wait3A_162 = arith.constant 0 : i32
        %dma_wait3A_163 = tpu.memref_slice %arg10[%dma_wait3A_161, %dma_wait3A_162] : memref<10240x16xf32, #tpu.memory_space<vmem_shared>> -> memref<10240x16xf32, #tpu.memory_space<vmem_shared>>
        tpu.wait_indirect_dma semaphore(%run_scoped3A : memref<!tpu.dma_semaphore, #tpu.memory_space<semaphore_mem>>) src(%arg15 : memref<128x16xf32, #tpu.memory_space<vmem>>) dst(%dma_wait3A_163 : memref<10240x16xf32, #tpu.memory_space<vmem_shared>>)
        tpu.yield
      }) : () -> ()
      %add3A_145 = arith.constant 4 : i32
      %add3A_146 = arith.addi %add3A_138, %add3A_145 : i32
      %lt3A_147 = arith.constant 80 : i32
      %lt3A_148 = arith.cmpi slt, %add3A_146, %lt3A_147 : i32
      %convert_element_type3A_149 = arith.extui %lt3A_148 : i1 to i32
      %cond3A_150 = arith.constant 0 : i32
      %cond3A_151 = arith.cmpi ne, %convert_element_type3A_149, %cond3A_150 : i32
      scf.if %cond3A_151 {
        %dma_start3A_152 = arith.constant 0 : i32
        %dma_start3A_153 = tpu.memref_slice %arg8[%add3A_146, %dma_start3A_152] : memref<80x128xi32, #tpu.memory_space<vmem>> -> memref<1x128xi32, #tpu.memory_space<vmem>>
        %dma_start3A_154 = tpu.memref_squeeze %dma_start3A_153 : memref<1x128xi32, #tpu.memory_space<vmem>> -> memref<128xi32, #tpu.memory_space<vmem>>
        %dma_start3A_155 = arith.constant 0 : i32
        %dma_start3A_156 = arith.constant 0 : i32
        %dma_start3A_157 = tpu.memref_slice %arg11[%dma_start3A_155, %dma_start3A_156] : memref<10240x16xf32, #tpu.memory_space<vmem_shared>> -> memref<10240x16xf32, #tpu.memory_space<vmem_shared>>
        tpu.enqueue_indirect_dma source(%dma_start3A_157 : memref<10240x16xf32, #tpu.memory_space<vmem_shared>>) target(%arg15 : memref<128x16xf32, #tpu.memory_space<vmem>>) offsets(%dma_start3A_154 : memref<128xi32, #tpu.memory_space<vmem>>) semaphore(%arg19 : memref<!tpu.dma_semaphore, #tpu.memory_space<semaphore_mem>>)
      } else {
      }
    }
    %scan3A_76 = arith.constant 20 : i32
    %barrier3A_77 = arith.constant 0 : index
    tpu.barrier barrier_id(%barrier3A_77)
    %dma_start3A_78 = arith.constant 0 : i32
    %dma_start3A_79 = tpu.memref_slice %arg7[%arg0, %mul3A_2, %dma_start3A_78] : memref<2x10240x16xf32, #tpu.memory_space<hbm>> -> memref<1x640x16xf32, #tpu.memory_space<hbm>>
    %dma_start3A_80 = tpu.memref_squeeze %dma_start3A_79 : memref<1x640x16xf32, #tpu.memory_space<hbm>> -> memref<640x16xf32, #tpu.memory_space<hbm>>
    %dma_start3A_81 = arith.constant 0 : i32
    %dma_start3A_82 = tpu.memref_slice %arg10[%mul3A_2, %dma_start3A_81] : memref<10240x16xf32, #tpu.memory_space<vmem_shared>> -> memref<640x16xf32, #tpu.memory_space<vmem_shared>>
    tpu.enqueue_dma source(%dma_start3A_82 : memref<640x16xf32, #tpu.memory_space<vmem_shared>>) target(%dma_start3A_80 : memref<640x16xf32, #tpu.memory_space<hbm>>) target_semaphore(%arg20 : memref<!tpu.dma_semaphore, #tpu.memory_space<semaphore_mem>>)
    %dma_wait3A_83 = arith.constant 0 : i32
    %dma_wait3A_84 = tpu.memref_slice %arg7[%arg0, %mul3A_2, %dma_wait3A_83] : memref<2x10240x16xf32, #tpu.memory_space<hbm>> -> memref<1x640x16xf32, #tpu.memory_space<hbm>>
    %dma_wait3A_85 = tpu.memref_squeeze %dma_wait3A_84 : memref<1x640x16xf32, #tpu.memory_space<hbm>> -> memref<640x16xf32, #tpu.memory_space<hbm>>
    %dma_wait3A_86 = arith.constant 0 : i32
    %dma_wait3A_87 = tpu.memref_slice %arg10[%mul3A_2, %dma_wait3A_86] : memref<10240x16xf32, #tpu.memory_space<vmem_shared>> -> memref<640x16xf32, #tpu.memory_space<vmem_shared>>
    tpu.wait_dma2 semaphore(%arg20 : memref<!tpu.dma_semaphore, #tpu.memory_space<semaphore_mem>>) src(%dma_wait3A_87 : memref<640x16xf32, #tpu.memory_space<vmem_shared>>) dst(%dma_wait3A_85 : memref<640x16xf32, #tpu.memory_space<hbm>>)
    return
  }
}

#map = affine_map<(d0, d1) -> (0, 0)>
#map1 = affine_map<(d0, d1) -> (0, 0, 0)>
module attributes {stable_mosaic.version = 14 : i64} {
  func.func @body(%arg0: i32, %arg1: i32, %arg2: memref<10240x16xf32, #tpu.memory_space<hbm>>, %arg3: memref<32x80x128xi32, #tpu.memory_space<hbm>>, %arg4: memref<32x80x128xi32, #tpu.memory_space<hbm>>, %arg5: memref<640x16xf32, #tpu.memory_space<hbm>>, %arg6: memref<128x16xf32, #tpu.memory_space<hbm>>, %arg7: memref<2x10240x16xf32, #tpu.memory_space<hbm>>, %arg8: memref<2x10240x16xf32, #tpu.memory_space<hbm>>, %arg9: memref<80x128xi32, #tpu.memory_space<vmem>>, %arg10: memref<80x128xi32, #tpu.memory_space<vmem>>, %arg11: memref<10240x16xf32, #tpu.memory_space<vmem_shared>>, %arg12: memref<10240x16xf32, #tpu.memory_space<vmem_shared>>, %arg13: memref<128x16xf32, #tpu.memory_space<vmem>>, %arg14: memref<128x16xf32, #tpu.memory_space<vmem>>, %arg15: memref<128x16xf32, #tpu.memory_space<vmem>>, %arg16: memref<128x16xf32, #tpu.memory_space<vmem>>, %arg17: memref<!tpu.dma_semaphore, #tpu.memory_space<semaphore_mem>>, %arg18: memref<!tpu.dma_semaphore, #tpu.memory_space<semaphore_mem>>, %arg19: memref<!tpu.dma_semaphore, #tpu.memory_space<semaphore_mem>>, %arg20: memref<!tpu.dma_semaphore, #tpu.memory_space<semaphore_mem>>, %arg21: memref<!tpu.dma_semaphore, #tpu.memory_space<semaphore_mem>>, %arg22: memref<!tpu.dma_semaphore, #tpu.memory_space<semaphore_mem>>, %arg23: memref<!tpu.dma_semaphore, #tpu.memory_space<semaphore_mem>>, %arg24: memref<!tpu.dma_semaphore, #tpu.memory_space<semaphore_mem>>, %arg25: memref<!tpu.dma_semaphore, #tpu.memory_space<semaphore_mem>>, %arg26: memref<!tpu.dma_semaphore, #tpu.memory_space<semaphore_mem>>, %arg27: memref<128x16xf32, #tpu.memory_space<vmem>>, %arg28: memref<10240x16xf32, #tpu.memory_space<vmem_shared>>) attributes {dimension_semantics = [#tpu.dimension_semantics<core_parallel>, #tpu.dimension_semantics<subcore_parallel>], iteration_bounds = array<i64: 2, 16>, scalar_prefetch = 0 : i64, scratch_operands = 20 : i64, tpu.core_type = #tpu.core_type<sc_vector_subcore>, window_params = [{transform_indices = #map}, {transform_indices = #map1}, {transform_indices = #map1}, {transform_indices = #map}, {transform_indices = #map}, {transform_indices = #map1}, {transform_indices = #map1}]} {
    %mul3A = arith.constant 16 : i32
    %mul3A_0 = arith.muli %arg0, %mul3A : i32
    %add3A = arith.addi %mul3A_0, %arg1 : i32
    %mul3A_1 = arith.constant 640 : i32
    %mul3A_2 = arith.muli %arg1, %mul3A_1 : i32
    %dma_start3A = arith.constant 0 : i32
    %dma_start3A_3 = tpu.memref_slice %arg11[%mul3A_2, %dma_start3A] : memref<10240x16xf32, #tpu.memory_space<vmem_shared>> -> memref<640x16xf32, #tpu.memory_space<vmem_shared>>
    tpu.enqueue_dma source(%arg5 : memref<640x16xf32, #tpu.memory_space<hbm>>) target(%dma_start3A_3 : memref<640x16xf32, #tpu.memory_space<vmem_shared>>) target_semaphore(%arg21 : memref<!tpu.dma_semaphore, #tpu.memory_space<semaphore_mem>>)
    %dma_start3A_4 = arith.constant 0 : i32
    %dma_start3A_5 = tpu.memref_slice %arg12[%mul3A_2, %dma_start3A_4] : memref<10240x16xf32, #tpu.memory_space<vmem_shared>> -> memref<640x16xf32, #tpu.memory_space<vmem_shared>>
    %dma_start3A_6 = arith.constant 0 : i32
    %dma_start3A_7 = tpu.memref_slice %arg2[%mul3A_2, %dma_start3A_6] : memref<10240x16xf32, #tpu.memory_space<hbm>> -> memref<640x16xf32, #tpu.memory_space<hbm>>
    tpu.enqueue_dma source(%dma_start3A_7 : memref<640x16xf32, #tpu.memory_space<hbm>>) target(%dma_start3A_5 : memref<640x16xf32, #tpu.memory_space<vmem_shared>>) target_semaphore(%arg22 : memref<!tpu.dma_semaphore, #tpu.memory_space<semaphore_mem>>)
    %dma_start3A_8 = arith.constant 0 : i32
    %dma_start3A_9 = arith.constant 0 : i32
    %dma_start3A_10 = tpu.memref_slice %arg3[%add3A, %dma_start3A_8, %dma_start3A_9] : memref<32x80x128xi32, #tpu.memory_space<hbm>> -> memref<1x80x128xi32, #tpu.memory_space<hbm>>
    %dma_start3A_11 = tpu.memref_squeeze %dma_start3A_10 : memref<1x80x128xi32, #tpu.memory_space<hbm>> -> memref<80x128xi32, #tpu.memory_space<hbm>>
    %dma_start3A_12 = arith.constant 0 : i32
    %dma_start3A_13 = arith.constant 0 : i32
    %dma_start3A_14 = tpu.memref_slice %arg3[%add3A, %dma_start3A_12, %dma_start3A_13] : memref<32x80x128xi32, #tpu.memory_space<hbm>> -> memref<1x80x128xi32, #tpu.memory_space<hbm>>
    %dma_start3A_15 = tpu.memref_squeeze %dma_start3A_14 : memref<1x80x128xi32, #tpu.memory_space<hbm>> -> memref<80x128xi32, #tpu.memory_space<hbm>>
    tpu.enqueue_dma source(%dma_start3A_15 : memref<80x128xi32, #tpu.memory_space<hbm>>) target(%arg9 : memref<80x128xi32, #tpu.memory_space<vmem>>) target_semaphore(%arg23 : memref<!tpu.dma_semaphore, #tpu.memory_space<semaphore_mem>>)
    %dma_start3A_16 = arith.constant 0 : i32
    %dma_start3A_17 = arith.constant 0 : i32
    %dma_start3A_18 = tpu.memref_slice %arg4[%add3A, %dma_start3A_16, %dma_start3A_17] : memref<32x80x128xi32, #tpu.memory_space<hbm>> -> memref<1x80x128xi32, #tpu.memory_space<hbm>>
    %dma_start3A_19 = tpu.memref_squeeze %dma_start3A_18 : memref<1x80x128xi32, #tpu.memory_space<hbm>> -> memref<80x128xi32, #tpu.memory_space<hbm>>
    %dma_start3A_20 = arith.constant 0 : i32
    %dma_start3A_21 = arith.constant 0 : i32
    %dma_start3A_22 = tpu.memref_slice %arg4[%add3A, %dma_start3A_20, %dma_start3A_21] : memref<32x80x128xi32, #tpu.memory_space<hbm>> -> memref<1x80x128xi32, #tpu.memory_space<hbm>>
    %dma_start3A_23 = tpu.memref_squeeze %dma_start3A_22 : memref<1x80x128xi32, #tpu.memory_space<hbm>> -> memref<80x128xi32, #tpu.memory_space<hbm>>
    tpu.enqueue_dma source(%dma_start3A_23 : memref<80x128xi32, #tpu.memory_space<hbm>>) target(%arg10 : memref<80x128xi32, #tpu.memory_space<vmem>>) target_semaphore(%arg24 : memref<!tpu.dma_semaphore, #tpu.memory_space<semaphore_mem>>)
    %dma_start3A_24 = arith.constant 0 : i32
    %dma_start3A_25 = tpu.memref_slice %arg28[%mul3A_2, %dma_start3A_24] : memref<10240x16xf32, #tpu.memory_space<vmem_shared>> -> memref<640x16xf32, #tpu.memory_space<vmem_shared>>
    tpu.enqueue_dma source(%arg5 : memref<640x16xf32, #tpu.memory_space<hbm>>) target(%dma_start3A_25 : memref<640x16xf32, #tpu.memory_space<vmem_shared>>) target_semaphore(%arg25 : memref<!tpu.dma_semaphore, #tpu.memory_space<semaphore_mem>>)
    tpu.enqueue_dma source(%arg6 : memref<128x16xf32, #tpu.memory_space<hbm>>) target(%arg27 : memref<128x16xf32, #tpu.memory_space<vmem>>) target_semaphore(%arg26 : memref<!tpu.dma_semaphore, #tpu.memory_space<semaphore_mem>>)
    %dma_wait3A = arith.constant 0 : i32
    %dma_wait3A_26 = tpu.memref_slice %arg11[%mul3A_2, %dma_wait3A] : memref<10240x16xf32, #tpu.memory_space<vmem_shared>> -> memref<640x16xf32, #tpu.memory_space<vmem_shared>>
    tpu.wait_dma2 semaphore(%arg21 : memref<!tpu.dma_semaphore, #tpu.memory_space<semaphore_mem>>) src(%arg5 : memref<640x16xf32, #tpu.memory_space<hbm>>) dst(%dma_wait3A_26 : memref<640x16xf32, #tpu.memory_space<vmem_shared>>)
    %dma_wait3A_27 = arith.constant 0 : i32
    %dma_wait3A_28 = tpu.memref_slice %arg12[%mul3A_2, %dma_wait3A_27] : memref<10240x16xf32, #tpu.memory_space<vmem_shared>> -> memref<640x16xf32, #tpu.memory_space<vmem_shared>>
    %dma_wait3A_29 = arith.constant 0 : i32
    %dma_wait3A_30 = tpu.memref_slice %arg2[%mul3A_2, %dma_wait3A_29] : memref<10240x16xf32, #tpu.memory_space<hbm>> -> memref<640x16xf32, #tpu.memory_space<hbm>>
    tpu.wait_dma2 semaphore(%arg22 : memref<!tpu.dma_semaphore, #tpu.memory_space<semaphore_mem>>) src(%dma_wait3A_30 : memref<640x16xf32, #tpu.memory_space<hbm>>) dst(%dma_wait3A_28 : memref<640x16xf32, #tpu.memory_space<vmem_shared>>)
    %dma_wait3A_31 = arith.constant 0 : i32
    %dma_wait3A_32 = arith.constant 0 : i32
    %dma_wait3A_33 = tpu.memref_slice %arg3[%add3A, %dma_wait3A_31, %dma_wait3A_32] : memref<32x80x128xi32, #tpu.memory_space<hbm>> -> memref<1x80x128xi32, #tpu.memory_space<hbm>>
    %dma_wait3A_34 = tpu.memref_squeeze %dma_wait3A_33 : memref<1x80x128xi32, #tpu.memory_space<hbm>> -> memref<80x128xi32, #tpu.memory_space<hbm>>
    %dma_wait3A_35 = arith.constant 0 : i32
    %dma_wait3A_36 = arith.constant 0 : i32
    %dma_wait3A_37 = tpu.memref_slice %arg3[%add3A, %dma_wait3A_35, %dma_wait3A_36] : memref<32x80x128xi32, #tpu.memory_space<hbm>> -> memref<1x80x128xi32, #tpu.memory_space<hbm>>
    %dma_wait3A_38 = tpu.memref_squeeze %dma_wait3A_37 : memref<1x80x128xi32, #tpu.memory_space<hbm>> -> memref<80x128xi32, #tpu.memory_space<hbm>>
    tpu.wait_dma2 semaphore(%arg23 : memref<!tpu.dma_semaphore, #tpu.memory_space<semaphore_mem>>) src(%dma_wait3A_38 : memref<80x128xi32, #tpu.memory_space<hbm>>) dst(%arg9 : memref<80x128xi32, #tpu.memory_space<vmem>>)
    %dma_wait3A_39 = arith.constant 0 : i32
    %dma_wait3A_40 = arith.constant 0 : i32
    %dma_wait3A_41 = tpu.memref_slice %arg4[%add3A, %dma_wait3A_39, %dma_wait3A_40] : memref<32x80x128xi32, #tpu.memory_space<hbm>> -> memref<1x80x128xi32, #tpu.memory_space<hbm>>
    %dma_wait3A_42 = tpu.memref_squeeze %dma_wait3A_41 : memref<1x80x128xi32, #tpu.memory_space<hbm>> -> memref<80x128xi32, #tpu.memory_space<hbm>>
    %dma_wait3A_43 = arith.constant 0 : i32
    %dma_wait3A_44 = arith.constant 0 : i32
    %dma_wait3A_45 = tpu.memref_slice %arg4[%add3A, %dma_wait3A_43, %dma_wait3A_44] : memref<32x80x128xi32, #tpu.memory_space<hbm>> -> memref<1x80x128xi32, #tpu.memory_space<hbm>>
    %dma_wait3A_46 = tpu.memref_squeeze %dma_wait3A_45 : memref<1x80x128xi32, #tpu.memory_space<hbm>> -> memref<80x128xi32, #tpu.memory_space<hbm>>
    tpu.wait_dma2 semaphore(%arg24 : memref<!tpu.dma_semaphore, #tpu.memory_space<semaphore_mem>>) src(%dma_wait3A_46 : memref<80x128xi32, #tpu.memory_space<hbm>>) dst(%arg10 : memref<80x128xi32, #tpu.memory_space<vmem>>)
    %dma_wait3A_47 = arith.constant 0 : i32
    %dma_wait3A_48 = tpu.memref_slice %arg28[%mul3A_2, %dma_wait3A_47] : memref<10240x16xf32, #tpu.memory_space<vmem_shared>> -> memref<640x16xf32, #tpu.memory_space<vmem_shared>>
    tpu.wait_dma2 semaphore(%arg25 : memref<!tpu.dma_semaphore, #tpu.memory_space<semaphore_mem>>) src(%arg5 : memref<640x16xf32, #tpu.memory_space<hbm>>) dst(%dma_wait3A_48 : memref<640x16xf32, #tpu.memory_space<vmem_shared>>)
    tpu.wait_dma2 semaphore(%arg26 : memref<!tpu.dma_semaphore, #tpu.memory_space<semaphore_mem>>) src(%arg6 : memref<128x16xf32, #tpu.memory_space<hbm>>) dst(%arg27 : memref<128x16xf32, #tpu.memory_space<vmem>>)
    %barrier3A = arith.constant 0 : index
    tpu.barrier barrier_id(%barrier3A)
    %dma_start3A_49 = arith.constant 0 : i32
    %dma_start3A_50 = arith.constant 0 : i32
    %dma_start3A_51 = tpu.memref_slice %arg9[%dma_start3A_49, %dma_start3A_50] : memref<80x128xi32, #tpu.memory_space<vmem>> -> memref<1x128xi32, #tpu.memory_space<vmem>>
    %dma_start3A_52 = tpu.memref_squeeze %dma_start3A_51 : memref<1x128xi32, #tpu.memory_space<vmem>> -> memref<128xi32, #tpu.memory_space<vmem>>
    %dma_start3A_53 = arith.constant 0 : i32
    %dma_start3A_54 = arith.constant 0 : i32
    %dma_start3A_55 = tpu.memref_slice %arg12[%dma_start3A_53, %dma_start3A_54] : memref<10240x16xf32, #tpu.memory_space<vmem_shared>> -> memref<10240x16xf32, #tpu.memory_space<vmem_shared>>
    tpu.enqueue_indirect_dma source(%dma_start3A_55 : memref<10240x16xf32, #tpu.memory_space<vmem_shared>>) target(%arg13 : memref<128x16xf32, #tpu.memory_space<vmem>>) offsets(%dma_start3A_52 : memref<128xi32, #tpu.memory_space<vmem>>) semaphore(%arg17 : memref<!tpu.dma_semaphore, #tpu.memory_space<semaphore_mem>>)
    %dma_start3A_56 = arith.constant 1 : i32
    %dma_start3A_57 = arith.constant 0 : i32
    %dma_start3A_58 = tpu.memref_slice %arg9[%dma_start3A_56, %dma_start3A_57] : memref<80x128xi32, #tpu.memory_space<vmem>> -> memref<1x128xi32, #tpu.memory_space<vmem>>
    %dma_start3A_59 = tpu.memref_squeeze %dma_start3A_58 : memref<1x128xi32, #tpu.memory_space<vmem>> -> memref<128xi32, #tpu.memory_space<vmem>>
    %dma_start3A_60 = arith.constant 0 : i32
    %dma_start3A_61 = arith.constant 0 : i32
    %dma_start3A_62 = tpu.memref_slice %arg12[%dma_start3A_60, %dma_start3A_61] : memref<10240x16xf32, #tpu.memory_space<vmem_shared>> -> memref<10240x16xf32, #tpu.memory_space<vmem_shared>>
    tpu.enqueue_indirect_dma source(%dma_start3A_62 : memref<10240x16xf32, #tpu.memory_space<vmem_shared>>) target(%arg14 : memref<128x16xf32, #tpu.memory_space<vmem>>) offsets(%dma_start3A_59 : memref<128xi32, #tpu.memory_space<vmem>>) semaphore(%arg18 : memref<!tpu.dma_semaphore, #tpu.memory_space<semaphore_mem>>)
    %dma_start3A_63 = arith.constant 2 : i32
    %dma_start3A_64 = arith.constant 0 : i32
    %dma_start3A_65 = tpu.memref_slice %arg9[%dma_start3A_63, %dma_start3A_64] : memref<80x128xi32, #tpu.memory_space<vmem>> -> memref<1x128xi32, #tpu.memory_space<vmem>>
    %dma_start3A_66 = tpu.memref_squeeze %dma_start3A_65 : memref<1x128xi32, #tpu.memory_space<vmem>> -> memref<128xi32, #tpu.memory_space<vmem>>
    %dma_start3A_67 = arith.constant 0 : i32
    %dma_start3A_68 = arith.constant 0 : i32
    %dma_start3A_69 = tpu.memref_slice %arg12[%dma_start3A_67, %dma_start3A_68] : memref<10240x16xf32, #tpu.memory_space<vmem_shared>> -> memref<10240x16xf32, #tpu.memory_space<vmem_shared>>
    tpu.enqueue_indirect_dma source(%dma_start3A_69 : memref<10240x16xf32, #tpu.memory_space<vmem_shared>>) target(%arg15 : memref<128x16xf32, #tpu.memory_space<vmem>>) offsets(%dma_start3A_66 : memref<128xi32, #tpu.memory_space<vmem>>) semaphore(%arg19 : memref<!tpu.dma_semaphore, #tpu.memory_space<semaphore_mem>>)
    %dma_start3A_70 = arith.constant 3 : i32
    %dma_start3A_71 = arith.constant 0 : i32
    %dma_start3A_72 = tpu.memref_slice %arg9[%dma_start3A_70, %dma_start3A_71] : memref<80x128xi32, #tpu.memory_space<vmem>> -> memref<1x128xi32, #tpu.memory_space<vmem>>
    %dma_start3A_73 = tpu.memref_squeeze %dma_start3A_72 : memref<1x128xi32, #tpu.memory_space<vmem>> -> memref<128xi32, #tpu.memory_space<vmem>>
    %dma_start3A_74 = arith.constant 0 : i32
    %dma_start3A_75 = arith.constant 0 : i32
    %dma_start3A_76 = tpu.memref_slice %arg12[%dma_start3A_74, %dma_start3A_75] : memref<10240x16xf32, #tpu.memory_space<vmem_shared>> -> memref<10240x16xf32, #tpu.memory_space<vmem_shared>>
    tpu.enqueue_indirect_dma source(%dma_start3A_76 : memref<10240x16xf32, #tpu.memory_space<vmem_shared>>) target(%arg16 : memref<128x16xf32, #tpu.memory_space<vmem>>) offsets(%dma_start3A_73 : memref<128xi32, #tpu.memory_space<vmem>>) semaphore(%arg20 : memref<!tpu.dma_semaphore, #tpu.memory_space<semaphore_mem>>)
    %scan3A = arith.constant 0 : i32
    %scan3A_77 = arith.constant 20 : i32
    %scan3A_78 = arith.addi %scan3A, %scan3A_77 : i32
    %scan3A_79 = arith.constant 1 : i32
    scf.for %scan3A_102 = %scan3A to %scan3A_78 step %scan3A_79  : i32 {
      %mul3A_103 = arith.constant 1 : i32
      %mul3A_104 = arith.muli %scan3A_102, %mul3A_103 : i32
      %add3A_105 = arith.constant 0 : i32
      %add3A_106 = arith.addi %add3A_105, %mul3A_104 : i32
      %mul3A_107 = arith.constant 4 : i32
      %mul3A_108 = arith.muli %add3A_106, %mul3A_107 : i32
      %add3A_109 = arith.constant 0 : i32
      %add3A_110 = arith.addi %mul3A_108, %add3A_109 : i32
      %dma_wait3A_111 = arith.constant 0 : i32
      %dma_wait3A_112 = tpu.memref_slice %arg9[%add3A_110, %dma_wait3A_111] : memref<80x128xi32, #tpu.memory_space<vmem>> -> memref<1x128xi32, #tpu.memory_space<vmem>>
      %dma_wait3A_113 = tpu.memref_squeeze %dma_wait3A_112 : memref<1x128xi32, #tpu.memory_space<vmem>> -> memref<128xi32, #tpu.memory_space<vmem>>
      %dma_wait3A_114 = arith.constant 0 : i32
      %dma_wait3A_115 = arith.constant 0 : i32
      %dma_wait3A_116 = tpu.memref_slice %arg12[%dma_wait3A_114, %dma_wait3A_115] : memref<10240x16xf32, #tpu.memory_space<vmem_shared>> -> memref<10240x16xf32, #tpu.memory_space<vmem_shared>>
      tpu.wait_indirect_dma semaphore(%arg17 : memref<!tpu.dma_semaphore, #tpu.memory_space<semaphore_mem>>) src(%dma_wait3A_116 : memref<10240x16xf32, #tpu.memory_space<vmem_shared>>) dst(%arg13 : memref<128x16xf32, #tpu.memory_space<vmem>>)
      "tpu.region"() ({
        %run_scoped3A = tpu.sem_alloc : memref<!tpu.dma_semaphore, #tpu.memory_space<semaphore_mem>>
        %dma_start3A_166 = arith.constant 0 : i32
        %dma_start3A_167 = tpu.memref_slice %arg10[%add3A_110, %dma_start3A_166] : memref<80x128xi32, #tpu.memory_space<vmem>> -> memref<1x128xi32, #tpu.memory_space<vmem>>
        %dma_start3A_168 = tpu.memref_squeeze %dma_start3A_167 : memref<1x128xi32, #tpu.memory_space<vmem>> -> memref<128xi32, #tpu.memory_space<vmem>>
        %dma_start3A_169 = arith.constant 0 : i32
        %dma_start3A_170 = arith.constant 0 : i32
        %dma_start3A_171 = tpu.memref_slice %arg11[%dma_start3A_169, %dma_start3A_170] : memref<10240x16xf32, #tpu.memory_space<vmem_shared>> -> memref<10240x16xf32, #tpu.memory_space<vmem_shared>>
        tpu.enqueue_indirect_dma source(%arg13 : memref<128x16xf32, #tpu.memory_space<vmem>>) target(%dma_start3A_171 : memref<10240x16xf32, #tpu.memory_space<vmem_shared>>) offsets(%dma_start3A_168 : memref<128xi32, #tpu.memory_space<vmem>>) semaphore(%run_scoped3A : memref<!tpu.dma_semaphore, #tpu.memory_space<semaphore_mem>>) {add = true}
        %dma_wait3A_172 = arith.constant 0 : i32
        %dma_wait3A_173 = tpu.memref_slice %arg10[%add3A_110, %dma_wait3A_172] : memref<80x128xi32, #tpu.memory_space<vmem>> -> memref<1x128xi32, #tpu.memory_space<vmem>>
        %dma_wait3A_174 = tpu.memref_squeeze %dma_wait3A_173 : memref<1x128xi32, #tpu.memory_space<vmem>> -> memref<128xi32, #tpu.memory_space<vmem>>
        %dma_wait3A_175 = arith.constant 0 : i32
        %dma_wait3A_176 = arith.constant 0 : i32
        %dma_wait3A_177 = tpu.memref_slice %arg11[%dma_wait3A_175, %dma_wait3A_176] : memref<10240x16xf32, #tpu.memory_space<vmem_shared>> -> memref<10240x16xf32, #tpu.memory_space<vmem_shared>>
        tpu.wait_indirect_dma semaphore(%run_scoped3A : memref<!tpu.dma_semaphore, #tpu.memory_space<semaphore_mem>>) src(%arg13 : memref<128x16xf32, #tpu.memory_space<vmem>>) dst(%dma_wait3A_177 : memref<10240x16xf32, #tpu.memory_space<vmem_shared>>)
        tpu.yield
      }) : () -> ()
      "tpu.region"() ({
        %run_scoped3A = tpu.sem_alloc : memref<!tpu.dma_semaphore, #tpu.memory_space<semaphore_mem>>
        %dma_start3A_166 = arith.constant 0 : i32
        %dma_start3A_167 = tpu.memref_slice %arg10[%add3A_110, %dma_start3A_166] : memref<80x128xi32, #tpu.memory_space<vmem>> -> memref<1x128xi32, #tpu.memory_space<vmem>>
        %dma_start3A_168 = tpu.memref_squeeze %dma_start3A_167 : memref<1x128xi32, #tpu.memory_space<vmem>> -> memref<128xi32, #tpu.memory_space<vmem>>
        %dma_start3A_169 = arith.constant 0 : i32
        %dma_start3A_170 = arith.constant 0 : i32
        %dma_start3A_171 = tpu.memref_slice %arg28[%dma_start3A_169, %dma_start3A_170] : memref<10240x16xf32, #tpu.memory_space<vmem_shared>> -> memref<10240x16xf32, #tpu.memory_space<vmem_shared>>
        tpu.enqueue_indirect_dma source(%arg27 : memref<128x16xf32, #tpu.memory_space<vmem>>) target(%dma_start3A_171 : memref<10240x16xf32, #tpu.memory_space<vmem_shared>>) offsets(%dma_start3A_168 : memref<128xi32, #tpu.memory_space<vmem>>) semaphore(%run_scoped3A : memref<!tpu.dma_semaphore, #tpu.memory_space<semaphore_mem>>) {add = true}
        %dma_wait3A_172 = arith.constant 0 : i32
        %dma_wait3A_173 = tpu.memref_slice %arg10[%add3A_110, %dma_wait3A_172] : memref<80x128xi32, #tpu.memory_space<vmem>> -> memref<1x128xi32, #tpu.memory_space<vmem>>
        %dma_wait3A_174 = tpu.memref_squeeze %dma_wait3A_173 : memref<1x128xi32, #tpu.memory_space<vmem>> -> memref<128xi32, #tpu.memory_space<vmem>>
        %dma_wait3A_175 = arith.constant 0 : i32
        %dma_wait3A_176 = arith.constant 0 : i32
        %dma_wait3A_177 = tpu.memref_slice %arg28[%dma_wait3A_175, %dma_wait3A_176] : memref<10240x16xf32, #tpu.memory_space<vmem_shared>> -> memref<10240x16xf32, #tpu.memory_space<vmem_shared>>
        tpu.wait_indirect_dma semaphore(%run_scoped3A : memref<!tpu.dma_semaphore, #tpu.memory_space<semaphore_mem>>) src(%arg27 : memref<128x16xf32, #tpu.memory_space<vmem>>) dst(%dma_wait3A_177 : memref<10240x16xf32, #tpu.memory_space<vmem_shared>>)
        tpu.yield
      }) : () -> ()
      %add3A_117 = arith.constant 4 : i32
      %add3A_118 = arith.addi %add3A_110, %add3A_117 : i32
      %lt3A = arith.constant 80 : i32
      %lt3A_119 = arith.cmpi slt, %add3A_118, %lt3A : i32
      %convert_element_type3A = arith.extui %lt3A_119 : i1 to i32
      %cond3A = arith.constant 0 : i32
      %cond3A_120 = arith.cmpi ne, %convert_element_type3A, %cond3A : i32
      scf.if %cond3A_120 {
        %dma_start3A_166 = arith.constant 0 : i32
        %dma_start3A_167 = tpu.memref_slice %arg9[%add3A_118, %dma_start3A_166] : memref<80x128xi32, #tpu.memory_space<vmem>> -> memref<1x128xi32, #tpu.memory_space<vmem>>
        %dma_start3A_168 = tpu.memref_squeeze %dma_start3A_167 : memref<1x128xi32, #tpu.memory_space<vmem>> -> memref<128xi32, #tpu.memory_space<vmem>>
        %dma_start3A_169 = arith.constant 0 : i32
        %dma_start3A_170 = arith.constant 0 : i32
        %dma_start3A_171 = tpu.memref_slice %arg12[%dma_start3A_169, %dma_start3A_170] : memref<10240x16xf32, #tpu.memory_space<vmem_shared>> -> memref<10240x16xf32, #tpu.memory_space<vmem_shared>>
        tpu.enqueue_indirect_dma source(%dma_start3A_171 : memref<10240x16xf32, #tpu.memory_space<vmem_shared>>) target(%arg13 : memref<128x16xf32, #tpu.memory_space<vmem>>) offsets(%dma_start3A_168 : memref<128xi32, #tpu.memory_space<vmem>>) semaphore(%arg17 : memref<!tpu.dma_semaphore, #tpu.memory_space<semaphore_mem>>)
      } else {
      }
      %add3A_121 = arith.constant 1 : i32
      %add3A_122 = arith.addi %mul3A_108, %add3A_121 : i32
      %dma_wait3A_123 = arith.constant 0 : i32
      %dma_wait3A_124 = tpu.memref_slice %arg9[%add3A_122, %dma_wait3A_123] : memref<80x128xi32, #tpu.memory_space<vmem>> -> memref<1x128xi32, #tpu.memory_space<vmem>>
      %dma_wait3A_125 = tpu.memref_squeeze %dma_wait3A_124 : memref<1x128xi32, #tpu.memory_space<vmem>> -> memref<128xi32, #tpu.memory_space<vmem>>
      %dma_wait3A_126 = arith.constant 0 : i32
      %dma_wait3A_127 = arith.constant 0 : i32
      %dma_wait3A_128 = tpu.memref_slice %arg12[%dma_wait3A_126, %dma_wait3A_127] : memref<10240x16xf32, #tpu.memory_space<vmem_shared>> -> memref<10240x16xf32, #tpu.memory_space<vmem_shared>>
      tpu.wait_indirect_dma semaphore(%arg18 : memref<!tpu.dma_semaphore, #tpu.memory_space<semaphore_mem>>) src(%dma_wait3A_128 : memref<10240x16xf32, #tpu.memory_space<vmem_shared>>) dst(%arg14 : memref<128x16xf32, #tpu.memory_space<vmem>>)
      "tpu.region"() ({
        %run_scoped3A = tpu.sem_alloc : memref<!tpu.dma_semaphore, #tpu.memory_space<semaphore_mem>>
        %dma_start3A_166 = arith.constant 0 : i32
        %dma_start3A_167 = tpu.memref_slice %arg10[%add3A_122, %dma_start3A_166] : memref<80x128xi32, #tpu.memory_space<vmem>> -> memref<1x128xi32, #tpu.memory_space<vmem>>
        %dma_start3A_168 = tpu.memref_squeeze %dma_start3A_167 : memref<1x128xi32, #tpu.memory_space<vmem>> -> memref<128xi32, #tpu.memory_space<vmem>>
        %dma_start3A_169 = arith.constant 0 : i32
        %dma_start3A_170 = arith.constant 0 : i32
        %dma_start3A_171 = tpu.memref_slice %arg11[%dma_start3A_169, %dma_start3A_170] : memref<10240x16xf32, #tpu.memory_space<vmem_shared>> -> memref<10240x16xf32, #tpu.memory_space<vmem_shared>>
        tpu.enqueue_indirect_dma source(%arg14 : memref<128x16xf32, #tpu.memory_space<vmem>>) target(%dma_start3A_171 : memref<10240x16xf32, #tpu.memory_space<vmem_shared>>) offsets(%dma_start3A_168 : memref<128xi32, #tpu.memory_space<vmem>>) semaphore(%run_scoped3A : memref<!tpu.dma_semaphore, #tpu.memory_space<semaphore_mem>>) {add = true}
        %dma_wait3A_172 = arith.constant 0 : i32
        %dma_wait3A_173 = tpu.memref_slice %arg10[%add3A_122, %dma_wait3A_172] : memref<80x128xi32, #tpu.memory_space<vmem>> -> memref<1x128xi32, #tpu.memory_space<vmem>>
        %dma_wait3A_174 = tpu.memref_squeeze %dma_wait3A_173 : memref<1x128xi32, #tpu.memory_space<vmem>> -> memref<128xi32, #tpu.memory_space<vmem>>
        %dma_wait3A_175 = arith.constant 0 : i32
        %dma_wait3A_176 = arith.constant 0 : i32
        %dma_wait3A_177 = tpu.memref_slice %arg11[%dma_wait3A_175, %dma_wait3A_176] : memref<10240x16xf32, #tpu.memory_space<vmem_shared>> -> memref<10240x16xf32, #tpu.memory_space<vmem_shared>>
        tpu.wait_indirect_dma semaphore(%run_scoped3A : memref<!tpu.dma_semaphore, #tpu.memory_space<semaphore_mem>>) src(%arg14 : memref<128x16xf32, #tpu.memory_space<vmem>>) dst(%dma_wait3A_177 : memref<10240x16xf32, #tpu.memory_space<vmem_shared>>)
        tpu.yield
      }) : () -> ()
      "tpu.region"() ({
        %run_scoped3A = tpu.sem_alloc : memref<!tpu.dma_semaphore, #tpu.memory_space<semaphore_mem>>
        %dma_start3A_166 = arith.constant 0 : i32
        %dma_start3A_167 = tpu.memref_slice %arg10[%add3A_122, %dma_start3A_166] : memref<80x128xi32, #tpu.memory_space<vmem>> -> memref<1x128xi32, #tpu.memory_space<vmem>>
        %dma_start3A_168 = tpu.memref_squeeze %dma_start3A_167 : memref<1x128xi32, #tpu.memory_space<vmem>> -> memref<128xi32, #tpu.memory_space<vmem>>
        %dma_start3A_169 = arith.constant 0 : i32
        %dma_start3A_170 = arith.constant 0 : i32
        %dma_start3A_171 = tpu.memref_slice %arg28[%dma_start3A_169, %dma_start3A_170] : memref<10240x16xf32, #tpu.memory_space<vmem_shared>> -> memref<10240x16xf32, #tpu.memory_space<vmem_shared>>
        tpu.enqueue_indirect_dma source(%arg27 : memref<128x16xf32, #tpu.memory_space<vmem>>) target(%dma_start3A_171 : memref<10240x16xf32, #tpu.memory_space<vmem_shared>>) offsets(%dma_start3A_168 : memref<128xi32, #tpu.memory_space<vmem>>) semaphore(%run_scoped3A : memref<!tpu.dma_semaphore, #tpu.memory_space<semaphore_mem>>) {add = true}
        %dma_wait3A_172 = arith.constant 0 : i32
        %dma_wait3A_173 = tpu.memref_slice %arg10[%add3A_122, %dma_wait3A_172] : memref<80x128xi32, #tpu.memory_space<vmem>> -> memref<1x128xi32, #tpu.memory_space<vmem>>
        %dma_wait3A_174 = tpu.memref_squeeze %dma_wait3A_173 : memref<1x128xi32, #tpu.memory_space<vmem>> -> memref<128xi32, #tpu.memory_space<vmem>>
        %dma_wait3A_175 = arith.constant 0 : i32
        %dma_wait3A_176 = arith.constant 0 : i32
        %dma_wait3A_177 = tpu.memref_slice %arg28[%dma_wait3A_175, %dma_wait3A_176] : memref<10240x16xf32, #tpu.memory_space<vmem_shared>> -> memref<10240x16xf32, #tpu.memory_space<vmem_shared>>
        tpu.wait_indirect_dma semaphore(%run_scoped3A : memref<!tpu.dma_semaphore, #tpu.memory_space<semaphore_mem>>) src(%arg27 : memref<128x16xf32, #tpu.memory_space<vmem>>) dst(%dma_wait3A_177 : memref<10240x16xf32, #tpu.memory_space<vmem_shared>>)
        tpu.yield
      }) : () -> ()
      %add3A_129 = arith.constant 4 : i32
      %add3A_130 = arith.addi %add3A_122, %add3A_129 : i32
      %lt3A_131 = arith.constant 80 : i32
      %lt3A_132 = arith.cmpi slt, %add3A_130, %lt3A_131 : i32
      %convert_element_type3A_133 = arith.extui %lt3A_132 : i1 to i32
      %cond3A_134 = arith.constant 0 : i32
      %cond3A_135 = arith.cmpi ne, %convert_element_type3A_133, %cond3A_134 : i32
      scf.if %cond3A_135 {
        %dma_start3A_166 = arith.constant 0 : i32
        %dma_start3A_167 = tpu.memref_slice %arg9[%add3A_130, %dma_start3A_166] : memref<80x128xi32, #tpu.memory_space<vmem>> -> memref<1x128xi32, #tpu.memory_space<vmem>>
        %dma_start3A_168 = tpu.memref_squeeze %dma_start3A_167 : memref<1x128xi32, #tpu.memory_space<vmem>> -> memref<128xi32, #tpu.memory_space<vmem>>
        %dma_start3A_169 = arith.constant 0 : i32
        %dma_start3A_170 = arith.constant 0 : i32
        %dma_start3A_171 = tpu.memref_slice %arg12[%dma_start3A_169, %dma_start3A_170] : memref<10240x16xf32, #tpu.memory_space<vmem_shared>> -> memref<10240x16xf32, #tpu.memory_space<vmem_shared>>
        tpu.enqueue_indirect_dma source(%dma_start3A_171 : memref<10240x16xf32, #tpu.memory_space<vmem_shared>>) target(%arg14 : memref<128x16xf32, #tpu.memory_space<vmem>>) offsets(%dma_start3A_168 : memref<128xi32, #tpu.memory_space<vmem>>) semaphore(%arg18 : memref<!tpu.dma_semaphore, #tpu.memory_space<semaphore_mem>>)
      } else {
      }
      %add3A_136 = arith.constant 2 : i32
      %add3A_137 = arith.addi %mul3A_108, %add3A_136 : i32
      %dma_wait3A_138 = arith.constant 0 : i32
      %dma_wait3A_139 = tpu.memref_slice %arg9[%add3A_137, %dma_wait3A_138] : memref<80x128xi32, #tpu.memory_space<vmem>> -> memref<1x128xi32, #tpu.memory_space<vmem>>
      %dma_wait3A_140 = tpu.memref_squeeze %dma_wait3A_139 : memref<1x128xi32, #tpu.memory_space<vmem>> -> memref<128xi32, #tpu.memory_space<vmem>>
      %dma_wait3A_141 = arith.constant 0 : i32
      %dma_wait3A_142 = arith.constant 0 : i32
      %dma_wait3A_143 = tpu.memref_slice %arg12[%dma_wait3A_141, %dma_wait3A_142] : memref<10240x16xf32, #tpu.memory_space<vmem_shared>> -> memref<10240x16xf32, #tpu.memory_space<vmem_shared>>
      tpu.wait_indirect_dma semaphore(%arg19 : memref<!tpu.dma_semaphore, #tpu.memory_space<semaphore_mem>>) src(%dma_wait3A_143 : memref<10240x16xf32, #tpu.memory_space<vmem_shared>>) dst(%arg15 : memref<128x16xf32, #tpu.memory_space<vmem>>)
      "tpu.region"() ({
        %run_scoped3A = tpu.sem_alloc : memref<!tpu.dma_semaphore, #tpu.memory_space<semaphore_mem>>
        %dma_start3A_166 = arith.constant 0 : i32
        %dma_start3A_167 = tpu.memref_slice %arg10[%add3A_137, %dma_start3A_166] : memref<80x128xi32, #tpu.memory_space<vmem>> -> memref<1x128xi32, #tpu.memory_space<vmem>>
        %dma_start3A_168 = tpu.memref_squeeze %dma_start3A_167 : memref<1x128xi32, #tpu.memory_space<vmem>> -> memref<128xi32, #tpu.memory_space<vmem>>
        %dma_start3A_169 = arith.constant 0 : i32
        %dma_start3A_170 = arith.constant 0 : i32
        %dma_start3A_171 = tpu.memref_slice %arg11[%dma_start3A_169, %dma_start3A_170] : memref<10240x16xf32, #tpu.memory_space<vmem_shared>> -> memref<10240x16xf32, #tpu.memory_space<vmem_shared>>
        tpu.enqueue_indirect_dma source(%arg15 : memref<128x16xf32, #tpu.memory_space<vmem>>) target(%dma_start3A_171 : memref<10240x16xf32, #tpu.memory_space<vmem_shared>>) offsets(%dma_start3A_168 : memref<128xi32, #tpu.memory_space<vmem>>) semaphore(%run_scoped3A : memref<!tpu.dma_semaphore, #tpu.memory_space<semaphore_mem>>) {add = true}
        %dma_wait3A_172 = arith.constant 0 : i32
        %dma_wait3A_173 = tpu.memref_slice %arg10[%add3A_137, %dma_wait3A_172] : memref<80x128xi32, #tpu.memory_space<vmem>> -> memref<1x128xi32, #tpu.memory_space<vmem>>
        %dma_wait3A_174 = tpu.memref_squeeze %dma_wait3A_173 : memref<1x128xi32, #tpu.memory_space<vmem>> -> memref<128xi32, #tpu.memory_space<vmem>>
        %dma_wait3A_175 = arith.constant 0 : i32
        %dma_wait3A_176 = arith.constant 0 : i32
        %dma_wait3A_177 = tpu.memref_slice %arg11[%dma_wait3A_175, %dma_wait3A_176] : memref<10240x16xf32, #tpu.memory_space<vmem_shared>> -> memref<10240x16xf32, #tpu.memory_space<vmem_shared>>
        tpu.wait_indirect_dma semaphore(%run_scoped3A : memref<!tpu.dma_semaphore, #tpu.memory_space<semaphore_mem>>) src(%arg15 : memref<128x16xf32, #tpu.memory_space<vmem>>) dst(%dma_wait3A_177 : memref<10240x16xf32, #tpu.memory_space<vmem_shared>>)
        tpu.yield
      }) : () -> ()
      "tpu.region"() ({
        %run_scoped3A = tpu.sem_alloc : memref<!tpu.dma_semaphore, #tpu.memory_space<semaphore_mem>>
        %dma_start3A_166 = arith.constant 0 : i32
        %dma_start3A_167 = tpu.memref_slice %arg10[%add3A_137, %dma_start3A_166] : memref<80x128xi32, #tpu.memory_space<vmem>> -> memref<1x128xi32, #tpu.memory_space<vmem>>
        %dma_start3A_168 = tpu.memref_squeeze %dma_start3A_167 : memref<1x128xi32, #tpu.memory_space<vmem>> -> memref<128xi32, #tpu.memory_space<vmem>>
        %dma_start3A_169 = arith.constant 0 : i32
        %dma_start3A_170 = arith.constant 0 : i32
        %dma_start3A_171 = tpu.memref_slice %arg28[%dma_start3A_169, %dma_start3A_170] : memref<10240x16xf32, #tpu.memory_space<vmem_shared>> -> memref<10240x16xf32, #tpu.memory_space<vmem_shared>>
        tpu.enqueue_indirect_dma source(%arg27 : memref<128x16xf32, #tpu.memory_space<vmem>>) target(%dma_start3A_171 : memref<10240x16xf32, #tpu.memory_space<vmem_shared>>) offsets(%dma_start3A_168 : memref<128xi32, #tpu.memory_space<vmem>>) semaphore(%run_scoped3A : memref<!tpu.dma_semaphore, #tpu.memory_space<semaphore_mem>>) {add = true}
        %dma_wait3A_172 = arith.constant 0 : i32
        %dma_wait3A_173 = tpu.memref_slice %arg10[%add3A_137, %dma_wait3A_172] : memref<80x128xi32, #tpu.memory_space<vmem>> -> memref<1x128xi32, #tpu.memory_space<vmem>>
        %dma_wait3A_174 = tpu.memref_squeeze %dma_wait3A_173 : memref<1x128xi32, #tpu.memory_space<vmem>> -> memref<128xi32, #tpu.memory_space<vmem>>
        %dma_wait3A_175 = arith.constant 0 : i32
        %dma_wait3A_176 = arith.constant 0 : i32
        %dma_wait3A_177 = tpu.memref_slice %arg28[%dma_wait3A_175, %dma_wait3A_176] : memref<10240x16xf32, #tpu.memory_space<vmem_shared>> -> memref<10240x16xf32, #tpu.memory_space<vmem_shared>>
        tpu.wait_indirect_dma semaphore(%run_scoped3A : memref<!tpu.dma_semaphore, #tpu.memory_space<semaphore_mem>>) src(%arg27 : memref<128x16xf32, #tpu.memory_space<vmem>>) dst(%dma_wait3A_177 : memref<10240x16xf32, #tpu.memory_space<vmem_shared>>)
        tpu.yield
      }) : () -> ()
      %add3A_144 = arith.constant 4 : i32
      %add3A_145 = arith.addi %add3A_137, %add3A_144 : i32
      %lt3A_146 = arith.constant 80 : i32
      %lt3A_147 = arith.cmpi slt, %add3A_145, %lt3A_146 : i32
      %convert_element_type3A_148 = arith.extui %lt3A_147 : i1 to i32
      %cond3A_149 = arith.constant 0 : i32
      %cond3A_150 = arith.cmpi ne, %convert_element_type3A_148, %cond3A_149 : i32
      scf.if %cond3A_150 {
        %dma_start3A_166 = arith.constant 0 : i32
        %dma_start3A_167 = tpu.memref_slice %arg9[%add3A_145, %dma_start3A_166] : memref<80x128xi32, #tpu.memory_space<vmem>> -> memref<1x128xi32, #tpu.memory_space<vmem>>
        %dma_start3A_168 = tpu.memref_squeeze %dma_start3A_167 : memref<1x128xi32, #tpu.memory_space<vmem>> -> memref<128xi32, #tpu.memory_space<vmem>>
        %dma_start3A_169 = arith.constant 0 : i32
        %dma_start3A_170 = arith.constant 0 : i32
        %dma_start3A_171 = tpu.memref_slice %arg12[%dma_start3A_169, %dma_start3A_170] : memref<10240x16xf32, #tpu.memory_space<vmem_shared>> -> memref<10240x16xf32, #tpu.memory_space<vmem_shared>>
        tpu.enqueue_indirect_dma source(%dma_start3A_171 : memref<10240x16xf32, #tpu.memory_space<vmem_shared>>) target(%arg15 : memref<128x16xf32, #tpu.memory_space<vmem>>) offsets(%dma_start3A_168 : memref<128xi32, #tpu.memory_space<vmem>>) semaphore(%arg19 : memref<!tpu.dma_semaphore, #tpu.memory_space<semaphore_mem>>)
      } else {
      }
      %add3A_151 = arith.constant 3 : i32
      %add3A_152 = arith.addi %mul3A_108, %add3A_151 : i32
      %dma_wait3A_153 = arith.constant 0 : i32
      %dma_wait3A_154 = tpu.memref_slice %arg9[%add3A_152, %dma_wait3A_153] : memref<80x128xi32, #tpu.memory_space<vmem>> -> memref<1x128xi32, #tpu.memory_space<vmem>>
      %dma_wait3A_155 = tpu.memref_squeeze %dma_wait3A_154 : memref<1x128xi32, #tpu.memory_space<vmem>> -> memref<128xi32, #tpu.memory_space<vmem>>
      %dma_wait3A_156 = arith.constant 0 : i32
      %dma_wait3A_157 = arith.constant 0 : i32
      %dma_wait3A_158 = tpu.memref_slice %arg12[%dma_wait3A_156, %dma_wait3A_157] : memref<10240x16xf32, #tpu.memory_space<vmem_shared>> -> memref<10240x16xf32, #tpu.memory_space<vmem_shared>>
      tpu.wait_indirect_dma semaphore(%arg20 : memref<!tpu.dma_semaphore, #tpu.memory_space<semaphore_mem>>) src(%dma_wait3A_158 : memref<10240x16xf32, #tpu.memory_space<vmem_shared>>) dst(%arg16 : memref<128x16xf32, #tpu.memory_space<vmem>>)
      "tpu.region"() ({
        %run_scoped3A = tpu.sem_alloc : memref<!tpu.dma_semaphore, #tpu.memory_space<semaphore_mem>>
        %dma_start3A_166 = arith.constant 0 : i32
        %dma_start3A_167 = tpu.memref_slice %arg10[%add3A_152, %dma_start3A_166] : memref<80x128xi32, #tpu.memory_space<vmem>> -> memref<1x128xi32, #tpu.memory_space<vmem>>
        %dma_start3A_168 = tpu.memref_squeeze %dma_start3A_167 : memref<1x128xi32, #tpu.memory_space<vmem>> -> memref<128xi32, #tpu.memory_space<vmem>>
        %dma_start3A_169 = arith.constant 0 : i32
        %dma_start3A_170 = arith.constant 0 : i32
        %dma_start3A_171 = tpu.memref_slice %arg11[%dma_start3A_169, %dma_start3A_170] : memref<10240x16xf32, #tpu.memory_space<vmem_shared>> -> memref<10240x16xf32, #tpu.memory_space<vmem_shared>>
        tpu.enqueue_indirect_dma source(%arg16 : memref<128x16xf32, #tpu.memory_space<vmem>>) target(%dma_start3A_171 : memref<10240x16xf32, #tpu.memory_space<vmem_shared>>) offsets(%dma_start3A_168 : memref<128xi32, #tpu.memory_space<vmem>>) semaphore(%run_scoped3A : memref<!tpu.dma_semaphore, #tpu.memory_space<semaphore_mem>>) {add = true}
        %dma_wait3A_172 = arith.constant 0 : i32
        %dma_wait3A_173 = tpu.memref_slice %arg10[%add3A_152, %dma_wait3A_172] : memref<80x128xi32, #tpu.memory_space<vmem>> -> memref<1x128xi32, #tpu.memory_space<vmem>>
        %dma_wait3A_174 = tpu.memref_squeeze %dma_wait3A_173 : memref<1x128xi32, #tpu.memory_space<vmem>> -> memref<128xi32, #tpu.memory_space<vmem>>
        %dma_wait3A_175 = arith.constant 0 : i32
        %dma_wait3A_176 = arith.constant 0 : i32
        %dma_wait3A_177 = tpu.memref_slice %arg11[%dma_wait3A_175, %dma_wait3A_176] : memref<10240x16xf32, #tpu.memory_space<vmem_shared>> -> memref<10240x16xf32, #tpu.memory_space<vmem_shared>>
        tpu.wait_indirect_dma semaphore(%run_scoped3A : memref<!tpu.dma_semaphore, #tpu.memory_space<semaphore_mem>>) src(%arg16 : memref<128x16xf32, #tpu.memory_space<vmem>>) dst(%dma_wait3A_177 : memref<10240x16xf32, #tpu.memory_space<vmem_shared>>)
        tpu.yield
      }) : () -> ()
      "tpu.region"() ({
        %run_scoped3A = tpu.sem_alloc : memref<!tpu.dma_semaphore, #tpu.memory_space<semaphore_mem>>
        %dma_start3A_166 = arith.constant 0 : i32
        %dma_start3A_167 = tpu.memref_slice %arg10[%add3A_152, %dma_start3A_166] : memref<80x128xi32, #tpu.memory_space<vmem>> -> memref<1x128xi32, #tpu.memory_space<vmem>>
        %dma_start3A_168 = tpu.memref_squeeze %dma_start3A_167 : memref<1x128xi32, #tpu.memory_space<vmem>> -> memref<128xi32, #tpu.memory_space<vmem>>
        %dma_start3A_169 = arith.constant 0 : i32
        %dma_start3A_170 = arith.constant 0 : i32
        %dma_start3A_171 = tpu.memref_slice %arg28[%dma_start3A_169, %dma_start3A_170] : memref<10240x16xf32, #tpu.memory_space<vmem_shared>> -> memref<10240x16xf32, #tpu.memory_space<vmem_shared>>
        tpu.enqueue_indirect_dma source(%arg27 : memref<128x16xf32, #tpu.memory_space<vmem>>) target(%dma_start3A_171 : memref<10240x16xf32, #tpu.memory_space<vmem_shared>>) offsets(%dma_start3A_168 : memref<128xi32, #tpu.memory_space<vmem>>) semaphore(%run_scoped3A : memref<!tpu.dma_semaphore, #tpu.memory_space<semaphore_mem>>) {add = true}
        %dma_wait3A_172 = arith.constant 0 : i32
        %dma_wait3A_173 = tpu.memref_slice %arg10[%add3A_152, %dma_wait3A_172] : memref<80x128xi32, #tpu.memory_space<vmem>> -> memref<1x128xi32, #tpu.memory_space<vmem>>
        %dma_wait3A_174 = tpu.memref_squeeze %dma_wait3A_173 : memref<1x128xi32, #tpu.memory_space<vmem>> -> memref<128xi32, #tpu.memory_space<vmem>>
        %dma_wait3A_175 = arith.constant 0 : i32
        %dma_wait3A_176 = arith.constant 0 : i32
        %dma_wait3A_177 = tpu.memref_slice %arg28[%dma_wait3A_175, %dma_wait3A_176] : memref<10240x16xf32, #tpu.memory_space<vmem_shared>> -> memref<10240x16xf32, #tpu.memory_space<vmem_shared>>
        tpu.wait_indirect_dma semaphore(%run_scoped3A : memref<!tpu.dma_semaphore, #tpu.memory_space<semaphore_mem>>) src(%arg27 : memref<128x16xf32, #tpu.memory_space<vmem>>) dst(%dma_wait3A_177 : memref<10240x16xf32, #tpu.memory_space<vmem_shared>>)
        tpu.yield
      }) : () -> ()
      %add3A_159 = arith.constant 4 : i32
      %add3A_160 = arith.addi %add3A_152, %add3A_159 : i32
      %lt3A_161 = arith.constant 80 : i32
      %lt3A_162 = arith.cmpi slt, %add3A_160, %lt3A_161 : i32
      %convert_element_type3A_163 = arith.extui %lt3A_162 : i1 to i32
      %cond3A_164 = arith.constant 0 : i32
      %cond3A_165 = arith.cmpi ne, %convert_element_type3A_163, %cond3A_164 : i32
      scf.if %cond3A_165 {
        %dma_start3A_166 = arith.constant 0 : i32
        %dma_start3A_167 = tpu.memref_slice %arg9[%add3A_160, %dma_start3A_166] : memref<80x128xi32, #tpu.memory_space<vmem>> -> memref<1x128xi32, #tpu.memory_space<vmem>>
        %dma_start3A_168 = tpu.memref_squeeze %dma_start3A_167 : memref<1x128xi32, #tpu.memory_space<vmem>> -> memref<128xi32, #tpu.memory_space<vmem>>
        %dma_start3A_169 = arith.constant 0 : i32
        %dma_start3A_170 = arith.constant 0 : i32
        %dma_start3A_171 = tpu.memref_slice %arg12[%dma_start3A_169, %dma_start3A_170] : memref<10240x16xf32, #tpu.memory_space<vmem_shared>> -> memref<10240x16xf32, #tpu.memory_space<vmem_shared>>
        tpu.enqueue_indirect_dma source(%dma_start3A_171 : memref<10240x16xf32, #tpu.memory_space<vmem_shared>>) target(%arg16 : memref<128x16xf32, #tpu.memory_space<vmem>>) offsets(%dma_start3A_168 : memref<128xi32, #tpu.memory_space<vmem>>) semaphore(%arg20 : memref<!tpu.dma_semaphore, #tpu.memory_space<semaphore_mem>>)
      } else {
      }
    }
    %scan3A_80 = arith.constant 20 : i32
    %barrier3A_81 = arith.constant 0 : index
    tpu.barrier barrier_id(%barrier3A_81)
    %dma_start3A_82 = arith.constant 0 : i32
    %dma_start3A_83 = tpu.memref_slice %arg7[%arg0, %mul3A_2, %dma_start3A_82] : memref<2x10240x16xf32, #tpu.memory_space<hbm>> -> memref<1x640x16xf32, #tpu.memory_space<hbm>>
    %dma_start3A_84 = tpu.memref_squeeze %dma_start3A_83 : memref<1x640x16xf32, #tpu.memory_space<hbm>> -> memref<640x16xf32, #tpu.memory_space<hbm>>
    %dma_start3A_85 = arith.constant 0 : i32
    %dma_start3A_86 = tpu.memref_slice %arg11[%mul3A_2, %dma_start3A_85] : memref<10240x16xf32, #tpu.memory_space<vmem_shared>> -> memref<640x16xf32, #tpu.memory_space<vmem_shared>>
    tpu.enqueue_dma source(%dma_start3A_86 : memref<640x16xf32, #tpu.memory_space<vmem_shared>>) target(%dma_start3A_84 : memref<640x16xf32, #tpu.memory_space<hbm>>) target_semaphore(%arg21 : memref<!tpu.dma_semaphore, #tpu.memory_space<semaphore_mem>>)
    %dma_start3A_87 = arith.constant 0 : i32
    %dma_start3A_88 = tpu.memref_slice %arg8[%arg0, %mul3A_2, %dma_start3A_87] : memref<2x10240x16xf32, #tpu.memory_space<hbm>> -> memref<1x640x16xf32, #tpu.memory_space<hbm>>
    %dma_start3A_89 = tpu.memref_squeeze %dma_start3A_88 : memref<1x640x16xf32, #tpu.memory_space<hbm>> -> memref<640x16xf32, #tpu.memory_space<hbm>>
    %dma_start3A_90 = arith.constant 0 : i32
    %dma_start3A_91 = tpu.memref_slice %arg28[%mul3A_2, %dma_start3A_90] : memref<10240x16xf32, #tpu.memory_space<vmem_shared>> -> memref<640x16xf32, #tpu.memory_space<vmem_shared>>
    tpu.enqueue_dma source(%dma_start3A_91 : memref<640x16xf32, #tpu.memory_space<vmem_shared>>) target(%dma_start3A_89 : memref<640x16xf32, #tpu.memory_space<hbm>>) target_semaphore(%arg25 : memref<!tpu.dma_semaphore, #tpu.memory_space<semaphore_mem>>)
    %dma_wait3A_92 = arith.constant 0 : i32
    %dma_wait3A_93 = tpu.memref_slice %arg7[%arg0, %mul3A_2, %dma_wait3A_92] : memref<2x10240x16xf32, #tpu.memory_space<hbm>> -> memref<1x640x16xf32, #tpu.memory_space<hbm>>
    %dma_wait3A_94 = tpu.memref_squeeze %dma_wait3A_93 : memref<1x640x16xf32, #tpu.memory_space<hbm>> -> memref<640x16xf32, #tpu.memory_space<hbm>>
    %dma_wait3A_95 = arith.constant 0 : i32
    %dma_wait3A_96 = tpu.memref_slice %arg11[%mul3A_2, %dma_wait3A_95] : memref<10240x16xf32, #tpu.memory_space<vmem_shared>> -> memref<640x16xf32, #tpu.memory_space<vmem_shared>>
    tpu.wait_dma2 semaphore(%arg21 : memref<!tpu.dma_semaphore, #tpu.memory_space<semaphore_mem>>) src(%dma_wait3A_96 : memref<640x16xf32, #tpu.memory_space<vmem_shared>>) dst(%dma_wait3A_94 : memref<640x16xf32, #tpu.memory_space<hbm>>)
    %dma_wait3A_97 = arith.constant 0 : i32
    %dma_wait3A_98 = tpu.memref_slice %arg8[%arg0, %mul3A_2, %dma_wait3A_97] : memref<2x10240x16xf32, #tpu.memory_space<hbm>> -> memref<1x640x16xf32, #tpu.memory_space<hbm>>
    %dma_wait3A_99 = tpu.memref_squeeze %dma_wait3A_98 : memref<1x640x16xf32, #tpu.memory_space<hbm>> -> memref<640x16xf32, #tpu.memory_space<hbm>>
    %dma_wait3A_100 = arith.constant 0 : i32
    %dma_wait3A_101 = tpu.memref_slice %arg28[%mul3A_2, %dma_wait3A_100] : memref<10240x16xf32, #tpu.memory_space<vmem_shared>> -> memref<640x16xf32, #tpu.memory_space<vmem_shared>>
    tpu.wait_dma2 semaphore(%arg25 : memref<!tpu.dma_semaphore, #tpu.memory_space<semaphore_mem>>) src(%dma_wait3A_101 : memref<640x16xf32, #tpu.memory_space<vmem_shared>>) dst(%dma_wait3A_99 : memref<640x16xf32, #tpu.memory_space<hbm>>)
    return
  }
}

#map = affine_map<(d0, d1) -> (0, 0)>
#map1 = affine_map<(d0, d1) -> (0, 0, 0)>
module attributes {stable_mosaic.version = 14 : i64} {
  func.func @body(%arg0: i32, %arg1: i32, %arg2: memref<10240x16xf32, #tpu.memory_space<hbm>>, %arg3: memref<32x80x128xi32, #tpu.memory_space<hbm>>, %arg4: memref<32x80x128xi32, #tpu.memory_space<hbm>>, %arg5: memref<640x16xf32, #tpu.memory_space<hbm>>, %arg6: memref<128x16xf32, #tpu.memory_space<hbm>>, %arg7: memref<2x10240x16xf32, #tpu.memory_space<hbm>>, %arg8: memref<80x128xi32, #tpu.memory_space<vmem>>, %arg9: memref<80x128xi32, #tpu.memory_space<vmem>>, %arg10: memref<10240x16xf32, #tpu.memory_space<vmem_shared>>, %arg11: memref<10240x16xf32, #tpu.memory_space<vmem_shared>>, %arg12: memref<128x16xf32, #tpu.memory_space<vmem>>, %arg13: memref<128x16xf32, #tpu.memory_space<vmem>>, %arg14: memref<128x16xf32, #tpu.memory_space<vmem>>, %arg15: memref<128x16xf32, #tpu.memory_space<vmem>>, %arg16: memref<!tpu.dma_semaphore, #tpu.memory_space<semaphore_mem>>, %arg17: memref<!tpu.dma_semaphore, #tpu.memory_space<semaphore_mem>>, %arg18: memref<!tpu.dma_semaphore, #tpu.memory_space<semaphore_mem>>, %arg19: memref<!tpu.dma_semaphore, #tpu.memory_space<semaphore_mem>>, %arg20: memref<!tpu.dma_semaphore, #tpu.memory_space<semaphore_mem>>, %arg21: memref<!tpu.dma_semaphore, #tpu.memory_space<semaphore_mem>>, %arg22: memref<!tpu.dma_semaphore, #tpu.memory_space<semaphore_mem>>, %arg23: memref<!tpu.dma_semaphore, #tpu.memory_space<semaphore_mem>>, %arg24: memref<!tpu.dma_semaphore, #tpu.memory_space<semaphore_mem>>, %arg25: memref<!tpu.dma_semaphore, #tpu.memory_space<semaphore_mem>>) attributes {dimension_semantics = [#tpu.dimension_semantics<core_parallel>, #tpu.dimension_semantics<subcore_parallel>], iteration_bounds = array<i64: 2, 16>, scalar_prefetch = 0 : i64, scratch_operands = 18 : i64, tpu.core_type = #tpu.core_type<sc_vector_subcore>, window_params = [{transform_indices = #map}, {transform_indices = #map1}, {transform_indices = #map1}, {transform_indices = #map}, {transform_indices = #map}, {transform_indices = #map1}]} {
    %mul3A = arith.constant 16 : i32
    %mul3A_0 = arith.muli %arg0, %mul3A : i32
    %add3A = arith.addi %mul3A_0, %arg1 : i32
    %mul3A_1 = arith.constant 640 : i32
    %mul3A_2 = arith.muli %arg1, %mul3A_1 : i32
    %dma_start3A = arith.constant 0 : i32
    %dma_start3A_3 = tpu.memref_slice %arg10[%mul3A_2, %dma_start3A] : memref<10240x16xf32, #tpu.memory_space<vmem_shared>> -> memref<640x16xf32, #tpu.memory_space<vmem_shared>>
    tpu.enqueue_dma source(%arg5 : memref<640x16xf32, #tpu.memory_space<hbm>>) target(%dma_start3A_3 : memref<640x16xf32, #tpu.memory_space<vmem_shared>>) target_semaphore(%arg20 : memref<!tpu.dma_semaphore, #tpu.memory_space<semaphore_mem>>)
    %dma_start3A_4 = arith.constant 0 : i32
    %dma_start3A_5 = tpu.memref_slice %arg11[%mul3A_2, %dma_start3A_4] : memref<10240x16xf32, #tpu.memory_space<vmem_shared>> -> memref<640x16xf32, #tpu.memory_space<vmem_shared>>
    %dma_start3A_6 = arith.constant 0 : i32
    %dma_start3A_7 = tpu.memref_slice %arg2[%mul3A_2, %dma_start3A_6] : memref<10240x16xf32, #tpu.memory_space<hbm>> -> memref<640x16xf32, #tpu.memory_space<hbm>>
    tpu.enqueue_dma source(%dma_start3A_7 : memref<640x16xf32, #tpu.memory_space<hbm>>) target(%dma_start3A_5 : memref<640x16xf32, #tpu.memory_space<vmem_shared>>) target_semaphore(%arg21 : memref<!tpu.dma_semaphore, #tpu.memory_space<semaphore_mem>>)
    %dma_start3A_8 = arith.constant 0 : i32
    %dma_start3A_9 = arith.constant 0 : i32
    %dma_start3A_10 = tpu.memref_slice %arg3[%add3A, %dma_start3A_8, %dma_start3A_9] : memref<32x80x128xi32, #tpu.memory_space<hbm>> -> memref<1x80x128xi32, #tpu.memory_space<hbm>>
    %dma_start3A_11 = tpu.memref_squeeze %dma_start3A_10 : memref<1x80x128xi32, #tpu.memory_space<hbm>> -> memref<80x128xi32, #tpu.memory_space<hbm>>
    %dma_start3A_12 = arith.constant 0 : i32
    %dma_start3A_13 = arith.constant 0 : i32
    %dma_start3A_14 = tpu.memref_slice %arg3[%add3A, %dma_start3A_12, %dma_start3A_13] : memref<32x80x128xi32, #tpu.memory_space<hbm>> -> memref<1x80x128xi32, #tpu.memory_space<hbm>>
    %dma_start3A_15 = tpu.memref_squeeze %dma_start3A_14 : memref<1x80x128xi32, #tpu.memory_space<hbm>> -> memref<80x128xi32, #tpu.memory_space<hbm>>
    tpu.enqueue_dma source(%dma_start3A_15 : memref<80x128xi32, #tpu.memory_space<hbm>>) target(%arg8 : memref<80x128xi32, #tpu.memory_space<vmem>>) target_semaphore(%arg22 : memref<!tpu.dma_semaphore, #tpu.memory_space<semaphore_mem>>)
    %dma_start3A_16 = arith.constant 0 : i32
    %dma_start3A_17 = arith.constant 0 : i32
    %dma_start3A_18 = tpu.memref_slice %arg4[%add3A, %dma_start3A_16, %dma_start3A_17] : memref<32x80x128xi32, #tpu.memory_space<hbm>> -> memref<1x80x128xi32, #tpu.memory_space<hbm>>
    %dma_start3A_19 = tpu.memref_squeeze %dma_start3A_18 : memref<1x80x128xi32, #tpu.memory_space<hbm>> -> memref<80x128xi32, #tpu.memory_space<hbm>>
    %dma_start3A_20 = arith.constant 0 : i32
    %dma_start3A_21 = arith.constant 0 : i32
    %dma_start3A_22 = tpu.memref_slice %arg4[%add3A, %dma_start3A_20, %dma_start3A_21] : memref<32x80x128xi32, #tpu.memory_space<hbm>> -> memref<1x80x128xi32, #tpu.memory_space<hbm>>
    %dma_start3A_23 = tpu.memref_squeeze %dma_start3A_22 : memref<1x80x128xi32, #tpu.memory_space<hbm>> -> memref<80x128xi32, #tpu.memory_space<hbm>>
    tpu.enqueue_dma source(%dma_start3A_23 : memref<80x128xi32, #tpu.memory_space<hbm>>) target(%arg9 : memref<80x128xi32, #tpu.memory_space<vmem>>) target_semaphore(%arg23 : memref<!tpu.dma_semaphore, #tpu.memory_space<semaphore_mem>>)
    %dma_wait3A = arith.constant 0 : i32
    %dma_wait3A_24 = tpu.memref_slice %arg10[%mul3A_2, %dma_wait3A] : memref<10240x16xf32, #tpu.memory_space<vmem_shared>> -> memref<640x16xf32, #tpu.memory_space<vmem_shared>>
    tpu.wait_dma2 semaphore(%arg20 : memref<!tpu.dma_semaphore, #tpu.memory_space<semaphore_mem>>) src(%arg5 : memref<640x16xf32, #tpu.memory_space<hbm>>) dst(%dma_wait3A_24 : memref<640x16xf32, #tpu.memory_space<vmem_shared>>)
    %dma_wait3A_25 = arith.constant 0 : i32
    %dma_wait3A_26 = tpu.memref_slice %arg11[%mul3A_2, %dma_wait3A_25] : memref<10240x16xf32, #tpu.memory_space<vmem_shared>> -> memref<640x16xf32, #tpu.memory_space<vmem_shared>>
    %dma_wait3A_27 = arith.constant 0 : i32
    %dma_wait3A_28 = tpu.memref_slice %arg2[%mul3A_2, %dma_wait3A_27] : memref<10240x16xf32, #tpu.memory_space<hbm>> -> memref<640x16xf32, #tpu.memory_space<hbm>>
    tpu.wait_dma2 semaphore(%arg21 : memref<!tpu.dma_semaphore, #tpu.memory_space<semaphore_mem>>) src(%dma_wait3A_28 : memref<640x16xf32, #tpu.memory_space<hbm>>) dst(%dma_wait3A_26 : memref<640x16xf32, #tpu.memory_space<vmem_shared>>)
    %dma_wait3A_29 = arith.constant 0 : i32
    %dma_wait3A_30 = arith.constant 0 : i32
    %dma_wait3A_31 = tpu.memref_slice %arg3[%add3A, %dma_wait3A_29, %dma_wait3A_30] : memref<32x80x128xi32, #tpu.memory_space<hbm>> -> memref<1x80x128xi32, #tpu.memory_space<hbm>>
    %dma_wait3A_32 = tpu.memref_squeeze %dma_wait3A_31 : memref<1x80x128xi32, #tpu.memory_space<hbm>> -> memref<80x128xi32, #tpu.memory_space<hbm>>
    %dma_wait3A_33 = arith.constant 0 : i32
    %dma_wait3A_34 = arith.constant 0 : i32
    %dma_wait3A_35 = tpu.memref_slice %arg3[%add3A, %dma_wait3A_33, %dma_wait3A_34] : memref<32x80x128xi32, #tpu.memory_space<hbm>> -> memref<1x80x128xi32, #tpu.memory_space<hbm>>
    %dma_wait3A_36 = tpu.memref_squeeze %dma_wait3A_35 : memref<1x80x128xi32, #tpu.memory_space<hbm>> -> memref<80x128xi32, #tpu.memory_space<hbm>>
    tpu.wait_dma2 semaphore(%arg22 : memref<!tpu.dma_semaphore, #tpu.memory_space<semaphore_mem>>) src(%dma_wait3A_36 : memref<80x128xi32, #tpu.memory_space<hbm>>) dst(%arg8 : memref<80x128xi32, #tpu.memory_space<vmem>>)
    %dma_wait3A_37 = arith.constant 0 : i32
    %dma_wait3A_38 = arith.constant 0 : i32
    %dma_wait3A_39 = tpu.memref_slice %arg4[%add3A, %dma_wait3A_37, %dma_wait3A_38] : memref<32x80x128xi32, #tpu.memory_space<hbm>> -> memref<1x80x128xi32, #tpu.memory_space<hbm>>
    %dma_wait3A_40 = tpu.memref_squeeze %dma_wait3A_39 : memref<1x80x128xi32, #tpu.memory_space<hbm>> -> memref<80x128xi32, #tpu.memory_space<hbm>>
    %dma_wait3A_41 = arith.constant 0 : i32
    %dma_wait3A_42 = arith.constant 0 : i32
    %dma_wait3A_43 = tpu.memref_slice %arg4[%add3A, %dma_wait3A_41, %dma_wait3A_42] : memref<32x80x128xi32, #tpu.memory_space<hbm>> -> memref<1x80x128xi32, #tpu.memory_space<hbm>>
    %dma_wait3A_44 = tpu.memref_squeeze %dma_wait3A_43 : memref<1x80x128xi32, #tpu.memory_space<hbm>> -> memref<80x128xi32, #tpu.memory_space<hbm>>
    tpu.wait_dma2 semaphore(%arg23 : memref<!tpu.dma_semaphore, #tpu.memory_space<semaphore_mem>>) src(%dma_wait3A_44 : memref<80x128xi32, #tpu.memory_space<hbm>>) dst(%arg9 : memref<80x128xi32, #tpu.memory_space<vmem>>)
    %barrier3A = arith.constant 0 : index
    tpu.barrier barrier_id(%barrier3A)
    %dma_start3A_45 = arith.constant 0 : i32
    %dma_start3A_46 = arith.constant 0 : i32
    %dma_start3A_47 = tpu.memref_slice %arg8[%dma_start3A_45, %dma_start3A_46] : memref<80x128xi32, #tpu.memory_space<vmem>> -> memref<1x128xi32, #tpu.memory_space<vmem>>
    %dma_start3A_48 = tpu.memref_squeeze %dma_start3A_47 : memref<1x128xi32, #tpu.memory_space<vmem>> -> memref<128xi32, #tpu.memory_space<vmem>>
    %dma_start3A_49 = arith.constant 0 : i32
    %dma_start3A_50 = arith.constant 0 : i32
    %dma_start3A_51 = tpu.memref_slice %arg11[%dma_start3A_49, %dma_start3A_50] : memref<10240x16xf32, #tpu.memory_space<vmem_shared>> -> memref<10240x16xf32, #tpu.memory_space<vmem_shared>>
    tpu.enqueue_indirect_dma source(%dma_start3A_51 : memref<10240x16xf32, #tpu.memory_space<vmem_shared>>) target(%arg12 : memref<128x16xf32, #tpu.memory_space<vmem>>) offsets(%dma_start3A_48 : memref<128xi32, #tpu.memory_space<vmem>>) semaphore(%arg16 : memref<!tpu.dma_semaphore, #tpu.memory_space<semaphore_mem>>)
    %dma_start3A_52 = arith.constant 1 : i32
    %dma_start3A_53 = arith.constant 0 : i32
    %dma_start3A_54 = tpu.memref_slice %arg8[%dma_start3A_52, %dma_start3A_53] : memref<80x128xi32, #tpu.memory_space<vmem>> -> memref<1x128xi32, #tpu.memory_space<vmem>>
    %dma_start3A_55 = tpu.memref_squeeze %dma_start3A_54 : memref<1x128xi32, #tpu.memory_space<vmem>> -> memref<128xi32, #tpu.memory_space<vmem>>
    %dma_start3A_56 = arith.constant 0 : i32
    %dma_start3A_57 = arith.constant 0 : i32
    %dma_start3A_58 = tpu.memref_slice %arg11[%dma_start3A_56, %dma_start3A_57] : memref<10240x16xf32, #tpu.memory_space<vmem_shared>> -> memref<10240x16xf32, #tpu.memory_space<vmem_shared>>
    tpu.enqueue_indirect_dma source(%dma_start3A_58 : memref<10240x16xf32, #tpu.memory_space<vmem_shared>>) target(%arg13 : memref<128x16xf32, #tpu.memory_space<vmem>>) offsets(%dma_start3A_55 : memref<128xi32, #tpu.memory_space<vmem>>) semaphore(%arg17 : memref<!tpu.dma_semaphore, #tpu.memory_space<semaphore_mem>>)
    %dma_start3A_59 = arith.constant 2 : i32
    %dma_start3A_60 = arith.constant 0 : i32
    %dma_start3A_61 = tpu.memref_slice %arg8[%dma_start3A_59, %dma_start3A_60] : memref<80x128xi32, #tpu.memory_space<vmem>> -> memref<1x128xi32, #tpu.memory_space<vmem>>
    %dma_start3A_62 = tpu.memref_squeeze %dma_start3A_61 : memref<1x128xi32, #tpu.memory_space<vmem>> -> memref<128xi32, #tpu.memory_space<vmem>>
    %dma_start3A_63 = arith.constant 0 : i32
    %dma_start3A_64 = arith.constant 0 : i32
    %dma_start3A_65 = tpu.memref_slice %arg11[%dma_start3A_63, %dma_start3A_64] : memref<10240x16xf32, #tpu.memory_space<vmem_shared>> -> memref<10240x16xf32, #tpu.memory_space<vmem_shared>>
    tpu.enqueue_indirect_dma source(%dma_start3A_65 : memref<10240x16xf32, #tpu.memory_space<vmem_shared>>) target(%arg14 : memref<128x16xf32, #tpu.memory_space<vmem>>) offsets(%dma_start3A_62 : memref<128xi32, #tpu.memory_space<vmem>>) semaphore(%arg18 : memref<!tpu.dma_semaphore, #tpu.memory_space<semaphore_mem>>)
    %dma_start3A_66 = arith.constant 3 : i32
    %dma_start3A_67 = arith.constant 0 : i32
    %dma_start3A_68 = tpu.memref_slice %arg8[%dma_start3A_66, %dma_start3A_67] : memref<80x128xi32, #tpu.memory_space<vmem>> -> memref<1x128xi32, #tpu.memory_space<vmem>>
    %dma_start3A_69 = tpu.memref_squeeze %dma_start3A_68 : memref<1x128xi32, #tpu.memory_space<vmem>> -> memref<128xi32, #tpu.memory_space<vmem>>
    %dma_start3A_70 = arith.constant 0 : i32
    %dma_start3A_71 = arith.constant 0 : i32
    %dma_start3A_72 = tpu.memref_slice %arg11[%dma_start3A_70, %dma_start3A_71] : memref<10240x16xf32, #tpu.memory_space<vmem_shared>> -> memref<10240x16xf32, #tpu.memory_space<vmem_shared>>
    tpu.enqueue_indirect_dma source(%dma_start3A_72 : memref<10240x16xf32, #tpu.memory_space<vmem_shared>>) target(%arg15 : memref<128x16xf32, #tpu.memory_space<vmem>>) offsets(%dma_start3A_69 : memref<128xi32, #tpu.memory_space<vmem>>) semaphore(%arg19 : memref<!tpu.dma_semaphore, #tpu.memory_space<semaphore_mem>>)
    %scan3A = arith.constant 0 : i32
    %scan3A_73 = arith.constant 20 : i32
    %scan3A_74 = arith.addi %scan3A, %scan3A_73 : i32
    %scan3A_75 = arith.constant 1 : i32
    scf.for %scan3A_88 = %scan3A to %scan3A_74 step %scan3A_75  : i32 {
      %mul3A_89 = arith.constant 1 : i32
      %mul3A_90 = arith.muli %scan3A_88, %mul3A_89 : i32
      %add3A_91 = arith.constant 0 : i32
      %add3A_92 = arith.addi %add3A_91, %mul3A_90 : i32
      %mul3A_93 = arith.constant 4 : i32
      %mul3A_94 = arith.muli %add3A_92, %mul3A_93 : i32
      %add3A_95 = arith.constant 0 : i32
      %add3A_96 = arith.addi %mul3A_94, %add3A_95 : i32
      %dma_wait3A_97 = arith.constant 0 : i32
      %dma_wait3A_98 = tpu.memref_slice %arg8[%add3A_96, %dma_wait3A_97] : memref<80x128xi32, #tpu.memory_space<vmem>> -> memref<1x128xi32, #tpu.memory_space<vmem>>
      %dma_wait3A_99 = tpu.memref_squeeze %dma_wait3A_98 : memref<1x128xi32, #tpu.memory_space<vmem>> -> memref<128xi32, #tpu.memory_space<vmem>>
      %dma_wait3A_100 = arith.constant 0 : i32
      %dma_wait3A_101 = arith.constant 0 : i32
      %dma_wait3A_102 = tpu.memref_slice %arg11[%dma_wait3A_100, %dma_wait3A_101] : memref<10240x16xf32, #tpu.memory_space<vmem_shared>> -> memref<10240x16xf32, #tpu.memory_space<vmem_shared>>
      tpu.wait_indirect_dma semaphore(%arg16 : memref<!tpu.dma_semaphore, #tpu.memory_space<semaphore_mem>>) src(%dma_wait3A_102 : memref<10240x16xf32, #tpu.memory_space<vmem_shared>>) dst(%arg12 : memref<128x16xf32, #tpu.memory_space<vmem>>)
      "tpu.region"() ({
        %run_scoped3A = tpu.sem_alloc : memref<!tpu.dma_semaphore, #tpu.memory_space<semaphore_mem>>
        %dma_start3A_152 = arith.constant 0 : i32
        %dma_start3A_153 = tpu.memref_slice %arg9[%add3A_96, %dma_start3A_152] : memref<80x128xi32, #tpu.memory_space<vmem>> -> memref<1x128xi32, #tpu.memory_space<vmem>>
        %dma_start3A_154 = tpu.memref_squeeze %dma_start3A_153 : memref<1x128xi32, #tpu.memory_space<vmem>> -> memref<128xi32, #tpu.memory_space<vmem>>
        %dma_start3A_155 = arith.constant 0 : i32
        %dma_start3A_156 = arith.constant 0 : i32
        %dma_start3A_157 = tpu.memref_slice %arg10[%dma_start3A_155, %dma_start3A_156] : memref<10240x16xf32, #tpu.memory_space<vmem_shared>> -> memref<10240x16xf32, #tpu.memory_space<vmem_shared>>
        tpu.enqueue_indirect_dma source(%arg12 : memref<128x16xf32, #tpu.memory_space<vmem>>) target(%dma_start3A_157 : memref<10240x16xf32, #tpu.memory_space<vmem_shared>>) offsets(%dma_start3A_154 : memref<128xi32, #tpu.memory_space<vmem>>) semaphore(%run_scoped3A : memref<!tpu.dma_semaphore, #tpu.memory_space<semaphore_mem>>) {add = true}
        %dma_wait3A_158 = arith.constant 0 : i32
        %dma_wait3A_159 = tpu.memref_slice %arg9[%add3A_96, %dma_wait3A_158] : memref<80x128xi32, #tpu.memory_space<vmem>> -> memref<1x128xi32, #tpu.memory_space<vmem>>
        %dma_wait3A_160 = tpu.memref_squeeze %dma_wait3A_159 : memref<1x128xi32, #tpu.memory_space<vmem>> -> memref<128xi32, #tpu.memory_space<vmem>>
        %dma_wait3A_161 = arith.constant 0 : i32
        %dma_wait3A_162 = arith.constant 0 : i32
        %dma_wait3A_163 = tpu.memref_slice %arg10[%dma_wait3A_161, %dma_wait3A_162] : memref<10240x16xf32, #tpu.memory_space<vmem_shared>> -> memref<10240x16xf32, #tpu.memory_space<vmem_shared>>
        tpu.wait_indirect_dma semaphore(%run_scoped3A : memref<!tpu.dma_semaphore, #tpu.memory_space<semaphore_mem>>) src(%arg12 : memref<128x16xf32, #tpu.memory_space<vmem>>) dst(%dma_wait3A_163 : memref<10240x16xf32, #tpu.memory_space<vmem_shared>>)
        tpu.yield
      }) : () -> ()
      %add3A_103 = arith.constant 4 : i32
      %add3A_104 = arith.addi %add3A_96, %add3A_103 : i32
      %lt3A = arith.constant 80 : i32
      %lt3A_105 = arith.cmpi slt, %add3A_104, %lt3A : i32
      %convert_element_type3A = arith.extui %lt3A_105 : i1 to i32
      %cond3A = arith.constant 0 : i32
      %cond3A_106 = arith.cmpi ne, %convert_element_type3A, %cond3A : i32
      scf.if %cond3A_106 {
        %dma_start3A_152 = arith.constant 0 : i32
        %dma_start3A_153 = tpu.memref_slice %arg8[%add3A_104, %dma_start3A_152] : memref<80x128xi32, #tpu.memory_space<vmem>> -> memref<1x128xi32, #tpu.memory_space<vmem>>
        %dma_start3A_154 = tpu.memref_squeeze %dma_start3A_153 : memref<1x128xi32, #tpu.memory_space<vmem>> -> memref<128xi32, #tpu.memory_space<vmem>>
        %dma_start3A_155 = arith.constant 0 : i32
        %dma_start3A_156 = arith.constant 0 : i32
        %dma_start3A_157 = tpu.memref_slice %arg11[%dma_start3A_155, %dma_start3A_156] : memref<10240x16xf32, #tpu.memory_space<vmem_shared>> -> memref<10240x16xf32, #tpu.memory_space<vmem_shared>>
        tpu.enqueue_indirect_dma source(%dma_start3A_157 : memref<10240x16xf32, #tpu.memory_space<vmem_shared>>) target(%arg12 : memref<128x16xf32, #tpu.memory_space<vmem>>) offsets(%dma_start3A_154 : memref<128xi32, #tpu.memory_space<vmem>>) semaphore(%arg16 : memref<!tpu.dma_semaphore, #tpu.memory_space<semaphore_mem>>)
      } else {
      }
      %add3A_107 = arith.constant 1 : i32
      %add3A_108 = arith.addi %mul3A_94, %add3A_107 : i32
      %dma_wait3A_109 = arith.constant 0 : i32
      %dma_wait3A_110 = tpu.memref_slice %arg8[%add3A_108, %dma_wait3A_109] : memref<80x128xi32, #tpu.memory_space<vmem>> -> memref<1x128xi32, #tpu.memory_space<vmem>>
      %dma_wait3A_111 = tpu.memref_squeeze %dma_wait3A_110 : memref<1x128xi32, #tpu.memory_space<vmem>> -> memref<128xi32, #tpu.memory_space<vmem>>
      %dma_wait3A_112 = arith.constant 0 : i32
      %dma_wait3A_113 = arith.constant 0 : i32
      %dma_wait3A_114 = tpu.memref_slice %arg11[%dma_wait3A_112, %dma_wait3A_113] : memref<10240x16xf32, #tpu.memory_space<vmem_shared>> -> memref<10240x16xf32, #tpu.memory_space<vmem_shared>>
      tpu.wait_indirect_dma semaphore(%arg17 : memref<!tpu.dma_semaphore, #tpu.memory_space<semaphore_mem>>) src(%dma_wait3A_114 : memref<10240x16xf32, #tpu.memory_space<vmem_shared>>) dst(%arg13 : memref<128x16xf32, #tpu.memory_space<vmem>>)
      "tpu.region"() ({
        %run_scoped3A = tpu.sem_alloc : memref<!tpu.dma_semaphore, #tpu.memory_space<semaphore_mem>>
        %dma_start3A_152 = arith.constant 0 : i32
        %dma_start3A_153 = tpu.memref_slice %arg9[%add3A_108, %dma_start3A_152] : memref<80x128xi32, #tpu.memory_space<vmem>> -> memref<1x128xi32, #tpu.memory_space<vmem>>
        %dma_start3A_154 = tpu.memref_squeeze %dma_start3A_153 : memref<1x128xi32, #tpu.memory_space<vmem>> -> memref<128xi32, #tpu.memory_space<vmem>>
        %dma_start3A_155 = arith.constant 0 : i32
        %dma_start3A_156 = arith.constant 0 : i32
        %dma_start3A_157 = tpu.memref_slice %arg10[%dma_start3A_155, %dma_start3A_156] : memref<10240x16xf32, #tpu.memory_space<vmem_shared>> -> memref<10240x16xf32, #tpu.memory_space<vmem_shared>>
        tpu.enqueue_indirect_dma source(%arg13 : memref<128x16xf32, #tpu.memory_space<vmem>>) target(%dma_start3A_157 : memref<10240x16xf32, #tpu.memory_space<vmem_shared>>) offsets(%dma_start3A_154 : memref<128xi32, #tpu.memory_space<vmem>>) semaphore(%run_scoped3A : memref<!tpu.dma_semaphore, #tpu.memory_space<semaphore_mem>>) {add = true}
        %dma_wait3A_158 = arith.constant 0 : i32
        %dma_wait3A_159 = tpu.memref_slice %arg9[%add3A_108, %dma_wait3A_158] : memref<80x128xi32, #tpu.memory_space<vmem>> -> memref<1x128xi32, #tpu.memory_space<vmem>>
        %dma_wait3A_160 = tpu.memref_squeeze %dma_wait3A_159 : memref<1x128xi32, #tpu.memory_space<vmem>> -> memref<128xi32, #tpu.memory_space<vmem>>
        %dma_wait3A_161 = arith.constant 0 : i32
        %dma_wait3A_162 = arith.constant 0 : i32
        %dma_wait3A_163 = tpu.memref_slice %arg10[%dma_wait3A_161, %dma_wait3A_162] : memref<10240x16xf32, #tpu.memory_space<vmem_shared>> -> memref<10240x16xf32, #tpu.memory_space<vmem_shared>>
        tpu.wait_indirect_dma semaphore(%run_scoped3A : memref<!tpu.dma_semaphore, #tpu.memory_space<semaphore_mem>>) src(%arg13 : memref<128x16xf32, #tpu.memory_space<vmem>>) dst(%dma_wait3A_163 : memref<10240x16xf32, #tpu.memory_space<vmem_shared>>)
        tpu.yield
      }) : () -> ()
      %add3A_115 = arith.constant 4 : i32
      %add3A_116 = arith.addi %add3A_108, %add3A_115 : i32
      %lt3A_117 = arith.constant 80 : i32
      %lt3A_118 = arith.cmpi slt, %add3A_116, %lt3A_117 : i32
      %convert_element_type3A_119 = arith.extui %lt3A_118 : i1 to i32
      %cond3A_120 = arith.constant 0 : i32
      %cond3A_121 = arith.cmpi ne, %convert_element_type3A_119, %cond3A_120 : i32
      scf.if %cond3A_121 {
        %dma_start3A_152 = arith.constant 0 : i32
        %dma_start3A_153 = tpu.memref_slice %arg8[%add3A_116, %dma_start3A_152] : memref<80x128xi32, #tpu.memory_space<vmem>> -> memref<1x128xi32, #tpu.memory_space<vmem>>
        %dma_start3A_154 = tpu.memref_squeeze %dma_start3A_153 : memref<1x128xi32, #tpu.memory_space<vmem>> -> memref<128xi32, #tpu.memory_space<vmem>>
        %dma_start3A_155 = arith.constant 0 : i32
        %dma_start3A_156 = arith.constant 0 : i32
        %dma_start3A_157 = tpu.memref_slice %arg11[%dma_start3A_155, %dma_start3A_156] : memref<10240x16xf32, #tpu.memory_space<vmem_shared>> -> memref<10240x16xf32, #tpu.memory_space<vmem_shared>>
        tpu.enqueue_indirect_dma source(%dma_start3A_157 : memref<10240x16xf32, #tpu.memory_space<vmem_shared>>) target(%arg13 : memref<128x16xf32, #tpu.memory_space<vmem>>) offsets(%dma_start3A_154 : memref<128xi32, #tpu.memory_space<vmem>>) semaphore(%arg17 : memref<!tpu.dma_semaphore, #tpu.memory_space<semaphore_mem>>)
      } else {
      }
      %add3A_122 = arith.constant 2 : i32
      %add3A_123 = arith.addi %mul3A_94, %add3A_122 : i32
      %dma_wait3A_124 = arith.constant 0 : i32
      %dma_wait3A_125 = tpu.memref_slice %arg8[%add3A_123, %dma_wait3A_124] : memref<80x128xi32, #tpu.memory_space<vmem>> -> memref<1x128xi32, #tpu.memory_space<vmem>>
      %dma_wait3A_126 = tpu.memref_squeeze %dma_wait3A_125 : memref<1x128xi32, #tpu.memory_space<vmem>> -> memref<128xi32, #tpu.memory_space<vmem>>
      %dma_wait3A_127 = arith.constant 0 : i32
      %dma_wait3A_128 = arith.constant 0 : i32
      %dma_wait3A_129 = tpu.memref_slice %arg11[%dma_wait3A_127, %dma_wait3A_128] : memref<10240x16xf32, #tpu.memory_space<vmem_shared>> -> memref<10240x16xf32, #tpu.memory_space<vmem_shared>>
      tpu.wait_indirect_dma semaphore(%arg18 : memref<!tpu.dma_semaphore, #tpu.memory_space<semaphore_mem>>) src(%dma_wait3A_129 : memref<10240x16xf32, #tpu.memory_space<vmem_shared>>) dst(%arg14 : memref<128x16xf32, #tpu.memory_space<vmem>>)
      "tpu.region"() ({
        %run_scoped3A = tpu.sem_alloc : memref<!tpu.dma_semaphore, #tpu.memory_space<semaphore_mem>>
        %dma_start3A_152 = arith.constant 0 : i32
        %dma_start3A_153 = tpu.memref_slice %arg9[%add3A_123, %dma_start3A_152] : memref<80x128xi32, #tpu.memory_space<vmem>> -> memref<1x128xi32, #tpu.memory_space<vmem>>
        %dma_start3A_154 = tpu.memref_squeeze %dma_start3A_153 : memref<1x128xi32, #tpu.memory_space<vmem>> -> memref<128xi32, #tpu.memory_space<vmem>>
        %dma_start3A_155 = arith.constant 0 : i32
        %dma_start3A_156 = arith.constant 0 : i32
        %dma_start3A_157 = tpu.memref_slice %arg10[%dma_start3A_155, %dma_start3A_156] : memref<10240x16xf32, #tpu.memory_space<vmem_shared>> -> memref<10240x16xf32, #tpu.memory_space<vmem_shared>>
        tpu.enqueue_indirect_dma source(%arg14 : memref<128x16xf32, #tpu.memory_space<vmem>>) target(%dma_start3A_157 : memref<10240x16xf32, #tpu.memory_space<vmem_shared>>) offsets(%dma_start3A_154 : memref<128xi32, #tpu.memory_space<vmem>>) semaphore(%run_scoped3A : memref<!tpu.dma_semaphore, #tpu.memory_space<semaphore_mem>>) {add = true}
        %dma_wait3A_158 = arith.constant 0 : i32
        %dma_wait3A_159 = tpu.memref_slice %arg9[%add3A_123, %dma_wait3A_158] : memref<80x128xi32, #tpu.memory_space<vmem>> -> memref<1x128xi32, #tpu.memory_space<vmem>>
        %dma_wait3A_160 = tpu.memref_squeeze %dma_wait3A_159 : memref<1x128xi32, #tpu.memory_space<vmem>> -> memref<128xi32, #tpu.memory_space<vmem>>
        %dma_wait3A_161 = arith.constant 0 : i32
        %dma_wait3A_162 = arith.constant 0 : i32
        %dma_wait3A_163 = tpu.memref_slice %arg10[%dma_wait3A_161, %dma_wait3A_162] : memref<10240x16xf32, #tpu.memory_space<vmem_shared>> -> memref<10240x16xf32, #tpu.memory_space<vmem_shared>>
        tpu.wait_indirect_dma semaphore(%run_scoped3A : memref<!tpu.dma_semaphore, #tpu.memory_space<semaphore_mem>>) src(%arg14 : memref<128x16xf32, #tpu.memory_space<vmem>>) dst(%dma_wait3A_163 : memref<10240x16xf32, #tpu.memory_space<vmem_shared>>)
        tpu.yield
      }) : () -> ()
      %add3A_130 = arith.constant 4 : i32
      %add3A_131 = arith.addi %add3A_123, %add3A_130 : i32
      %lt3A_132 = arith.constant 80 : i32
      %lt3A_133 = arith.cmpi slt, %add3A_131, %lt3A_132 : i32
      %convert_element_type3A_134 = arith.extui %lt3A_133 : i1 to i32
      %cond3A_135 = arith.constant 0 : i32
      %cond3A_136 = arith.cmpi ne, %convert_element_type3A_134, %cond3A_135 : i32
      scf.if %cond3A_136 {
        %dma_start3A_152 = arith.constant 0 : i32
        %dma_start3A_153 = tpu.memref_slice %arg8[%add3A_131, %dma_start3A_152] : memref<80x128xi32, #tpu.memory_space<vmem>> -> memref<1x128xi32, #tpu.memory_space<vmem>>
        %dma_start3A_154 = tpu.memref_squeeze %dma_start3A_153 : memref<1x128xi32, #tpu.memory_space<vmem>> -> memref<128xi32, #tpu.memory_space<vmem>>
        %dma_start3A_155 = arith.constant 0 : i32
        %dma_start3A_156 = arith.constant 0 : i32
        %dma_start3A_157 = tpu.memref_slice %arg11[%dma_start3A_155, %dma_start3A_156] : memref<10240x16xf32, #tpu.memory_space<vmem_shared>> -> memref<10240x16xf32, #tpu.memory_space<vmem_shared>>
        tpu.enqueue_indirect_dma source(%dma_start3A_157 : memref<10240x16xf32, #tpu.memory_space<vmem_shared>>) target(%arg14 : memref<128x16xf32, #tpu.memory_space<vmem>>) offsets(%dma_start3A_154 : memref<128xi32, #tpu.memory_space<vmem>>) semaphore(%arg18 : memref<!tpu.dma_semaphore, #tpu.memory_space<semaphore_mem>>)
      } else {
      }
      %add3A_137 = arith.constant 3 : i32
      %add3A_138 = arith.addi %mul3A_94, %add3A_137 : i32
      %dma_wait3A_139 = arith.constant 0 : i32
      %dma_wait3A_140 = tpu.memref_slice %arg8[%add3A_138, %dma_wait3A_139] : memref<80x128xi32, #tpu.memory_space<vmem>> -> memref<1x128xi32, #tpu.memory_space<vmem>>
      %dma_wait3A_141 = tpu.memref_squeeze %dma_wait3A_140 : memref<1x128xi32, #tpu.memory_space<vmem>> -> memref<128xi32, #tpu.memory_space<vmem>>
      %dma_wait3A_142 = arith.constant 0 : i32
      %dma_wait3A_143 = arith.constant 0 : i32
      %dma_wait3A_144 = tpu.memref_slice %arg11[%dma_wait3A_142, %dma_wait3A_143] : memref<10240x16xf32, #tpu.memory_space<vmem_shared>> -> memref<10240x16xf32, #tpu.memory_space<vmem_shared>>
      tpu.wait_indirect_dma semaphore(%arg19 : memref<!tpu.dma_semaphore, #tpu.memory_space<semaphore_mem>>) src(%dma_wait3A_144 : memref<10240x16xf32, #tpu.memory_space<vmem_shared>>) dst(%arg15 : memref<128x16xf32, #tpu.memory_space<vmem>>)
      "tpu.region"() ({
        %run_scoped3A = tpu.sem_alloc : memref<!tpu.dma_semaphore, #tpu.memory_space<semaphore_mem>>
        %dma_start3A_152 = arith.constant 0 : i32
        %dma_start3A_153 = tpu.memref_slice %arg9[%add3A_138, %dma_start3A_152] : memref<80x128xi32, #tpu.memory_space<vmem>> -> memref<1x128xi32, #tpu.memory_space<vmem>>
        %dma_start3A_154 = tpu.memref_squeeze %dma_start3A_153 : memref<1x128xi32, #tpu.memory_space<vmem>> -> memref<128xi32, #tpu.memory_space<vmem>>
        %dma_start3A_155 = arith.constant 0 : i32
        %dma_start3A_156 = arith.constant 0 : i32
        %dma_start3A_157 = tpu.memref_slice %arg10[%dma_start3A_155, %dma_start3A_156] : memref<10240x16xf32, #tpu.memory_space<vmem_shared>> -> memref<10240x16xf32, #tpu.memory_space<vmem_shared>>
        tpu.enqueue_indirect_dma source(%arg15 : memref<128x16xf32, #tpu.memory_space<vmem>>) target(%dma_start3A_157 : memref<10240x16xf32, #tpu.memory_space<vmem_shared>>) offsets(%dma_start3A_154 : memref<128xi32, #tpu.memory_space<vmem>>) semaphore(%run_scoped3A : memref<!tpu.dma_semaphore, #tpu.memory_space<semaphore_mem>>) {add = true}
        %dma_wait3A_158 = arith.constant 0 : i32
        %dma_wait3A_159 = tpu.memref_slice %arg9[%add3A_138, %dma_wait3A_158] : memref<80x128xi32, #tpu.memory_space<vmem>> -> memref<1x128xi32, #tpu.memory_space<vmem>>
        %dma_wait3A_160 = tpu.memref_squeeze %dma_wait3A_159 : memref<1x128xi32, #tpu.memory_space<vmem>> -> memref<128xi32, #tpu.memory_space<vmem>>
        %dma_wait3A_161 = arith.constant 0 : i32
        %dma_wait3A_162 = arith.constant 0 : i32
        %dma_wait3A_163 = tpu.memref_slice %arg10[%dma_wait3A_161, %dma_wait3A_162] : memref<10240x16xf32, #tpu.memory_space<vmem_shared>> -> memref<10240x16xf32, #tpu.memory_space<vmem_shared>>
        tpu.wait_indirect_dma semaphore(%run_scoped3A : memref<!tpu.dma_semaphore, #tpu.memory_space<semaphore_mem>>) src(%arg15 : memref<128x16xf32, #tpu.memory_space<vmem>>) dst(%dma_wait3A_163 : memref<10240x16xf32, #tpu.memory_space<vmem_shared>>)
        tpu.yield
      }) : () -> ()
      %add3A_145 = arith.constant 4 : i32
      %add3A_146 = arith.addi %add3A_138, %add3A_145 : i32
      %lt3A_147 = arith.constant 80 : i32
      %lt3A_148 = arith.cmpi slt, %add3A_146, %lt3A_147 : i32
      %convert_element_type3A_149 = arith.extui %lt3A_148 : i1 to i32
      %cond3A_150 = arith.constant 0 : i32
      %cond3A_151 = arith.cmpi ne, %convert_element_type3A_149, %cond3A_150 : i32
      scf.if %cond3A_151 {
        %dma_start3A_152 = arith.constant 0 : i32
        %dma_start3A_153 = tpu.memref_slice %arg8[%add3A_146, %dma_start3A_152] : memref<80x128xi32, #tpu.memory_space<vmem>> -> memref<1x128xi32, #tpu.memory_space<vmem>>
        %dma_start3A_154 = tpu.memref_squeeze %dma_start3A_153 : memref<1x128xi32, #tpu.memory_space<vmem>> -> memref<128xi32, #tpu.memory_space<vmem>>
        %dma_start3A_155 = arith.constant 0 : i32
        %dma_start3A_156 = arith.constant 0 : i32
        %dma_start3A_157 = tpu.memref_slice %arg11[%dma_start3A_155, %dma_start3A_156] : memref<10240x16xf32, #tpu.memory_space<vmem_shared>> -> memref<10240x16xf32, #tpu.memory_space<vmem_shared>>
        tpu.enqueue_indirect_dma source(%dma_start3A_157 : memref<10240x16xf32, #tpu.memory_space<vmem_shared>>) target(%arg15 : memref<128x16xf32, #tpu.memory_space<vmem>>) offsets(%dma_start3A_154 : memref<128xi32, #tpu.memory_space<vmem>>) semaphore(%arg19 : memref<!tpu.dma_semaphore, #tpu.memory_space<semaphore_mem>>)
      } else {
      }
    }
    %scan3A_76 = arith.constant 20 : i32
    %barrier3A_77 = arith.constant 0 : index
    tpu.barrier barrier_id(%barrier3A_77)
    %dma_start3A_78 = arith.constant 0 : i32
    %dma_start3A_79 = tpu.memref_slice %arg7[%arg0, %mul3A_2, %dma_start3A_78] : memref<2x10240x16xf32, #tpu.memory_space<hbm>> -> memref<1x640x16xf32, #tpu.memory_space<hbm>>
    %dma_start3A_80 = tpu.memref_squeeze %dma_start3A_79 : memref<1x640x16xf32, #tpu.memory_space<hbm>> -> memref<640x16xf32, #tpu.memory_space<hbm>>
    %dma_start3A_81 = arith.constant 0 : i32
    %dma_start3A_82 = tpu.memref_slice %arg10[%mul3A_2, %dma_start3A_81] : memref<10240x16xf32, #tpu.memory_space<vmem_shared>> -> memref<640x16xf32, #tpu.memory_space<vmem_shared>>
    tpu.enqueue_dma source(%dma_start3A_82 : memref<640x16xf32, #tpu.memory_space<vmem_shared>>) target(%dma_start3A_80 : memref<640x16xf32, #tpu.memory_space<hbm>>) target_semaphore(%arg20 : memref<!tpu.dma_semaphore, #tpu.memory_space<semaphore_mem>>)
    %dma_wait3A_83 = arith.constant 0 : i32
    %dma_wait3A_84 = tpu.memref_slice %arg7[%arg0, %mul3A_2, %dma_wait3A_83] : memref<2x10240x16xf32, #tpu.memory_space<hbm>> -> memref<1x640x16xf32, #tpu.memory_space<hbm>>
    %dma_wait3A_85 = tpu.memref_squeeze %dma_wait3A_84 : memref<1x640x16xf32, #tpu.memory_space<hbm>> -> memref<640x16xf32, #tpu.memory_space<hbm>>
    %dma_wait3A_86 = arith.constant 0 : i32
    %dma_wait3A_87 = tpu.memref_slice %arg10[%mul3A_2, %dma_wait3A_86] : memref<10240x16xf32, #tpu.memory_space<vmem_shared>> -> memref<640x16xf32, #tpu.memory_space<vmem_shared>>
    tpu.wait_dma2 semaphore(%arg20 : memref<!tpu.dma_semaphore, #tpu.memory_space<semaphore_mem>>) src(%dma_wait3A_87 : memref<640x16xf32, #tpu.memory_space<vmem_shared>>) dst(%dma_wait3A_85 : memref<640x16xf32, #tpu.memory_space<hbm>>)
    return
  }
}

module attributes {stable_mosaic.version = 14 : i64} {
  func.func @_proj1_body(%arg0: i32, %arg1: memref<1000x128xf32, #tpu.memory_space<vmem>>, %arg2: memref<16x128xf32, #tpu.memory_space<vmem>>, %arg3: memref<16x128xf32, #tpu.memory_space<vmem>>, %arg4: memref<1000x16xf32, #tpu.memory_space<vmem>>, %arg5: memref<1000x16xf32, #tpu.memory_space<vmem>>) attributes {dimension_semantics = [#tpu.dimension_semantics<arbitrary>], iteration_bounds = array<i64: 10>, scalar_prefetch = 0 : i64, scratch_operands = 0 : i64, tpu.core_type = #tpu.core_type<tc>, window_params = [{transform_indices = @transform_0, window_bounds = array<i64: 1000, 128>}, {pipeline_mode = #tpu.pipeline_mode<synchronous>, transform_indices = @transform_1, window_bounds = array<i64: 16, 128>}, {pipeline_mode = #tpu.pipeline_mode<synchronous>, transform_indices = @transform_2, window_bounds = array<i64: 16, 128>}, {transform_indices = @transform_3, window_bounds = array<i64: 1000, 16>}, {transform_indices = @transform_4, window_bounds = array<i64: 1000, 16>}]} {
    %get3A = arith.constant 0 : index
    %get3A_0 = arith.constant 0 : index
    %get3A_1 = vector.load %arg1[%get3A, %get3A_0] : memref<1000x128xf32, #tpu.memory_space<vmem>>, vector<1000x128xf32>
    %get3A_2 = arith.constant 0 : index
    %get3A_3 = arith.constant 0 : index
    %get3A_4 = vector.load %arg2[%get3A_2, %get3A_3] : memref<16x128xf32, #tpu.memory_space<vmem>>, vector<16x128xf32>
    %dot_general3A = arith.constant dense<0.000000e+00> : vector<1000x16xf32>
    %dot_general3A_5 = tpu.matmul %get3A_1, %get3A_4, %dot_general3A {dimension_numbers = #tpu.dot_dimension_numbers<[1], [1], [0], [0], [0, 0, 1, 0], [], []>, precision = #tpu.contract_precision<fp32>, transpose_lhs_hint = false} : vector<1000x128xf32>, vector<16x128xf32>, vector<1000x16xf32> -> vector<1000x16xf32>
    %swap3A = arith.constant 0 : index
    %swap3A_6 = arith.constant 0 : index
    %swap3A_7 = vector.load %arg4[%swap3A, %swap3A_6] : memref<1000x16xf32, #tpu.memory_space<vmem>>, vector<1000x16xf32>
    tpu.vector_store %arg4[%swap3A, %swap3A_6], %dot_general3A_5 {strides = array<i32>} : memref<1000x16xf32, #tpu.memory_space<vmem>>, vector<1000x16xf32>,
    %get3A_8 = arith.constant 0 : index
    %get3A_9 = arith.constant 0 : index
    %get3A_10 = vector.load %arg3[%get3A_8, %get3A_9] : memref<16x128xf32, #tpu.memory_space<vmem>>, vector<16x128xf32>
    %dot_general3A_11 = arith.constant dense<0.000000e+00> : vector<1000x16xf32>
    %dot_general3A_12 = tpu.matmul %get3A_1, %get3A_10, %dot_general3A_11 {dimension_numbers = #tpu.dot_dimension_numbers<[1], [1], [0], [0], [0, 0, 1, 0], [], []>, precision = #tpu.contract_precision<fp32>, transpose_lhs_hint = false} : vector<1000x128xf32>, vector<16x128xf32>, vector<1000x16xf32> -> vector<1000x16xf32>
    %swap3A_13 = arith.constant 0 : index
    %swap3A_14 = arith.constant 0 : index
    %swap3A_15 = vector.load %arg5[%swap3A_13, %swap3A_14] : memref<1000x16xf32, #tpu.memory_space<vmem>>, vector<1000x16xf32>
    tpu.vector_store %arg5[%swap3A_13, %swap3A_14], %dot_general3A_12 {strides = array<i32>} : memref<1000x16xf32, #tpu.memory_space<vmem>>, vector<1000x16xf32>,
    return
  }
  func.func @transform_0(%arg0: i32) -> (i32, i32) {
    %c0_i32 = arith.constant 0 : i32
    %c0_i32_0 = arith.constant 0 : i32
    return %arg0, %c0_i32 : i32, i32
  }
  func.func @transform_1(%arg0: i32) -> (i32, i32) {
    %c0_i32 = arith.constant 0 : i32
    %c0_i32_0 = arith.constant 0 : i32
    %c0_i32_1 = arith.constant 0 : i32
    return %c0_i32, %c0_i32_0 : i32, i32
  }
  func.func @transform_2(%arg0: i32) -> (i32, i32) {
    %c0_i32 = arith.constant 0 : i32
    %c0_i32_0 = arith.constant 0 : i32
    %c0_i32_1 = arith.constant 0 : i32
    return %c0_i32, %c0_i32_0 : i32, i32
  }
  func.func @transform_3(%arg0: i32) -> (i32, i32) {
    %c0_i32 = arith.constant 0 : i32
    %c0_i32_0 = arith.constant 0 : i32
    return %arg0, %c0_i32 : i32, i32
  }
  func.func @transform_4(%arg0: i32) -> (i32, i32) {
    %c0_i32 = arith.constant 0 : i32
    %c0_i32_0 = arith.constant 0 : i32
    return %arg0, %c0_i32 : i32, i32
  }
}

module attributes {stable_mosaic.version = 14 : i64} {
  func.func @_comb2_body(%arg0: i32, %arg1: memref<2x1000x16xf32, #tpu.memory_space<vmem>>, %arg2: memref<2x1000x16xf32, #tpu.memory_space<vmem>>, %arg3: memref<1000x16xf32, #tpu.memory_space<vmem>>, %arg4: memref<1x16xf32, #tpu.memory_space<vmem>>, %arg5: memref<16x16xf32, #tpu.memory_space<vmem>>, %arg6: memref<16x16xf32, #tpu.memory_space<vmem>>, %arg7: memref<1000x16xf32, #tpu.memory_space<vmem>>, %arg8: memref<1000x16xf32, #tpu.memory_space<vmem>>, %arg9: memref<1000x16xf32, #tpu.memory_space<vmem>>) attributes {dimension_semantics = [#tpu.dimension_semantics<arbitrary>], iteration_bounds = array<i64: 10>, scalar_prefetch = 0 : i64, scratch_operands = 0 : i64, tpu.core_type = #tpu.core_type<tc>, window_params = [{transform_indices = @transform_0, window_bounds = array<i64: 2, 1000, 16>}, {transform_indices = @transform_1, window_bounds = array<i64: 2, 1000, 16>}, {transform_indices = @transform_2, window_bounds = array<i64: 1000, 16>}, {pipeline_mode = #tpu.pipeline_mode<synchronous>, transform_indices = @transform_3, window_bounds = array<i64: 1, 16>}, {pipeline_mode = #tpu.pipeline_mode<synchronous>, transform_indices = @transform_4, window_bounds = array<i64: 16, 16>}, {pipeline_mode = #tpu.pipeline_mode<synchronous>, transform_indices = @transform_5, window_bounds = array<i64: 16, 16>}, {transform_indices = @transform_6, window_bounds = array<i64: 1000, 16>}, {transform_indices = @transform_7, window_bounds = array<i64: 1000, 16>}, {transform_indices = @transform_8, window_bounds = array<i64: 1000, 16>}]} {
    %get3A = arith.constant 0 : index
    %get3A_0 = arith.constant 0 : index
    %get3A_1 = arith.constant 0 : index
    %get3A_2 = vector.load %arg1[%get3A, %get3A_0, %get3A_1] : memref<2x1000x16xf32, #tpu.memory_space<vmem>>, vector<1x1000x16xf32>
    %get3A_3 = vector.shape_cast %get3A_2 : vector<1x1000x16xf32> to vector<1000x16xf32>
    %get3A_4 = arith.constant 1 : index
    %get3A_5 = arith.constant 0 : index
    %get3A_6 = arith.constant 0 : index
    %get3A_7 = vector.load %arg1[%get3A_4, %get3A_5, %get3A_6] : memref<2x1000x16xf32, #tpu.memory_space<vmem>>, vector<1x1000x16xf32>
    %get3A_8 = vector.shape_cast %get3A_7 : vector<1x1000x16xf32> to vector<1000x16xf32>
    %add3A = arith.addf %get3A_3, %get3A_8 : vector<1000x16xf32>
    %get3A_9 = arith.constant 0 : index
    %get3A_10 = arith.constant 0 : index
    %get3A_11 = arith.constant 0 : index
    %get3A_12 = vector.load %arg2[%get3A_9, %get3A_10, %get3A_11] : memref<2x1000x16xf32, #tpu.memory_space<vmem>>, vector<1x1000x16xf32>
    %get3A_13 = vector.shape_cast %get3A_12 : vector<1x1000x16xf32> to vector<1000x16xf32>
    %get3A_14 = arith.constant 1 : index
    %get3A_15 = arith.constant 0 : index
    %get3A_16 = arith.constant 0 : index
    %get3A_17 = vector.load %arg2[%get3A_14, %get3A_15, %get3A_16] : memref<2x1000x16xf32, #tpu.memory_space<vmem>>, vector<1x1000x16xf32>
    %get3A_18 = vector.shape_cast %get3A_17 : vector<1x1000x16xf32> to vector<1000x16xf32>
    %add3A_19 = arith.addf %get3A_13, %get3A_18 : vector<1000x16xf32>
    %max3A = arith.constant 1.000000e+00 : f32
    %max3A_20 = vector.broadcast %max3A : f32 to vector<1000x16xf32>
    %max3A_21 = arith.maximumf %add3A_19, %max3A_20 : vector<1000x16xf32>
    %div3A = arith.constant 1.000000e+00 : f32
    %div3A_22 = vector.broadcast %div3A : f32 to vector<1000x16xf32>
    %div3A_23 = arith.divf %div3A_22, %max3A_21 : vector<1000x16xf32>
    %mul3A = arith.mulf %add3A, %div3A_23 : vector<1000x16xf32>
    %get3A_24 = arith.constant 0 : index
    %get3A_25 = arith.constant 0 : index
    %get3A_26 = vector.load %arg4[%get3A_24, %get3A_25] : memref<1x16xf32, #tpu.memory_space<vmem>>, vector<1x16xf32>
    %add3A_27 = vector.broadcast %get3A_26 : vector<1x16xf32> to vector<1000x16xf32>
    %add3A_28 = arith.addf %mul3A, %add3A_27 : vector<1000x16xf32>
    %get3A_29 = arith.constant 0 : index
    %get3A_30 = arith.constant 0 : index
    %get3A_31 = vector.load %arg3[%get3A_29, %get3A_30] : memref<1000x16xf32, #tpu.memory_space<vmem>>, vector<1000x16xf32>
    %add3A_32 = arith.addf %add3A_28, %get3A_31 : vector<1000x16xf32>
    %max3A_33 = arith.constant 0.000000e+00 : f32
    %max3A_34 = vector.broadcast %max3A_33 : f32 to vector<1000x16xf32>
    %max3A_35 = arith.maximumf %add3A_32, %max3A_34 : vector<1000x16xf32>
    %get3A_36 = arith.constant 0 : index
    %get3A_37 = arith.constant 0 : index
    %get3A_38 = vector.load %arg5[%get3A_36, %get3A_37] : memref<16x16xf32, #tpu.memory_space<vmem>>, vector<16x16xf32>
    %dot_general3A = arith.constant dense<0.000000e+00> : vector<1000x16xf32>
    %dot_general3A_39 = tpu.matmul %max3A_35, %get3A_38, %dot_general3A {dimension_numbers = #tpu.dot_dimension_numbers<[1], [1], [0], [0], [0, 0, 1, 0], [], []>, precision = #tpu.contract_precision<fp32>, transpose_lhs_hint = false} : vector<1000x16xf32>, vector<16x16xf32>, vector<1000x16xf32> -> vector<1000x16xf32>
    %swap3A = arith.constant 0 : index
    %swap3A_40 = arith.constant 0 : index
    %swap3A_41 = vector.load %arg7[%swap3A, %swap3A_40] : memref<1000x16xf32, #tpu.memory_space<vmem>>, vector<1000x16xf32>
    tpu.vector_store %arg7[%swap3A, %swap3A_40], %dot_general3A_39 {strides = array<i32>} : memref<1000x16xf32, #tpu.memory_space<vmem>>, vector<1000x16xf32>,
    %get3A_42 = arith.constant 0 : index
    %get3A_43 = arith.constant 0 : index
    %get3A_44 = vector.load %arg6[%get3A_42, %get3A_43] : memref<16x16xf32, #tpu.memory_space<vmem>>, vector<16x16xf32>
    %dot_general3A_45 = arith.constant dense<0.000000e+00> : vector<1000x16xf32>
    %dot_general3A_46 = tpu.matmul %max3A_35, %get3A_44, %dot_general3A_45 {dimension_numbers = #tpu.dot_dimension_numbers<[1], [1], [0], [0], [0, 0, 1, 0], [], []>, precision = #tpu.contract_precision<fp32>, transpose_lhs_hint = false} : vector<1000x16xf32>, vector<16x16xf32>, vector<1000x16xf32> -> vector<1000x16xf32>
    %swap3A_47 = arith.constant 0 : index
    %swap3A_48 = arith.constant 0 : index
    %swap3A_49 = vector.load %arg8[%swap3A_47, %swap3A_48] : memref<1000x16xf32, #tpu.memory_space<vmem>>, vector<1000x16xf32>
    tpu.vector_store %arg8[%swap3A_47, %swap3A_48], %dot_general3A_46 {strides = array<i32>} : memref<1000x16xf32, #tpu.memory_space<vmem>>, vector<1000x16xf32>,
    %swap3A_50 = arith.constant 0 : index
    %swap3A_51 = arith.constant 0 : index
    %swap3A_52 = vector.load %arg9[%swap3A_50, %swap3A_51] : memref<1000x16xf32, #tpu.memory_space<vmem>>, vector<1000x16xf32>
    tpu.vector_store %arg9[%swap3A_50, %swap3A_51], %div3A_23 {strides = array<i32>} : memref<1000x16xf32, #tpu.memory_space<vmem>>, vector<1000x16xf32>,
    return
  }
  func.func @transform_0(%arg0: i32) -> (i32, i32, i32) {
    %c0_i32 = arith.constant 0 : i32
    %c0_i32_0 = arith.constant 0 : i32
    %c0_i32_1 = arith.constant 0 : i32
    return %c0_i32, %arg0, %c0_i32_0 : i32, i32, i32
  }
  func.func @transform_1(%arg0: i32) -> (i32, i32, i32) {
    %c0_i32 = arith.constant 0 : i32
    %c0_i32_0 = arith.constant 0 : i32
    %c0_i32_1 = arith.constant 0 : i32
    return %c0_i32, %arg0, %c0_i32_0 : i32, i32, i32
  }
  func.func @transform_2(%arg0: i32) -> (i32, i32) {
    %c0_i32 = arith.constant 0 : i32
    %c0_i32_0 = arith.constant 0 : i32
    return %arg0, %c0_i32 : i32, i32
  }
  func.func @transform_3(%arg0: i32) -> (i32, i32) {
    %c0_i32 = arith.constant 0 : i32
    %c0_i32_0 = arith.constant 0 : i32
    %c0_i32_1 = arith.constant 0 : i32
    return %c0_i32, %c0_i32_0 : i32, i32
  }
  func.func @transform_4(%arg0: i32) -> (i32, i32) {
    %c0_i32 = arith.constant 0 : i32
    %c0_i32_0 = arith.constant 0 : i32
    %c0_i32_1 = arith.constant 0 : i32
    return %c0_i32, %c0_i32_0 : i32, i32
  }
  func.func @transform_5(%arg0: i32) -> (i32, i32) {
    %c0_i32 = arith.constant 0 : i32
    %c0_i32_0 = arith.constant 0 : i32
    %c0_i32_1 = arith.constant 0 : i32
    return %c0_i32, %c0_i32_0 : i32, i32
  }
  func.func @transform_6(%arg0: i32) -> (i32, i32) {
    %c0_i32 = arith.constant 0 : i32
    %c0_i32_0 = arith.constant 0 : i32
    return %arg0, %c0_i32 : i32, i32
  }
  func.func @transform_7(%arg0: i32) -> (i32, i32) {
    %c0_i32 = arith.constant 0 : i32
    %c0_i32_0 = arith.constant 0 : i32
    return %arg0, %c0_i32 : i32, i32
  }
  func.func @transform_8(%arg0: i32) -> (i32, i32) {
    %c0_i32 = arith.constant 0 : i32
    %c0_i32_0 = arith.constant 0 : i32
    return %arg0, %c0_i32 : i32, i32
  }
}

module attributes {stable_mosaic.version = 14 : i64} {
  func.func @_comb3_body(%arg0: i32, %arg1: memref<2x1000x16xf32, #tpu.memory_space<vmem>>, %arg2: memref<1000x16xf32, #tpu.memory_space<vmem>>, %arg3: memref<1000x16xf32, #tpu.memory_space<vmem>>, %arg4: memref<1x16xf32, #tpu.memory_space<vmem>>, %arg5: memref<10x16xf32, #tpu.memory_space<vmem>>, %arg6: memref<10x16xf32, #tpu.memory_space<vmem>>, %arg7: memref<1000x16xf32, #tpu.memory_space<vmem>>, %arg8: memref<1000x16xf32, #tpu.memory_space<vmem>>) attributes {dimension_semantics = [#tpu.dimension_semantics<arbitrary>], iteration_bounds = array<i64: 10>, scalar_prefetch = 0 : i64, scratch_operands = 0 : i64, tpu.core_type = #tpu.core_type<tc>, window_params = [{transform_indices = @transform_0, window_bounds = array<i64: 2, 1000, 16>}, {transform_indices = @transform_1, window_bounds = array<i64: 1000, 16>}, {transform_indices = @transform_2, window_bounds = array<i64: 1000, 16>}, {pipeline_mode = #tpu.pipeline_mode<synchronous>, transform_indices = @transform_3, window_bounds = array<i64: 1, 16>}, {pipeline_mode = #tpu.pipeline_mode<synchronous>, transform_indices = @transform_4, window_bounds = array<i64: 10, 16>}, {pipeline_mode = #tpu.pipeline_mode<synchronous>, transform_indices = @transform_5, window_bounds = array<i64: 10, 16>}, {transform_indices = @transform_6, window_bounds = array<i64: 1000, 16>}, {transform_indices = @transform_7, window_bounds = array<i64: 1000, 16>}]} {
    %get3A = arith.constant 0 : index
    %get3A_0 = arith.constant 0 : index
    %get3A_1 = arith.constant 0 : index
    %get3A_2 = vector.load %arg1[%get3A, %get3A_0, %get3A_1] : memref<2x1000x16xf32, #tpu.memory_space<vmem>>, vector<1x1000x16xf32>
    %get3A_3 = vector.shape_cast %get3A_2 : vector<1x1000x16xf32> to vector<1000x16xf32>
    %get3A_4 = arith.constant 1 : index
    %get3A_5 = arith.constant 0 : index
    %get3A_6 = arith.constant 0 : index
    %get3A_7 = vector.load %arg1[%get3A_4, %get3A_5, %get3A_6] : memref<2x1000x16xf32, #tpu.memory_space<vmem>>, vector<1x1000x16xf32>
    %get3A_8 = vector.shape_cast %get3A_7 : vector<1x1000x16xf32> to vector<1000x16xf32>
    %add3A = arith.addf %get3A_3, %get3A_8 : vector<1000x16xf32>
    %get3A_9 = arith.constant 0 : index
    %get3A_10 = arith.constant 0 : index
    %get3A_11 = vector.load %arg2[%get3A_9, %get3A_10] : memref<1000x16xf32, #tpu.memory_space<vmem>>, vector<1000x16xf32>
    %mul3A = arith.mulf %add3A, %get3A_11 : vector<1000x16xf32>
    %get3A_12 = arith.constant 0 : index
    %get3A_13 = arith.constant 0 : index
    %get3A_14 = vector.load %arg4[%get3A_12, %get3A_13] : memref<1x16xf32, #tpu.memory_space<vmem>>, vector<1x16xf32>
    %add3A_15 = vector.broadcast %get3A_14 : vector<1x16xf32> to vector<1000x16xf32>
    %add3A_16 = arith.addf %mul3A, %add3A_15 : vector<1000x16xf32>
    %get3A_17 = arith.constant 0 : index
    %get3A_18 = arith.constant 0 : index
    %get3A_19 = vector.load %arg3[%get3A_17, %get3A_18] : memref<1000x16xf32, #tpu.memory_space<vmem>>, vector<1000x16xf32>
    %add3A_20 = arith.addf %add3A_16, %get3A_19 : vector<1000x16xf32>
    %max3A = arith.constant 0.000000e+00 : f32
    %max3A_21 = vector.broadcast %max3A : f32 to vector<1000x16xf32>
    %max3A_22 = arith.maximumf %add3A_20, %max3A_21 : vector<1000x16xf32>
    %broadcast_in_dim3A = arith.constant 0.000000e+00 : f32
    %broadcast_in_dim3A_23 = vector.broadcast %broadcast_in_dim3A : f32 to vector<1000x6xf32>
    %get3A_24 = arith.constant 0 : index
    %get3A_25 = arith.constant 0 : index
    %get3A_26 = vector.load %arg5[%get3A_24, %get3A_25] : memref<10x16xf32, #tpu.memory_space<vmem>>, vector<10x16xf32>
    %dot_general3A = arith.constant dense<0.000000e+00> : vector<1000x10xf32>
    %dot_general3A_27 = tpu.matmul %max3A_22, %get3A_26, %dot_general3A {dimension_numbers = #tpu.dot_dimension_numbers<[1], [1], [0], [0], [0, 0, 1, 0], [], []>, precision = #tpu.contract_precision<fp32>, transpose_lhs_hint = false} : vector<1000x16xf32>, vector<10x16xf32>, vector<1000x10xf32> -> vector<1000x10xf32>
    %concatenate3A = tpu.concatenate %dot_general3A_27, %broadcast_in_dim3A_23 in 1 : vector<1000x10xf32>, vector<1000x6xf32> -> vector<1000x16xf32>
    %swap3A = arith.constant 0 : index
    %swap3A_28 = arith.constant 0 : index
    %swap3A_29 = vector.load %arg7[%swap3A, %swap3A_28] : memref<1000x16xf32, #tpu.memory_space<vmem>>, vector<1000x16xf32>
    tpu.vector_store %arg7[%swap3A, %swap3A_28], %concatenate3A {strides = array<i32>} : memref<1000x16xf32, #tpu.memory_space<vmem>>, vector<1000x16xf32>,
    %get3A_30 = arith.constant 0 : index
    %get3A_31 = arith.constant 0 : index
    %get3A_32 = vector.load %arg6[%get3A_30, %get3A_31] : memref<10x16xf32, #tpu.memory_space<vmem>>, vector<10x16xf32>
    %dot_general3A_33 = arith.constant dense<0.000000e+00> : vector<1000x10xf32>
    %dot_general3A_34 = tpu.matmul %max3A_22, %get3A_32, %dot_general3A_33 {dimension_numbers = #tpu.dot_dimension_numbers<[1], [1], [0], [0], [0, 0, 1, 0], [], []>, precision = #tpu.contract_precision<fp32>, transpose_lhs_hint = false} : vector<1000x16xf32>, vector<10x16xf32>, vector<1000x10xf32> -> vector<1000x10xf32>
    %concatenate3A_35 = tpu.concatenate %dot_general3A_34, %broadcast_in_dim3A_23 in 1 : vector<1000x10xf32>, vector<1000x6xf32> -> vector<1000x16xf32>
    %swap3A_36 = arith.constant 0 : index
    %swap3A_37 = arith.constant 0 : index
    %swap3A_38 = vector.load %arg8[%swap3A_36, %swap3A_37] : memref<1000x16xf32, #tpu.memory_space<vmem>>, vector<1000x16xf32>
    tpu.vector_store %arg8[%swap3A_36, %swap3A_37], %concatenate3A_35 {strides = array<i32>} : memref<1000x16xf32, #tpu.memory_space<vmem>>, vector<1000x16xf32>,
    return
  }
  func.func @transform_0(%arg0: i32) -> (i32, i32, i32) {
    %c0_i32 = arith.constant 0 : i32
    %c0_i32_0 = arith.constant 0 : i32
    %c0_i32_1 = arith.constant 0 : i32
    return %c0_i32, %arg0, %c0_i32_0 : i32, i32, i32
  }
  func.func @transform_1(%arg0: i32) -> (i32, i32) {
    %c0_i32 = arith.constant 0 : i32
    %c0_i32_0 = arith.constant 0 : i32
    return %arg0, %c0_i32 : i32, i32
  }
  func.func @transform_2(%arg0: i32) -> (i32, i32) {
    %c0_i32 = arith.constant 0 : i32
    %c0_i32_0 = arith.constant 0 : i32
    return %arg0, %c0_i32 : i32, i32
  }
  func.func @transform_3(%arg0: i32) -> (i32, i32) {
    %c0_i32 = arith.constant 0 : i32
    %c0_i32_0 = arith.constant 0 : i32
    %c0_i32_1 = arith.constant 0 : i32
    return %c0_i32, %c0_i32_0 : i32, i32
  }
  func.func @transform_4(%arg0: i32) -> (i32, i32) {
    %c0_i32 = arith.constant 0 : i32
    %c0_i32_0 = arith.constant 0 : i32
    %c0_i32_1 = arith.constant 0 : i32
    return %c0_i32, %c0_i32_0 : i32, i32
  }
  func.func @transform_5(%arg0: i32) -> (i32, i32) {
    %c0_i32 = arith.constant 0 : i32
    %c0_i32_0 = arith.constant 0 : i32
    %c0_i32_1 = arith.constant 0 : i32
    return %c0_i32, %c0_i32_0 : i32, i32
  }
  func.func @transform_6(%arg0: i32) -> (i32, i32) {
    %c0_i32 = arith.constant 0 : i32
    %c0_i32_0 = arith.constant 0 : i32
    return %arg0, %c0_i32 : i32, i32
  }
  func.func @transform_7(%arg0: i32) -> (i32, i32) {
    %c0_i32 = arith.constant 0 : i32
    %c0_i32_0 = arith.constant 0 : i32
    return %arg0, %c0_i32 : i32, i32
  }
}

module attributes {stable_mosaic.version = 14 : i64} {
  func.func @_final_body(%arg0: i32, %arg1: memref<2x1000x16xf32, #tpu.memory_space<vmem>>, %arg2: memref<1000x16xf32, #tpu.memory_space<vmem>>, %arg3: memref<1000x16xf32, #tpu.memory_space<vmem>>, %arg4: memref<1x10xf32, #tpu.memory_space<vmem>>, %arg5: memref<1000x10xf32, #tpu.memory_space<vmem>>) attributes {dimension_semantics = [#tpu.dimension_semantics<arbitrary>], iteration_bounds = array<i64: 10>, scalar_prefetch = 0 : i64, scratch_operands = 0 : i64, tpu.core_type = #tpu.core_type<tc>, window_params = [{transform_indices = @transform_0, window_bounds = array<i64: 2, 1000, 16>}, {transform_indices = @transform_1, window_bounds = array<i64: 1000, 16>}, {transform_indices = @transform_2, window_bounds = array<i64: 1000, 16>}, {pipeline_mode = #tpu.pipeline_mode<synchronous>, transform_indices = @transform_3, window_bounds = array<i64: 1, 10>}, {transform_indices = @transform_4, window_bounds = array<i64: 1000, 10>}]} {
    %get3A = arith.constant 0 : index
    %get3A_0 = arith.constant 0 : index
    %get3A_1 = arith.constant 0 : index
    %get3A_2 = vector.load %arg1[%get3A, %get3A_0, %get3A_1] : memref<2x1000x16xf32, #tpu.memory_space<vmem>>, vector<1x1000x16xf32>
    %get3A_3 = vector.shape_cast %get3A_2 : vector<1x1000x16xf32> to vector<1000x16xf32>
    %get3A_4 = arith.constant 1 : index
    %get3A_5 = arith.constant 0 : index
    %get3A_6 = arith.constant 0 : index
    %get3A_7 = vector.load %arg1[%get3A_4, %get3A_5, %get3A_6] : memref<2x1000x16xf32, #tpu.memory_space<vmem>>, vector<1x1000x16xf32>
    %get3A_8 = vector.shape_cast %get3A_7 : vector<1x1000x16xf32> to vector<1000x16xf32>
    %add3A = arith.addf %get3A_3, %get3A_8 : vector<1000x16xf32>
    %get3A_9 = arith.constant 0 : index
    %get3A_10 = arith.constant 0 : index
    %get3A_11 = vector.load %arg2[%get3A_9, %get3A_10] : memref<1000x16xf32, #tpu.memory_space<vmem>>, vector<1000x16xf32>
    %mul3A = arith.mulf %add3A, %get3A_11 : vector<1000x16xf32>
    %get3A_12 = arith.constant 0 : index
    %get3A_13 = arith.constant 0 : index
    %get3A_14 = vector.load %arg3[%get3A_12, %get3A_13] : memref<1000x16xf32, #tpu.memory_space<vmem>>, vector<1000x16xf32>
    %add3A_15 = arith.addf %mul3A, %get3A_14 : vector<1000x16xf32>
    %slice3A = vector.extract_strided_slice %add3A_15 {offsets = [0, 0], sizes = [1000, 10], strides = [1, 1]} : vector<1000x16xf32> to vector<1000x10xf32>
    %get3A_16 = arith.constant 0 : index
    %get3A_17 = arith.constant 0 : index
    %get3A_18 = vector.load %arg4[%get3A_16, %get3A_17] : memref<1x10xf32, #tpu.memory_space<vmem>>, vector<1x10xf32>
    %add3A_19 = vector.broadcast %get3A_18 : vector<1x10xf32> to vector<1000x10xf32>
    %add3A_20 = arith.addf %slice3A, %add3A_19 : vector<1000x10xf32>
    %reduce_max3A = arith.constant dense<0xFF800000> : vector<1000xf32>
    %reduce_max3A_21 = vector.multi_reduction <maximumf>, %add3A_20, %reduce_max3A [1] : vector<1000x10xf32> to vector<1000xf32>
    %broadcast_in_dim3A = vector.shape_cast %reduce_max3A_21 : vector<1000xf32> to vector<1000x1xf32>
    %sub3A = vector.broadcast %broadcast_in_dim3A : vector<1000x1xf32> to vector<1000x10xf32>
    %sub3A_22 = arith.subf %add3A_20, %sub3A : vector<1000x10xf32>
    %exp3A = math.exp %sub3A_22 : vector<1000x10xf32>
    %reduce_sum3A = arith.constant dense<0.000000e+00> : vector<1000xf32>
    %reduce_sum3A_23 = vector.multi_reduction <add>, %exp3A, %reduce_sum3A [1] : vector<1000x10xf32> to vector<1000xf32>
    %broadcast_in_dim3A_24 = vector.shape_cast %reduce_sum3A_23 : vector<1000xf32> to vector<1000x1xf32>
    %sub3A_25 = vector.broadcast %broadcast_in_dim3A : vector<1000x1xf32> to vector<1000x10xf32>
    %sub3A_26 = arith.subf %add3A_20, %sub3A_25 : vector<1000x10xf32>
    %log3A = math.log %broadcast_in_dim3A_24 : vector<1000x1xf32>
    %sub3A_27 = vector.broadcast %log3A : vector<1000x1xf32> to vector<1000x10xf32>
    %sub3A_28 = arith.subf %sub3A_26, %sub3A_27 : vector<1000x10xf32>
    %swap3A = arith.constant 0 : index
    %swap3A_29 = arith.constant 0 : index
    %swap3A_30 = vector.load %arg5[%swap3A, %swap3A_29] : memref<1000x10xf32, #tpu.memory_space<vmem>>, vector<1000x10xf32>
    tpu.vector_store %arg5[%swap3A, %swap3A_29], %sub3A_28 {strides = array<i32>} : memref<1000x10xf32, #tpu.memory_space<vmem>>, vector<1000x10xf32>,
    return
  }
  func.func @transform_0(%arg0: i32) -> (i32, i32, i32) {
    %c0_i32 = arith.constant 0 : i32
    %c0_i32_0 = arith.constant 0 : i32
    %c0_i32_1 = arith.constant 0 : i32
    return %c0_i32, %arg0, %c0_i32_0 : i32, i32, i32
  }
  func.func @transform_1(%arg0: i32) -> (i32, i32) {
    %c0_i32 = arith.constant 0 : i32
    %c0_i32_0 = arith.constant 0 : i32
    return %arg0, %c0_i32 : i32, i32
  }
  func.func @transform_2(%arg0: i32) -> (i32, i32) {
    %c0_i32 = arith.constant 0 : i32
    %c0_i32_0 = arith.constant 0 : i32
    return %arg0, %c0_i32 : i32, i32
  }
  func.func @transform_3(%arg0: i32) -> (i32, i32) {
    %c0_i32 = arith.constant 0 : i32
    %c0_i32_0 = arith.constant 0 : i32
    %c0_i32_1 = arith.constant 0 : i32
    return %c0_i32, %c0_i32_0 : i32, i32
  }
  func.func @transform_4(%arg0: i32) -> (i32, i32) {
    %c0_i32 = arith.constant 0 : i32
    %c0_i32_0 = arith.constant 0 : i32
    return %arg0, %c0_i32 : i32, i32
  }
}

</mosaic_0001>

<sc_bundles>
// kernel: kernel.12.cloned.1.call-start
scs
__scs_entry_jumppad:
0x0: {  	(pc) =	sbr.rel $0x88, $3  }
0x1: {  	(tag) =	ssettag $0x0;
	lr =	simm.s32 $0x1  }
0x2: {  	[smem:$0x3F96] =	sst lr;
	_ =	strace $0xD0000000  }
0x3: {  	_ = 	snop  }
0x4: {  	_ = 	snop  }
0x5: {  	_ = 	snop  }
0x6: {  	_ = 	snop  }
0x7: {  	_ = 	snop  }
__scs_overlays_trampoline_lowered:
0x8: {  	[smem:$0x3FA5] =	sst s0  }
0x9: {  	[smem:$0x3FA6] =	sst s1  }
0xa: {  	[smem:$0x3FA7] =	sst s2  }
0xb: {  	[smem:$0x3FA8] =	sst s3  }
0xc: {  	[smem:$0x3FA9] =	sst s4  }
0xd: {  	[smem:$0x3FAA] =	sst s5  }
0xe: {  	[smem:$0x3FAB] =	sst s6  }
0xf: {  	[smem:$0x3FAC] =	sst s7  }
0x10: {  	[smem:$0x3FAD] =	sst s8  }
0x11: {  	[smem:$0x3FAE] =	sst s9;
	s0 =	simm.s32 @!p0 $0x0  }
0x12: {  	s1 =	sld [smem:$0x3F94];
	s0 =	simm.s32 @p0 $0x1  }
0x13: {  	[smem:$0x3FAF] =	sst s0;
	s0 =	simm.s32 @!p1 $0x0  }
0x14: {  	s2 =	sld [smem:$0x3F93];
	s0 =	simm.s32 @p1 $0x1  }
0x15: {  	[smem:$0x3FB0] =	sst s0;
	s0 =	simm.s32 @!p2 $0x0  }
0x16: {  	s3 =	sld [smem:$0x3FDB];
	s0 =	simm.s32 @p2 $0x1  }
0x17: {  	s4 =	simm.s32 $0x1BF5;
	[smem:$0x3FB2] =	sst s0  }
0x18: {  	s0 =	sld [smem:$0x3F95];
	_ =	swait.ge [sflag:s4], $0x0  }
0x19: {  	s7 =	sld [smem:$0x3F96]  }
0x1a: {  	s8 =	sadd.s32 $0xFFFFE003, lr  }
0x1b: {  	s9 =	sadd.s32 $0xFFFFFEF7, lr;
	s5 =	simm.s32 $0xFFFFFFFF;
	p2 =	slt.u32 s8, $0xFFFFF086  }
0x1c: {  	p1 =	slt.u32 s9, $0xF7A;
	s5 =	simm.s32 @!p2 $0x0  }
0x1d: {  	s5 =	simm.s32 @p1 $0x1;
	p0 =	seq.s32 s7, s2  }
0x1e: {  	s7 =	smul.u32 @!p0 $0xF7A, s2;
	p2 =	seq.s32 @!p0 s5, $0x0  }
0x1f: {  	s9 =	smul.u32 $0xF7A, s1;
	s8 =	simm.s32 @!p0 $0x1BF5;
	p2 =	por !p2, p0  }
0x20: {  	[sflag:s8] =	ssyncset.s32 @!p0 $0xFFFFF086;
	s6 =	sadd.s32 @!p0 s3, s7;
	s7 =	simm.s32 @!p0 $0x108  }
0x21: {  	s3 =	sadd.s32 s3, s9;
	s6 =	sadd.s32 @!p0 $0x88, s6;
	s7 =	simm.s32 @p2 $0x1082  }
0x22: {  	[simem:s7], [sflag:s8] =	dma.local @!p0 [hbm:s6], $0xF7A  }
0x23: {  	s9 =	sor.u32 $0xD0000000, s2;
	s6 =	simm.s32 $0x108;
	_ =	swait.ge @!p0 [sflag:s8], $0x0  }
0x24: {  	s3 =	sadd.s32 $0x88, s3;
	s6 =	simm.s32 @!p1 $0x1082;
	[sflag:s4] =	ssyncset.s32 $0xFFFFF086  }
0x25: {  	[simem:s6], [sflag:s4] =	dma.local [hbm:s3], $0xF7A  }
0x26: {  	[smem:$0x3F96] =	sst s1;
	(tag) =	ssettag s2;
	_ =	strace s9  }
0x27: {  	s1 =	sld [smem:$0x3FA6]  }
0x28: {  	s2 =	sld [smem:$0x3FA7]  }
0x29: {  	s4 =	sld [smem:$0x3FA9]  }
0x2a: {  	p0 =	seq.s32 s5, $0x0;
	s5 =	sld [smem:$0x3FAA]  }
0x2b: {  	s6 =	sld [smem:$0x3FAB]  }
0x2c: {  	s7 =	sld [smem:$0x3FAC]  }
0x2d: {  	s3 =	simm.s32 $0x108;
	s8 =	sld [smem:$0x3FAD]  }
0x2e: {  	s3 =	simm.s32 @!p0 $0x1082;
	s9 =	sld [smem:$0x3FAE]  }
0x2f: {  	lr =	sadd.s32 s0, s3;
	s0 =	sld [smem:$0x3FA5]  }
0x30: {  	s3 =	sld [smem:$0x3FA8]  }
0x31: {  	[smem:$0x3FB1] =	sst s10  }
0x32: {  	s10 =	sld [smem:$0x3FAF];
	_ =	sdelay $0x3  }
0x33: {  	p0 =	seq.s32 s10, $0x1;
	s10 =	sld [smem:$0x3FB1];
	_ =	sdelay $0x3  }
0x34: {  	[smem:$0x3FB1] =	sst s10  }
0x35: {  	s10 =	sld [smem:$0x3FB0];
	_ =	sdelay $0x3  }
0x36: {  	p1 =	seq.s32 s10, $0x1;
	s10 =	sld [smem:$0x3FB1];
	_ =	sdelay $0x3  }
0x37: {  	[smem:$0x3FB1] =	sst s10  }
0x38: {  	s10 =	sld [smem:$0x3FB2]  }
0x39: {  	_ = 	snop;
	(pc) =	sbr.ind lr, $3  }
0x3a: {  	_ = 	snop  }
0x3b: {  	_ = 	snop  }
0x3c: {  	p2 =	seq.s32 s10, $0x1;
	s10 =	sld [smem:$0x3FB1]  }
0x3d: {  	_ =	shalt  }
0x3e: {  	_ =	shalt  }
0x3f: {  	_ =	shalt  }
0x40: {  	_ =	shalt  }
0x41: {  	_ =	shalt  }
0x42: {  	_ =	shalt  }
0x43: {  	_ =	shalt  }
0x44: {  	_ =	shalt  }
0x45: {  	_ =	shalt  }
0x46: {  	_ =	shalt  }
0x47: {  	_ =	shalt  }
0x48: {  	_ =	shalt  }
0x49: {  	_ =	shalt  }
0x4a: {  	_ =	shalt  }
0x4b: {  	_ =	shalt  }
0x4c: {  	_ =	shalt  }
0x4d: {  	_ =	shalt  }
0x4e: {  	_ =	shalt  }
0x4f: {  	_ =	shalt  }
0x50: {  	_ =	shalt  }
0x51: {  	_ =	shalt  }
0x52: {  	_ =	shalt  }
0x53: {  	_ =	shalt  }
0x54: {  	_ =	shalt  }
0x55: {  	_ =	shalt  }
0x56: {  	_ =	shalt  }
0x57: {  	_ =	shalt  }
0x58: {  	_ =	shalt  }
0x59: {  	_ =	shalt  }
0x5a: {  	_ =	shalt  }
0x5b: {  	_ =	shalt  }
0x5c: {  	_ =	shalt  }
0x5d: {  	_ =	shalt  }
0x5e: {  	_ =	shalt  }
0x5f: {  	_ =	shalt  }
0x60: {  	_ =	shalt  }
0x61: {  	_ =	shalt  }
0x62: {  	_ =	shalt  }
0x63: {  	_ =	shalt  }
0x64: {  	_ =	shalt  }
0x65: {  	_ =	shalt  }
0x66: {  	_ =	shalt  }
0x67: {  	_ =	shalt  }
0x68: {  	_ =	shalt  }
0x69: {  	_ =	shalt  }
0x6a: {  	_ =	shalt  }
0x6b: {  	_ =	shalt  }
0x6c: {  	_ =	shalt  }
0x6d: {  	_ =	shalt  }
0x6e: {  	_ =	shalt  }
0x6f: {  	_ =	shalt  }
0x70: {  	_ =	shalt  }
0x71: {  	_ =	shalt  }
0x72: {  	_ =	shalt  }
0x73: {  	_ =	shalt  }
0x74: {  	_ =	shalt  }
0x75: {  	_ =	shalt  }
0x76: {  	_ =	shalt  }
0x77: {  	_ =	shalt  }
0x78: {  	_ =	shalt  }
0x79: {  	_ =	shalt  }
0x7a: {  	_ =	shalt  }
0x7b: {  	_ =	shalt  }
0x7c: {  	_ =	shalt  }
0x7d: {  	_ =	shalt  }
0x7e: {  	_ =	shalt  }
0x7f: {  	_ =	shalt  }
0x80: {  	_ =	shalt  }
0x81: {  	_ =	shalt  }
0x82: {  	_ =	shalt  }
0x83: {  	_ =	shalt  }
0x84: {  	_ =	shalt  }
0x85: {  	_ =	shalt  }
0x86: {  	_ =	shalt  }
0x87: {  	_ =	shalt  }
.Lfunc_end0:
.L_simem_size_0:
called_computation.1_lowered:
.L_overlay_start_0:
0x88: {  	s2 =	sld [smem:$0x3FD9]  }
0x89: {  	s3 =	sld [smem:$0x3FFE];
	_ =	sdelay $0x1  }
0x8a: {  	s1 =	srdreg.scid  }
0x8b: {  	s0 =	sand.u32 $0x1, s1  }
0x8c: {  	s17 =	sshll.u32 s0, $0xA;
	s2 =	sadd.s32 s3, s2  }
0x8d: {  	s2 =	sadd.s32 s2, s17  }
0x8e: {  	[smem:$0x3FBD] =	sst s2  }
0x8f: {  	_ = 	snop  }
0x90: {  	s2 =	sld [smem:$0x3FD0];
	(tm) =	ssettm $0x1  }
0x91: {  	s18 =	sld [smem:$0x3FFB];
	_ =	sdelay $0x3  }
0x92: {  	_ =	strace s18  }
0x93: {  	s3 =	sld [smem:$0x3FFC];
	_ =	sdelay $0x3  }
0x94: {  	_ =	strace s3  }
0x95: {  	s3 =	sld [smem:$0x3FFD];
	_ =	sdelay $0x3  }
0x96: {  	_ =	strace s3  }
0x97: {  	_ =	strace $0x8FFFFFFF  }
0x98: {  	s19 =	sld [smem:$0x3FDB];
	_ =	sdelay $0x1  }
0x99: {  	s4 =	simm.s32 $_scs_section_size  }
0x9a: {  	s5 =	simm.s32 $_size__tile_overlayer_lowered;
	s6 =	simm.s32 $_tile_overlayer_lowered  }
0x9b: {  	s22 =	simm.s32 $0x1BFF;
	s21 =	sshll.u32 s6, $0x1;
	s3 =	sadd.s32 s4, s19  }
0x9c: {  	s7 =	simm.s32 $0x0;
	s20 =	sshll.u32 s5, $0x1;
	s5 =	sadd.s32 s21, s3  }
0x9d: {  	[timem:s7], [sflag:s22] =	dma.local [hbm:s5], s20  }
0x9e: {  	_ =	swait.ge [sflag:s22], s20  }
0x9f: {  	s4 =	ssub.s32 $0x0, s20;
	[sflag:s22] =	ssyncset.done $0x0  }
0xa0: {  	[sflag:s22] =	ssyncadd.s32 s4;
	_ =	sdelay $0x1  }
0xa1: {  	s23 =	simm.s32 $0x1B8B  }
0xa2: {  	_ =	swait.ge [sflag:s23], $0x1  }
0xa3: {  	[sflag:s23] =	ssyncset.done $0x0  }
0xa4: {  	s25 =	simm.s32 $0x1B8E;
	s24 =	sld [smem:$0x3FFE];
	[sflag:s23] =	ssyncadd.s32 $0xFFFFFFFF  }
0xa5: {  	s26 =	simm.s32 $execute0_lowered;
	[smem:$0x3FD2] =	sst s25  }
0xa6: {  	s5 =	sshll.u32 s26, $0x1;
	_ =	strace $0x80000049;
	[dreg:$0x1] =	wrdreg $0xFFFFFFFF  }
0xa7: {  	s28 =	simm.s32 $_size_execute0_lowered;
	s3 =	sadd.s32 s3, s5;
	[dreg:$0x0] =	wrdreg $0x0  }
0xa8: {  	s5 =	sshll.u32 s28, $0x1;
	[dreg:$0x2] =	wrdreg s3  }
0xa9: {  	[dreg:$0x3] =	wrdreg s5  }
0xaa: {  	[dreg:$0x4] =	wrdreg $0xC0  }
0xab: {  	_ =	task [dreg:s7], $0x5FFFF  }
0xac: {  	[dreg:$0x1] =	wrdreg $0xFFFFFFFF  }
0xad: {  	[dreg:$0x0] =	wrdreg $0x60  }
0xae: {  	[dreg:$0x2] =	wrdreg s24  }
0xaf: {  	[dreg:$0x3] =	wrdreg s2  }
0xb0: {  	[dreg:$0x4] =	wrdreg $0x50000  }
0xb1: {  	[dreg:$0x5] =	wrdreg $0x78000  }
0xb2: {  	[dreg:$0x6] =	wrdreg $0x9  }
0xb3: {  	_ =	task.clear_ibuf [dreg:s7], $0x7FFFF;
	_ =	strace $0x90000049  }
0xb4: {  	s29 =	simm.s32 $0x9;
	_ =	strace $0x8000004B  }
0xb5: {  	_ =	swait.ge [sflag:s29], $0x1  }
0xb6: {  	[sflag:s29] =	ssyncadd.s32 $0xFFFFFFFF  }
0xb7: {  	_ =	strace $0x9000004B  }
0xb8: {  	_ =	sfence  }
0xb9: {  	s30 =	sld [smem:$0x0];
	_ =	sdelay $0x2  }
0xba: {  	s31 =	sshll.u32 s1, $0xD;
	s1 =	sshrl.u32 s1, $0x2  }
0xbb: {  	s3 =	sand.u32 $0x4000, s31;
	s1 =	sadd.s32 s1, s30  }
0xbc: {  	s0 =	sor.u32 s3, s0;
	s1 =	sshll.u32 s1, $0x11  }
0xbd: {  	s0 =	sor.u32 s1, s0  }
0xbe: {  	s0 =	sadd.s32 $0x8F2B, s0  }
0xbf: {  	[sflag:s0] =	ssyncadd.remote.s32 $0x1  }
0xc0: {  	_ =	sfence.sel $0xFFFF  }
0xc1: {  	[dreg:$0x0] =	wrdreg $0xFFFFFFFF;
	(pc) =	sbr.abs _section_cstart, $3  }
0xc2: {  	[dreg:$0x1] =	wrdreg $0xFFFFFFFF  }
0xc3: {  	_ =	task.clear_ibuf [dreg:s7], $0x2FFFF;
	_ =	strace $0x9FFFFFFF  }
0xc4: {  	(tm) =	ssettm $0x7FFFFFFF  }
0xc5: {  	_ =	shalt  }
tec
execute0_lowered:
.L_overlay_start_1:
0x0: {  	(tag) =	ssettag $0x1  }
0x1: {  	s0 =	rddreg [dreg:$0x0]  }
0x2: {  	s3 =	rddreg [dreg:$0x2]  }
0x3: {  	s4 =	rddreg [dreg:$0x3]  }
0x4: {  	s1 =	srdreg.scid;
	s10 =	stileid.u32;
	s5 =	simm.s32 $0x0  }
0x5: {  	s16 =	simm.s32 $0x5;
	s17 =	simm.s32 $0x6;
	s18 =	simm.s32 $0x7  }
0x6: {  	s19 =	simm.s32 $0x8;
	s20 =	simm.s32 $0x80;
	s21 =	simm.s32 $0xA000  }
0x7: {  	s22 =	simm.s32 $0xA800;
	s24 =	simm.s32 $0xB000;
	s28 =	simm.s32 $0x1  }
0x8: {  	s29 =	simm.s32 $0x9;
	s30 =	simm.s32 $0x2;
	s31 =	simm.s32 $0x3  }
0x9: {  	s23 =	simm.s32 $0x4F80;
	s1 =	sand.u32 $0x1, s1;
	s2 =	smul.u32 $0x2800, s10  }
0xa: {  	[smem:$0x7FF] =	sst s5;
	s13 =	sshll.u32 s10, $0x6;
	s6 =	sshll.u32 s1, $0x4  }
0xb: {  	s7 =	smul.u32 $0x28000, s1;
	_ =	strace $0x8000004A;
	s1 =	ssub.s32 $0x2, s1  }
0xc: {  	s6 =	sor.u32 s10, s6;
	s8 =	sshrl.u32 s2, $0x3;
	s26 =	sshrl.u32 s1, $0x1  }
0xd: {  	s12 =	sadd.s32 s2, s3;
	s6 =	smul.u32 $0x500, s6;
	s8 =	sadd.s32 s8, s0  }
0xe: {  	s7 =	sadd.s32 s2, s7;
	s1 =	ssub.s32 s1, s26;
	s2 =	sadd.s32 s2, s4  }
0xf: {  	s12 =	sshrl.u32 s12, $0x3;
	s26 =	simm.s32 $0xB800;
	s25 =	sshrl.u32 s7, $0x3  }
0x10: {  	s7 =	sadd.s32 $0x2400, s8;
	s11 =	smax.u32 s1, $0x1;
	s14 =	sshrl.u32 s2, $0x3  }
0x11: {  	s9 =	sadd.s32 s6, s0;
	s0 =	sadd.s32 s25, s0;
	s6 =	sor.u32 $0x1C05, s13  }
0x12: {  	s13 =	sor.u32 $0x1C06, s13;
	s25 =	simm.s32 $0x0;
	s8 =	sadd.s32 $0x11400, s9  }
0x13: {  	s9 =	sadd.s32 $0x7400, s9;
	s10 =	sadd.s32 $0x1B600, s0;
	s0 =	simm.s32 $0x4  }
.LBB2_1:
0x14: {  	s1 =	rddreg [dreg:$0x1]  }
0x15: {  	[spmem:s12], [sflag:s6] =	dma.local [hbm:s1], $0x500  }
0x16: {  	[spmem:s14], [sflag:s13] =	dma.local [hbm:s7], $0x500  }
0x17: {  	[tilespmem:s5], [sflag:$0x7] =	stream.linear.gather [hbm4b:s8+s5], $0x2800, $0x38;
	[tilespmem:$0xC000] =	vst v63  }
0x18: {  	s2 =	simm.s32 $0x2800  }
0x19: {  	[tilespmem:s2], [sflag:$0x8] =	stream.linear.gather [hbm4b:s9+s5], $0x2800, $0x38;
	[tilespmem:$0xC000] =	vst v63  }
0x1a: {  	_ =	swait.ge [sflag:s16], $0x500  }
0x1b: {  	[sflag:s16] =	ssyncset.done $0x0  }
0x1c: {  	[sflag:s16] =	ssyncadd.s32 $0xFFFFFB00  }
0x1d: {  	_ =	swait.ge [sflag:s17], $0x500  }
0x1e: {  	[sflag:s17] =	ssyncset.done $0x0  }
0x1f: {  	[sflag:s17] =	ssyncadd.s32 $0xFFFFFB00  }
0x20: {  	_ =	swait.ge [sflag:s18], $0x2800  }
0x21: {  	[sflag:s18] =	ssyncset.done $0x0  }
0x22: {  	[sflag:s18] =	ssyncadd.s32 $0xFFFFD800  }
0x23: {  	_ =	swait.ge [sflag:s19], $0x2800  }
0x24: {  	[sflag:s19] =	ssyncset.done $0x0  }
0x25: {  	[sflag:s19] =	ssyncadd.s32 $0xFFFFD800  }
0x26: {  	[bflag:$0x0] =	sbarrier.arrive $0xFFFF  }
0x27: {  	[tilespmem:s21], [sflag:$0x1] =	stream.indirect.gather [spmem:s4], $0x10, s5, s20, $0xb8;
	[tilespmem:$0xC000] =	vst v63  }
0x28: {  	_ = 	snop  }
0x29: {  	[tilespmem:s22], [sflag:$0x2] =	stream.indirect.gather [spmem:s4], $0x10, s20, s20, $0xb8;
	[tilespmem:$0xC000] =	vst v63  }
0x2a: {  	s15 =	simm.s32 $0x100  }
0x2b: {  	[tilespmem:s24], [sflag:$0x3] =	stream.indirect.gather [spmem:s4], $0x10, s15, s20, $0xb8;
	[tilespmem:$0xC000] =	vst v63  }
0x2c: {  	s2 =	simm.s32 $0x180  }
0x2d: {  	[tilespmem:s26], [sflag:$0x4] =	stream.indirect.gather [spmem:s4], $0x10, s2, s20, $0xb8;
	[tilespmem:$0xC000] =	vst v63  }
0x2e: {  	_ =	swait.ge [sflag:s28], $0x800  }
0x2f: {  	[sflag:s28] =	ssyncset.done $0x0  }
0x30: {  	s15 =	simm.s32 $0x2800;
	[sflag:s28] =	ssyncadd.s32 $0xFFFFF800  }
0x31: {  	[spmem:s3] =	stream.indirect.scatter.add.f32 [tilespmem:s21], [sflag:$0x9], $0x10, s15, s20, $0xb8;
	[tilespmem:$0xC000] =	vst v63  }
0x32: {  	_ =	swait.ge [sflag:s29], $0x800  }
0x33: {  	[sflag:s29] =	ssyncset.done $0x0  }
0x34: {  	s2 =	simm.s32 $0x200;
	[sflag:s29] =	ssyncadd.s32 $0xFFFFF800  }
0x35: {  	[tilespmem:s21], [sflag:$0x1] =	stream.indirect.gather [spmem:s4], $0x10, s2, s20, $0xb8;
	[tilespmem:$0xC000] =	vst v63  }
0x36: {  	_ =	swait.ge [sflag:s30], $0x800  }
0x37: {  	[sflag:s30] =	ssyncset.done $0x0  }
0x38: {  	s15 =	simm.s32 $0x2880;
	[sflag:s30] =	ssyncadd.s32 $0xFFFFF800  }
0x39: {  	[spmem:s3] =	stream.indirect.scatter.add.f32 [tilespmem:s22], [sflag:$0x9], $0x10, s15, s20, $0xb8;
	[tilespmem:$0xC000] =	vst v63  }
0x3a: {  	_ =	swait.ge [sflag:s29], $0x800  }
0x3b: {  	[sflag:s29] =	ssyncset.done $0x0  }
0x3c: {  	s2 =	simm.s32 $0x280;
	[sflag:s29] =	ssyncadd.s32 $0xFFFFF800  }
0x3d: {  	[tilespmem:s22], [sflag:$0x2] =	stream.indirect.gather [spmem:s4], $0x10, s2, s20, $0xb8;
	[tilespmem:$0xC000] =	vst v63  }
0x3e: {  	_ =	swait.ge [sflag:s31], $0x800  }
0x3f: {  	[sflag:s31] =	ssyncset.done $0x0  }
0x40: {  	s15 =	simm.s32 $0x2900;
	[sflag:s31] =	ssyncadd.s32 $0xFFFFF800  }
0x41: {  	[spmem:s3] =	stream.indirect.scatter.add.f32 [tilespmem:s24], [sflag:$0x9], $0x10, s15, s20, $0xb8;
	[tilespmem:$0xC000] =	vst v63  }
0x42: {  	_ =	swait.ge [sflag:s29], $0x800  }
0x43: {  	[sflag:s29] =	ssyncset.done $0x0  }
0x44: {  	s2 =	simm.s32 $0x300;
	[sflag:s29] =	ssyncadd.s32 $0xFFFFF800  }
0x45: {  	[tilespmem:s24], [sflag:$0x3] =	stream.indirect.gather [spmem:s4], $0x10, s2, s20, $0xb8;
	[tilespmem:$0xC000] =	vst v63  }
0x46: {  	_ =	swait.ge [sflag:s0], $0x800  }
0x47: {  	[sflag:s0] =	ssyncset.done $0x0  }
0x48: {  	s15 =	simm.s32 $0x2980;
	[sflag:s0] =	ssyncadd.s32 $0xFFFFF800  }
0x49: {  	[spmem:s3] =	stream.indirect.scatter.add.f32 [tilespmem:s26], [sflag:$0x9], $0x10, s15, s20, $0xb8;
	[tilespmem:$0xC000] =	vst v63  }
0x4a: {  	_ =	swait.ge [sflag:s29], $0x800  }
0x4b: {  	[sflag:s29] =	ssyncset.done $0x0  }
0x4c: {  	s1 =	simm.s32 $0x380;
	s2 =	simm.s32 $0x800;
	[sflag:s29] =	ssyncadd.s32 $0xFFFFF800  }
.LBB2_2:
0x4d: {  	[tilespmem:s26], [sflag:$0x4] =	stream.indirect.gather [spmem:s4], $0x10, s1, s20, $0xb8;
	[tilespmem:$0xC000] =	vst v63  }
0x4e: {  	s1 =	smov.u32 s2  }
0x4f: {  	p0 =	sne.s32 s2, $0x9000;
	s2 =	sadd.s32 $0x800, s2;
	_ =	swait.ge [sflag:s28], $0x800  }
0x50: {  	s1 =	sshra.s32 s1, $0x2;
	[sflag:s28] =	ssyncset.done $0x0  }
0x51: {  	s15 =	sadd.s32 $0x2800, s1;
	[sflag:s28] =	ssyncadd.s32 $0xFFFFF800  }
0x52: {  	[spmem:s3] =	stream.indirect.scatter.add.f32 [tilespmem:s21], [sflag:$0x9], $0x10, s15, s20, $0xb8;
	[tilespmem:$0xC000] =	vst v63  }
0x53: {  	_ =	swait.ge [sflag:s29], $0x800  }
0x54: {  	[sflag:s29] =	ssyncset.done $0x0  }
0x55: {  	s15 =	sadd.s32 $0x200, s1;
	[sflag:s29] =	ssyncadd.s32 $0xFFFFF800  }
0x56: {  	[tilespmem:s21], [sflag:$0x1] =	stream.indirect.gather [spmem:s4], $0x10, s15, s20, $0xb8;
	[tilespmem:$0xC000] =	vst v63  }
0x57: {  	_ =	swait.ge [sflag:s30], $0x800  }
0x58: {  	[sflag:s30] =	ssyncset.done $0x0  }
0x59: {  	s15 =	sadd.s32 $0x2880, s1;
	[sflag:s30] =	ssyncadd.s32 $0xFFFFF800  }
0x5a: {  	[spmem:s3] =	stream.indirect.scatter.add.f32 [tilespmem:s22], [sflag:$0x9], $0x10, s15, s20, $0xb8;
	[tilespmem:$0xC000] =	vst v63  }
0x5b: {  	_ =	swait.ge [sflag:s29], $0x800  }
0x5c: {  	[sflag:s29] =	ssyncset.done $0x0  }
0x5d: {  	s15 =	sadd.s32 $0x280, s1;
	[sflag:s29] =	ssyncadd.s32 $0xFFFFF800  }
0x5e: {  	[tilespmem:s22], [sflag:$0x2] =	stream.indirect.gather [spmem:s4], $0x10, s15, s20, $0xb8;
	[tilespmem:$0xC000] =	vst v63  }
0x5f: {  	_ =	swait.ge [sflag:s31], $0x800  }
0x60: {  	[sflag:s31] =	ssyncset.done $0x0  }
0x61: {  	s15 =	sadd.s32 $0x2900, s1;
	[sflag:s31] =	ssyncadd.s32 $0xFFFFF800  }
0x62: {  	[spmem:s3] =	stream.indirect.scatter.add.f32 [tilespmem:s24], [sflag:$0x9], $0x10, s15, s20, $0xb8;
	[tilespmem:$0xC000] =	vst v63  }
0x63: {  	_ =	swait.ge [sflag:s29], $0x800  }
0x64: {  	[sflag:s29] =	ssyncset.done $0x0  }
0x65: {  	s15 =	sadd.s32 $0x300, s1;
	[sflag:s29] =	ssyncadd.s32 $0xFFFFF800  }
0x66: {  	[tilespmem:s24], [sflag:$0x3] =	stream.indirect.gather [spmem:s4], $0x10, s15, s20, $0xb8;
	[tilespmem:$0xC000] =	vst v63  }
0x67: {  	_ =	swait.ge [sflag:s0], $0x800  }
0x68: {  	[sflag:s0] =	ssyncset.done $0x0  }
.Ltmp0:
0x69: {  	s15 =	sadd.s32 $0x2980, s1;
	[sflag:s0] =	ssyncadd.s32 $0xFFFFF800;
	(pc) =	sbr.rel @p0 .LBB2_2-.Ltmp0, $4  }
0x6a: {  	[spmem:s3] =	stream.indirect.scatter.add.f32 [tilespmem:s26], [sflag:$0x9], $0x10, s15, s20, $0xb8;
	[tilespmem:$0xC000] =	vst v63  }
0x6b: {  	_ =	swait.ge [sflag:s29], $0x800  }
0x6c: {  	[sflag:s29] =	ssyncset.done $0x0  }
0x6d: {  	s1 =	sadd.s32 $0x380, s1;
	[sflag:s29] =	ssyncadd.s32 $0xFFFFF800  }
0x6e: {  	[tilespmem:s26], [sflag:$0x4] =	stream.indirect.gather [spmem:s4], $0x10, s1, s20, $0xb8;
	[tilespmem:$0xC000] =	vst v63  }
0x6f: {  	_ =	swait.ge [sflag:s28], $0x800  }
0x70: {  	[sflag:s28] =	ssyncset.done $0x0  }
0x71: {  	s15 =	simm.s32 $0x4E00;
	[sflag:s28] =	ssyncadd.s32 $0xFFFFF800  }
0x72: {  	[spmem:s3] =	stream.indirect.scatter.add.f32 [tilespmem:s21], [sflag:$0x9], $0x10, s15, s20, $0xb8;
	[tilespmem:$0xC000] =	vst v63  }
0x73: {  	_ =	swait.ge [sflag:s29], $0x800  }
0x74: {  	[sflag:s29] =	ssyncset.done $0x0  }
0x75: {  	[sflag:s29] =	ssyncadd.s32 $0xFFFFF800  }
0x76: {  	_ =	swait.ge [sflag:s30], $0x800  }
0x77: {  	[sflag:s30] =	ssyncset.done $0x0  }
0x78: {  	s2 =	simm.s32 $0x4E80;
	[sflag:s30] =	ssyncadd.s32 $0xFFFFF800  }
0x79: {  	[spmem:s3] =	stream.indirect.scatter.add.f32 [tilespmem:s22], [sflag:$0x9], $0x10, s2, s20, $0xb8;
	[tilespmem:$0xC000] =	vst v63  }
0x7a: {  	_ =	swait.ge [sflag:s29], $0x800  }
0x7b: {  	[sflag:s29] =	ssyncset.done $0x0  }
0x7c: {  	[sflag:s29] =	ssyncadd.s32 $0xFFFFF800  }
0x7d: {  	_ =	swait.ge [sflag:s31], $0x800  }
0x7e: {  	[sflag:s31] =	ssyncset.done $0x0  }
0x7f: {  	s15 =	simm.s32 $0x4F00;
	[sflag:s31] =	ssyncadd.s32 $0xFFFFF800  }
0x80: {  	[spmem:s3] =	stream.indirect.scatter.add.f32 [tilespmem:s24], [sflag:$0x9], $0x10, s15, s20, $0xb8;
	[tilespmem:$0xC000] =	vst v63  }
0x81: {  	_ =	swait.ge [sflag:s29], $0x800  }
0x82: {  	[sflag:s29] =	ssyncset.done $0x0  }
0x83: {  	[sflag:s29] =	ssyncadd.s32 $0xFFFFF800  }
0x84: {  	_ =	swait.ge [sflag:s0], $0x800  }
0x85: {  	[sflag:s0] =	ssyncset.done $0x0  }
0x86: {  	[sflag:s0] =	ssyncadd.s32 $0xFFFFF800  }
0x87: {  	[spmem:s3] =	stream.indirect.scatter.add.f32 [tilespmem:s26], [sflag:$0x9], $0x10, s23, s20, $0xb8;
	[tilespmem:$0xC000] =	vst v63  }
0x88: {  	_ =	swait.ge [sflag:s29], $0x800  }
0x89: {  	s25 =	sadd.s32 $0x1, s25;
	[sflag:s29] =	ssyncset.done $0x0  }
0x8a: {  	p0 =	sne.s32 s25, s11;
	[sflag:s29] =	ssyncadd.s32 $0xFFFFF800  }
.Ltmp1:
0x8b: {  	[bflag:$0x0] =	sbarrier.arrive $0xFFFF;
	(pc) =	sbr.rel @p0 .LBB2_1-.Ltmp1, $4  }
0x8c: {  	[hbm:s10], [sflag:s6] =	dma.local [spmem:s12], $0x500  }
0x8d: {  	_ =	swait.ge [sflag:s16], $0x500  }
0x8e: {  	[sflag:s16] =	ssyncset.done $0x0  }
0x8f: {  	[sflag:s16] =	ssyncadd.s32 $0xFFFFFB00  }
0x90: {  	_ =	sfence.sel $0x180000  }
0x91: {  	[bflag:$0x0] =	sbarrier.arrive $0xFFFF  }
0x92: {  	_ =	strace $0x9000004A  }
0x93: {  	s0 =	stileid.u32;
	[bflag:$0x2] =	sbarrier.arrive $0xFFFF  }
0x94: {  	p0 =	sne.s32 s0, $0x0;
	s0 =	rddreg [dreg:$0x4]  }
0x95: {  	s0 =	sadd.s32 @!p0 $0x100000, s0  }
0x96: {  	[sflag:s0] =	ssyncadd.tile.s32 @!p0 $0x1;
	_ =	shalt  }
.Lfunc_end2:
_tile_overlayer_lowered:
.L_overlay_start_2:
0x97: {  	(tag) =	ssettag $0x2  }
0x98: {  	s0 =	rddreg [dreg:$0x0];
	s2 =	stileid.u32  }
0x99: {  	s1 =	rddreg [dreg:$0x1];
	p0 =	sne.s32 s2, $0x0  }
0x9a: {  	s3 =	rddreg [dreg:$0x2];
	[bflag:$0x3] =	sbarrier.arrive $0xFFFF;
	s2 =	simm.s32 @!p0 $0x1C09  }
0x9b: {  	[timem:s3], [sflag:s2] =	dma.local @!p0 [hbm:s0], s1  }
0x9c: {  	s0 =	simm.s32 @!p0 $0x9  }
0x9d: {  	_ =	swait.ge @!p0 [sflag:s0], s1  }
0x9e: {  	s1 =	ssub.s32 @!p0 $0x0, s1;
	[sflag:s0] =	ssyncset.done @!p0 $0x0  }
0x9f: {  	[sflag:s0] =	ssyncadd.s32 @!p0 s1  }
0xa0: {  	[bflag:$0x3] =	sbarrier.arrive $0xFFFF  }
0xa1: {  	_ =	shalt  }

// kernel: kernel.15.cloned.1.call-start
scs
__scs_entry_jumppad:
0x0: {  	(pc) =	sbr.rel $0x88, $3  }
0x1: {  	(tag) =	ssettag $0x0;
	lr =	simm.s32 $0x1  }
0x2: {  	[smem:$0x3F96] =	sst lr;
	_ =	strace $0xD0000000  }
0x3: {  	_ = 	snop  }
0x4: {  	_ = 	snop  }
0x5: {  	_ = 	snop  }
0x6: {  	_ = 	snop  }
0x7: {  	_ = 	snop  }
__scs_overlays_trampoline_lowered:
0x8: {  	[smem:$0x3FA5] =	sst s0  }
0x9: {  	[smem:$0x3FA6] =	sst s1  }
0xa: {  	[smem:$0x3FA7] =	sst s2  }
0xb: {  	[smem:$0x3FA8] =	sst s3  }
0xc: {  	[smem:$0x3FA9] =	sst s4  }
0xd: {  	[smem:$0x3FAA] =	sst s5  }
0xe: {  	[smem:$0x3FAB] =	sst s6  }
0xf: {  	[smem:$0x3FAC] =	sst s7  }
0x10: {  	[smem:$0x3FAD] =	sst s8  }
0x11: {  	[smem:$0x3FAE] =	sst s9;
	s0 =	simm.s32 @!p0 $0x0  }
0x12: {  	s1 =	sld [smem:$0x3F94];
	s0 =	simm.s32 @p0 $0x1  }
0x13: {  	[smem:$0x3FAF] =	sst s0;
	s0 =	simm.s32 @!p1 $0x0  }
0x14: {  	s2 =	sld [smem:$0x3F93];
	s0 =	simm.s32 @p1 $0x1  }
0x15: {  	[smem:$0x3FB0] =	sst s0;
	s0 =	simm.s32 @!p2 $0x0  }
0x16: {  	s3 =	sld [smem:$0x3FDB];
	s0 =	simm.s32 @p2 $0x1  }
0x17: {  	s4 =	simm.s32 $0x1BF5;
	[smem:$0x3FB2] =	sst s0  }
0x18: {  	s0 =	sld [smem:$0x3F95];
	_ =	swait.ge [sflag:s4], $0x0  }
0x19: {  	s7 =	sld [smem:$0x3F96]  }
0x1a: {  	s8 =	sadd.s32 $0xFFFFE003, lr  }
0x1b: {  	s9 =	sadd.s32 $0xFFFFFEF7, lr;
	s5 =	simm.s32 $0xFFFFFFFF;
	p2 =	slt.u32 s8, $0xFFFFF086  }
0x1c: {  	p1 =	slt.u32 s9, $0xF7A;
	s5 =	simm.s32 @!p2 $0x0  }
0x1d: {  	s5 =	simm.s32 @p1 $0x1;
	p0 =	seq.s32 s7, s2  }
0x1e: {  	s7 =	smul.u32 @!p0 $0xF7A, s2;
	p2 =	seq.s32 @!p0 s5, $0x0  }
0x1f: {  	s9 =	smul.u32 $0xF7A, s1;
	s8 =	simm.s32 @!p0 $0x1BF5;
	p2 =	por !p2, p0  }
0x20: {  	[sflag:s8] =	ssyncset.s32 @!p0 $0xFFFFF086;
	s6 =	sadd.s32 @!p0 s3, s7;
	s7 =	simm.s32 @!p0 $0x108  }
0x21: {  	s3 =	sadd.s32 s3, s9;
	s6 =	sadd.s32 @!p0 $0x88, s6;
	s7 =	simm.s32 @p2 $0x1082  }
0x22: {  	[simem:s7], [sflag:s8] =	dma.local @!p0 [hbm:s6], $0xF7A  }
0x23: {  	s9 =	sor.u32 $0xD0000000, s2;
	s6 =	simm.s32 $0x108;
	_ =	swait.ge @!p0 [sflag:s8], $0x0  }
0x24: {  	s3 =	sadd.s32 $0x88, s3;
	s6 =	simm.s32 @!p1 $0x1082;
	[sflag:s4] =	ssyncset.s32 $0xFFFFF086  }
0x25: {  	[simem:s6], [sflag:s4] =	dma.local [hbm:s3], $0xF7A  }
0x26: {  	[smem:$0x3F96] =	sst s1;
	(tag) =	ssettag s2;
	_ =	strace s9  }
0x27: {  	s1 =	sld [smem:$0x3FA6]  }
0x28: {  	s2 =	sld [smem:$0x3FA7]  }
0x29: {  	s4 =	sld [smem:$0x3FA9]  }
0x2a: {  	p0 =	seq.s32 s5, $0x0;
	s5 =	sld [smem:$0x3FAA]  }
0x2b: {  	s6 =	sld [smem:$0x3FAB]  }
0x2c: {  	s7 =	sld [smem:$0x3FAC]  }
0x2d: {  	s3 =	simm.s32 $0x108;
	s8 =	sld [smem:$0x3FAD]  }
0x2e: {  	s3 =	simm.s32 @!p0 $0x1082;
	s9 =	sld [smem:$0x3FAE]  }
0x2f: {  	lr =	sadd.s32 s0, s3;
	s0 =	sld [smem:$0x3FA5]  }
0x30: {  	s3 =	sld [smem:$0x3FA8]  }
0x31: {  	[smem:$0x3FB1] =	sst s10  }
0x32: {  	s10 =	sld [smem:$0x3FAF];
	_ =	sdelay $0x3  }
0x33: {  	p0 =	seq.s32 s10, $0x1;
	s10 =	sld [smem:$0x3FB1];
	_ =	sdelay $0x3  }
0x34: {  	[smem:$0x3FB1] =	sst s10  }
0x35: {  	s10 =	sld [smem:$0x3FB0];
	_ =	sdelay $0x3  }
0x36: {  	p1 =	seq.s32 s10, $0x1;
	s10 =	sld [smem:$0x3FB1];
	_ =	sdelay $0x3  }
0x37: {  	[smem:$0x3FB1] =	sst s10  }
0x38: {  	s10 =	sld [smem:$0x3FB2]  }
0x39: {  	_ = 	snop;
	(pc) =	sbr.ind lr, $3  }
0x3a: {  	_ = 	snop  }
0x3b: {  	_ = 	snop  }
0x3c: {  	p2 =	seq.s32 s10, $0x1;
	s10 =	sld [smem:$0x3FB1]  }
0x3d: {  	_ =	shalt  }
0x3e: {  	_ =	shalt  }
0x3f: {  	_ =	shalt  }
0x40: {  	_ =	shalt  }
0x41: {  	_ =	shalt  }
0x42: {  	_ =	shalt  }
0x43: {  	_ =	shalt  }
0x44: {  	_ =	shalt  }
0x45: {  	_ =	shalt  }
0x46: {  	_ =	shalt  }
0x47: {  	_ =	shalt  }
0x48: {  	_ =	shalt  }
0x49: {  	_ =	shalt  }
0x4a: {  	_ =	shalt  }
0x4b: {  	_ =	shalt  }
0x4c: {  	_ =	shalt  }
0x4d: {  	_ =	shalt  }
0x4e: {  	_ =	shalt  }
0x4f: {  	_ =	shalt  }
0x50: {  	_ =	shalt  }
0x51: {  	_ =	shalt  }
0x52: {  	_ =	shalt  }
0x53: {  	_ =	shalt  }
0x54: {  	_ =	shalt  }
0x55: {  	_ =	shalt  }
0x56: {  	_ =	shalt  }
0x57: {  	_ =	shalt  }
0x58: {  	_ =	shalt  }
0x59: {  	_ =	shalt  }
0x5a: {  	_ =	shalt  }
0x5b: {  	_ =	shalt  }
0x5c: {  	_ =	shalt  }
0x5d: {  	_ =	shalt  }
0x5e: {  	_ =	shalt  }
0x5f: {  	_ =	shalt  }
0x60: {  	_ =	shalt  }
0x61: {  	_ =	shalt  }
0x62: {  	_ =	shalt  }
0x63: {  	_ =	shalt  }
0x64: {  	_ =	shalt  }
0x65: {  	_ =	shalt  }
0x66: {  	_ =	shalt  }
0x67: {  	_ =	shalt  }
0x68: {  	_ =	shalt  }
0x69: {  	_ =	shalt  }
0x6a: {  	_ =	shalt  }
0x6b: {  	_ =	shalt  }
0x6c: {  	_ =	shalt  }
0x6d: {  	_ =	shalt  }
0x6e: {  	_ =	shalt  }
0x6f: {  	_ =	shalt  }
0x70: {  	_ =	shalt  }
0x71: {  	_ =	shalt  }
0x72: {  	_ =	shalt  }
0x73: {  	_ =	shalt  }
0x74: {  	_ =	shalt  }
0x75: {  	_ =	shalt  }
0x76: {  	_ =	shalt  }
0x77: {  	_ =	shalt  }
0x78: {  	_ =	shalt  }
0x79: {  	_ =	shalt  }
0x7a: {  	_ =	shalt  }
0x7b: {  	_ =	shalt  }
0x7c: {  	_ =	shalt  }
0x7d: {  	_ =	shalt  }
0x7e: {  	_ =	shalt  }
0x7f: {  	_ =	shalt  }
0x80: {  	_ =	shalt  }
0x81: {  	_ =	shalt  }
0x82: {  	_ =	shalt  }
0x83: {  	_ =	shalt  }
0x84: {  	_ =	shalt  }
0x85: {  	_ =	shalt  }
0x86: {  	_ =	shalt  }
0x87: {  	_ =	shalt  }
.Lfunc_end0:
.L_simem_size_0:
called_computation.2_lowered:
.L_overlay_start_0:
0x88: {  	s2 =	sld [smem:$0x3FD9]  }
0x89: {  	s3 =	sld [smem:$0x3FFE];
	_ =	sdelay $0x1  }
0x8a: {  	s1 =	srdreg.scid  }
0x8b: {  	s0 =	sand.u32 $0x1, s1  }
0x8c: {  	s17 =	sshll.u32 s0, $0xA;
	s2 =	sadd.s32 s3, s2  }
0x8d: {  	s2 =	sadd.s32 s2, s17  }
0x8e: {  	[smem:$0x3FBD] =	sst s2  }
0x8f: {  	_ = 	snop  }
0x90: {  	s2 =	sld [smem:$0x3FD0];
	(tm) =	ssettm $0x1  }
0x91: {  	s18 =	sld [smem:$0x3FFB];
	_ =	sdelay $0x3  }
0x92: {  	_ =	strace s18  }
0x93: {  	s3 =	sld [smem:$0x3FFC];
	_ =	sdelay $0x3  }
0x94: {  	_ =	strace s3  }
0x95: {  	s3 =	sld [smem:$0x3FFD];
	_ =	sdelay $0x3  }
0x96: {  	_ =	strace s3  }
0x97: {  	_ =	strace $0x8FFFFFFF  }
0x98: {  	s19 =	sld [smem:$0x3FDB];
	_ =	sdelay $0x1  }
0x99: {  	s4 =	simm.s32 $_scs_section_size  }
0x9a: {  	s5 =	simm.s32 $_size__tile_overlayer_lowered;
	s6 =	simm.s32 $_tile_overlayer_lowered  }
0x9b: {  	s22 =	simm.s32 $0x1BFF;
	s21 =	sshll.u32 s6, $0x1;
	s3 =	sadd.s32 s4, s19  }
0x9c: {  	s7 =	simm.s32 $0x0;
	s20 =	sshll.u32 s5, $0x1;
	s5 =	sadd.s32 s21, s3  }
0x9d: {  	[timem:s7], [sflag:s22] =	dma.local [hbm:s5], s20  }
0x9e: {  	_ =	swait.ge [sflag:s22], s20  }
0x9f: {  	s4 =	ssub.s32 $0x0, s20;
	[sflag:s22] =	ssyncset.done $0x0  }
0xa0: {  	[sflag:s22] =	ssyncadd.s32 s4;
	_ =	sdelay $0x1  }
0xa1: {  	s23 =	simm.s32 $0x1B8B  }
0xa2: {  	_ =	swait.ge [sflag:s23], $0x1  }
0xa3: {  	[sflag:s23] =	ssyncset.done $0x0  }
0xa4: {  	s25 =	simm.s32 $0x1B8E;
	s24 =	sld [smem:$0x3FFE];
	[sflag:s23] =	ssyncadd.s32 $0xFFFFFFFF  }
0xa5: {  	s26 =	simm.s32 $execute0_lowered;
	[smem:$0x3FD2] =	sst s25  }
0xa6: {  	s5 =	sshll.u32 s26, $0x1;
	_ =	strace $0x8000004C;
	[dreg:$0x1] =	wrdreg $0xFFFFFFFF  }
0xa7: {  	s28 =	simm.s32 $_size_execute0_lowered;
	s3 =	sadd.s32 s3, s5;
	[dreg:$0x0] =	wrdreg $0x0  }
0xa8: {  	s5 =	sshll.u32 s28, $0x1;
	[dreg:$0x2] =	wrdreg s3  }
0xa9: {  	[dreg:$0x3] =	wrdreg s5  }
0xaa: {  	[dreg:$0x4] =	wrdreg $0xC0  }
0xab: {  	_ =	task [dreg:s7], $0x5FFFF  }
0xac: {  	[dreg:$0x1] =	wrdreg $0xFFFFFFFF  }
0xad: {  	[dreg:$0x0] =	wrdreg $0x60  }
0xae: {  	[dreg:$0x2] =	wrdreg s24  }
0xaf: {  	[dreg:$0x3] =	wrdreg s2  }
0xb0: {  	[dreg:$0x4] =	wrdreg $0x50000  }
0xb1: {  	[dreg:$0x5] =	wrdreg $0x78000  }
0xb2: {  	[dreg:$0x6] =	wrdreg $0x9  }
0xb3: {  	_ =	task.clear_ibuf [dreg:s7], $0x7FFFF;
	_ =	strace $0x9000004C  }
0xb4: {  	s29 =	simm.s32 $0x9;
	_ =	strace $0x8000004E  }
0xb5: {  	_ =	swait.ge [sflag:s29], $0x1  }
0xb6: {  	[sflag:s29] =	ssyncadd.s32 $0xFFFFFFFF  }
0xb7: {  	_ =	strace $0x9000004E  }
0xb8: {  	_ =	sfence  }
0xb9: {  	s30 =	sld [smem:$0x0];
	_ =	sdelay $0x2  }
0xba: {  	s31 =	sshll.u32 s1, $0xD;
	s1 =	sshrl.u32 s1, $0x2  }
0xbb: {  	s3 =	sand.u32 $0x4000, s31;
	s1 =	sadd.s32 s1, s30  }
0xbc: {  	s0 =	sor.u32 s3, s0;
	s1 =	sshll.u32 s1, $0x11  }
0xbd: {  	s0 =	sor.u32 s1, s0  }
0xbe: {  	s0 =	sadd.s32 $0x8F2B, s0  }
0xbf: {  	[sflag:s0] =	ssyncadd.remote.s32 $0x1  }
0xc0: {  	_ =	sfence.sel $0xFFFF  }
0xc1: {  	[dreg:$0x0] =	wrdreg $0xFFFFFFFF;
	(pc) =	sbr.abs _section_cstart, $3  }
0xc2: {  	[dreg:$0x1] =	wrdreg $0xFFFFFFFF  }
0xc3: {  	_ =	task.clear_ibuf [dreg:s7], $0x2FFFF;
	_ =	strace $0x9FFFFFFF  }
0xc4: {  	(tm) =	ssettm $0x7FFFFFFF  }
0xc5: {  	_ =	shalt  }
tec
execute0_lowered:
.L_overlay_start_1:
0x0: {  	(tag) =	ssettag $0x1  }
0x1: {  	s0 =	rddreg [dreg:$0x0]  }
0x2: {  	s3 =	rddreg [dreg:$0x2]  }
0x3: {  	s4 =	rddreg [dreg:$0x3]  }
0x4: {  	s1 =	srdreg.scid;
	s10 =	stileid.u32;
	s5 =	simm.s32 $0x0  }
0x5: {  	s16 =	simm.s32 $0x5;
	s17 =	simm.s32 $0x6;
	s18 =	simm.s32 $0x7  }
0x6: {  	s19 =	simm.s32 $0x8;
	s20 =	simm.s32 $0x80;
	s21 =	simm.s32 $0xA000  }
0x7: {  	s22 =	simm.s32 $0xA800;
	s24 =	simm.s32 $0xB000;
	s28 =	simm.s32 $0x1  }
0x8: {  	s29 =	simm.s32 $0x9;
	s30 =	simm.s32 $0x2;
	s31 =	simm.s32 $0x3  }
0x9: {  	s23 =	simm.s32 $0x4F80;
	s1 =	sand.u32 $0x1, s1;
	s2 =	smul.u32 $0x2800, s10  }
0xa: {  	[smem:$0x7FF] =	sst s5;
	s13 =	sshll.u32 s10, $0x6;
	s6 =	sshll.u32 s1, $0x4  }
0xb: {  	s7 =	smul.u32 $0x28000, s1;
	_ =	strace $0x8000004D;
	s1 =	ssub.s32 $0x2, s1  }
0xc: {  	s6 =	sor.u32 s10, s6;
	s8 =	sshrl.u32 s2, $0x3;
	s26 =	sshrl.u32 s1, $0x1  }
0xd: {  	s12 =	sadd.s32 s2, s3;
	s6 =	smul.u32 $0x500, s6;
	s8 =	sadd.s32 s8, s0  }
0xe: {  	s7 =	sadd.s32 s2, s7;
	s1 =	ssub.s32 s1, s26;
	s2 =	sadd.s32 s2, s4  }
0xf: {  	s12 =	sshrl.u32 s12, $0x3;
	s26 =	simm.s32 $0xB800;
	s25 =	sshrl.u32 s7, $0x3  }
0x10: {  	s7 =	sadd.s32 $0x2400, s8;
	s11 =	smax.u32 s1, $0x1;
	s14 =	sshrl.u32 s2, $0x3  }
0x11: {  	s9 =	sadd.s32 s6, s0;
	s0 =	sadd.s32 s25, s0;
	s6 =	sor.u32 $0x1C05, s13  }
0x12: {  	s13 =	sor.u32 $0x1C06, s13;
	s25 =	simm.s32 $0x0;
	s8 =	sadd.s32 $0x11400, s9  }
0x13: {  	s9 =	sadd.s32 $0x7400, s9;
	s10 =	sadd.s32 $0x1B600, s0;
	s0 =	simm.s32 $0x4  }
.LBB2_1:
0x14: {  	s1 =	rddreg [dreg:$0x1]  }
0x15: {  	[spmem:s12], [sflag:s6] =	dma.local [hbm:s1], $0x500  }
0x16: {  	[spmem:s14], [sflag:s13] =	dma.local [hbm:s7], $0x500  }
0x17: {  	[tilespmem:s5], [sflag:$0x7] =	stream.linear.gather [hbm4b:s8+s5], $0x2800, $0x38;
	[tilespmem:$0xC000] =	vst v63  }
0x18: {  	s2 =	simm.s32 $0x2800  }
0x19: {  	[tilespmem:s2], [sflag:$0x8] =	stream.linear.gather [hbm4b:s9+s5], $0x2800, $0x38;
	[tilespmem:$0xC000] =	vst v63  }
0x1a: {  	_ =	swait.ge [sflag:s16], $0x500  }
0x1b: {  	[sflag:s16] =	ssyncset.done $0x0  }
0x1c: {  	[sflag:s16] =	ssyncadd.s32 $0xFFFFFB00  }
0x1d: {  	_ =	swait.ge [sflag:s17], $0x500  }
0x1e: {  	[sflag:s17] =	ssyncset.done $0x0  }
0x1f: {  	[sflag:s17] =	ssyncadd.s32 $0xFFFFFB00  }
0x20: {  	_ =	swait.ge [sflag:s18], $0x2800  }
0x21: {  	[sflag:s18] =	ssyncset.done $0x0  }
0x22: {  	[sflag:s18] =	ssyncadd.s32 $0xFFFFD800  }
0x23: {  	_ =	swait.ge [sflag:s19], $0x2800  }
0x24: {  	[sflag:s19] =	ssyncset.done $0x0  }
0x25: {  	[sflag:s19] =	ssyncadd.s32 $0xFFFFD800  }
0x26: {  	[bflag:$0x0] =	sbarrier.arrive $0xFFFF  }
0x27: {  	[tilespmem:s21], [sflag:$0x1] =	stream.indirect.gather [spmem:s4], $0x10, s5, s20, $0xb8;
	[tilespmem:$0xC000] =	vst v63  }
0x28: {  	_ = 	snop  }
0x29: {  	[tilespmem:s22], [sflag:$0x2] =	stream.indirect.gather [spmem:s4], $0x10, s20, s20, $0xb8;
	[tilespmem:$0xC000] =	vst v63  }
0x2a: {  	s15 =	simm.s32 $0x100  }
0x2b: {  	[tilespmem:s24], [sflag:$0x3] =	stream.indirect.gather [spmem:s4], $0x10, s15, s20, $0xb8;
	[tilespmem:$0xC000] =	vst v63  }
0x2c: {  	s2 =	simm.s32 $0x180  }
0x2d: {  	[tilespmem:s26], [sflag:$0x4] =	stream.indirect.gather [spmem:s4], $0x10, s2, s20, $0xb8;
	[tilespmem:$0xC000] =	vst v63  }
0x2e: {  	_ =	swait.ge [sflag:s28], $0x800  }
0x2f: {  	[sflag:s28] =	ssyncset.done $0x0  }
0x30: {  	s15 =	simm.s32 $0x2800;
	[sflag:s28] =	ssyncadd.s32 $0xFFFFF800  }
0x31: {  	[spmem:s3] =	stream.indirect.scatter.add.f32 [tilespmem:s21], [sflag:$0x9], $0x10, s15, s20, $0xb8;
	[tilespmem:$0xC000] =	vst v63  }
0x32: {  	_ =	swait.ge [sflag:s29], $0x800  }
0x33: {  	[sflag:s29] =	ssyncset.done $0x0  }
0x34: {  	s2 =	simm.s32 $0x200;
	[sflag:s29] =	ssyncadd.s32 $0xFFFFF800  }
0x35: {  	[tilespmem:s21], [sflag:$0x1] =	stream.indirect.gather [spmem:s4], $0x10, s2, s20, $0xb8;
	[tilespmem:$0xC000] =	vst v63  }
0x36: {  	_ =	swait.ge [sflag:s30], $0x800  }
0x37: {  	[sflag:s30] =	ssyncset.done $0x0  }
0x38: {  	s15 =	simm.s32 $0x2880;
	[sflag:s30] =	ssyncadd.s32 $0xFFFFF800  }
0x39: {  	[spmem:s3] =	stream.indirect.scatter.add.f32 [tilespmem:s22], [sflag:$0x9], $0x10, s15, s20, $0xb8;
	[tilespmem:$0xC000] =	vst v63  }
0x3a: {  	_ =	swait.ge [sflag:s29], $0x800  }
0x3b: {  	[sflag:s29] =	ssyncset.done $0x0  }
0x3c: {  	s2 =	simm.s32 $0x280;
	[sflag:s29] =	ssyncadd.s32 $0xFFFFF800  }
0x3d: {  	[tilespmem:s22], [sflag:$0x2] =	stream.indirect.gather [spmem:s4], $0x10, s2, s20, $0xb8;
	[tilespmem:$0xC000] =	vst v63  }
0x3e: {  	_ =	swait.ge [sflag:s31], $0x800  }
0x3f: {  	[sflag:s31] =	ssyncset.done $0x0  }
0x40: {  	s15 =	simm.s32 $0x2900;
	[sflag:s31] =	ssyncadd.s32 $0xFFFFF800  }
0x41: {  	[spmem:s3] =	stream.indirect.scatter.add.f32 [tilespmem:s24], [sflag:$0x9], $0x10, s15, s20, $0xb8;
	[tilespmem:$0xC000] =	vst v63  }
0x42: {  	_ =	swait.ge [sflag:s29], $0x800  }
0x43: {  	[sflag:s29] =	ssyncset.done $0x0  }
0x44: {  	s2 =	simm.s32 $0x300;
	[sflag:s29] =	ssyncadd.s32 $0xFFFFF800  }
0x45: {  	[tilespmem:s24], [sflag:$0x3] =	stream.indirect.gather [spmem:s4], $0x10, s2, s20, $0xb8;
	[tilespmem:$0xC000] =	vst v63  }
0x46: {  	_ =	swait.ge [sflag:s0], $0x800  }
0x47: {  	[sflag:s0] =	ssyncset.done $0x0  }
0x48: {  	s15 =	simm.s32 $0x2980;
	[sflag:s0] =	ssyncadd.s32 $0xFFFFF800  }
0x49: {  	[spmem:s3] =	stream.indirect.scatter.add.f32 [tilespmem:s26], [sflag:$0x9], $0x10, s15, s20, $0xb8;
	[tilespmem:$0xC000] =	vst v63  }
0x4a: {  	_ =	swait.ge [sflag:s29], $0x800  }
0x4b: {  	[sflag:s29] =	ssyncset.done $0x0  }
0x4c: {  	s1 =	simm.s32 $0x380;
	s2 =	simm.s32 $0x800;
	[sflag:s29] =	ssyncadd.s32 $0xFFFFF800  }
.LBB2_2:
0x4d: {  	[tilespmem:s26], [sflag:$0x4] =	stream.indirect.gather [spmem:s4], $0x10, s1, s20, $0xb8;
	[tilespmem:$0xC000] =	vst v63  }
0x4e: {  	s1 =	smov.u32 s2  }
0x4f: {  	p0 =	sne.s32 s2, $0x9000;
	s2 =	sadd.s32 $0x800, s2;
	_ =	swait.ge [sflag:s28], $0x800  }
0x50: {  	s1 =	sshra.s32 s1, $0x2;
	[sflag:s28] =	ssyncset.done $0x0  }
0x51: {  	s15 =	sadd.s32 $0x2800, s1;
	[sflag:s28] =	ssyncadd.s32 $0xFFFFF800  }
0x52: {  	[spmem:s3] =	stream.indirect.scatter.add.f32 [tilespmem:s21], [sflag:$0x9], $0x10, s15, s20, $0xb8;
	[tilespmem:$0xC000] =	vst v63  }
0x53: {  	_ =	swait.ge [sflag:s29], $0x800  }
0x54: {  	[sflag:s29] =	ssyncset.done $0x0  }
0x55: {  	s15 =	sadd.s32 $0x200, s1;
	[sflag:s29] =	ssyncadd.s32 $0xFFFFF800  }
0x56: {  	[tilespmem:s21], [sflag:$0x1] =	stream.indirect.gather [spmem:s4], $0x10, s15, s20, $0xb8;
	[tilespmem:$0xC000] =	vst v63  }
0x57: {  	_ =	swait.ge [sflag:s30], $0x800  }
0x58: {  	[sflag:s30] =	ssyncset.done $0x0  }
0x59: {  	s15 =	sadd.s32 $0x2880, s1;
	[sflag:s30] =	ssyncadd.s32 $0xFFFFF800  }
0x5a: {  	[spmem:s3] =	stream.indirect.scatter.add.f32 [tilespmem:s22], [sflag:$0x9], $0x10, s15, s20, $0xb8;
	[tilespmem:$0xC000] =	vst v63  }
0x5b: {  	_ =	swait.ge [sflag:s29], $0x800  }
0x5c: {  	[sflag:s29] =	ssyncset.done $0x0  }
0x5d: {  	s15 =	sadd.s32 $0x280, s1;
	[sflag:s29] =	ssyncadd.s32 $0xFFFFF800  }
0x5e: {  	[tilespmem:s22], [sflag:$0x2] =	stream.indirect.gather [spmem:s4], $0x10, s15, s20, $0xb8;
	[tilespmem:$0xC000] =	vst v63  }
0x5f: {  	_ =	swait.ge [sflag:s31], $0x800  }
0x60: {  	[sflag:s31] =	ssyncset.done $0x0  }
0x61: {  	s15 =	sadd.s32 $0x2900, s1;
	[sflag:s31] =	ssyncadd.s32 $0xFFFFF800  }
0x62: {  	[spmem:s3] =	stream.indirect.scatter.add.f32 [tilespmem:s24], [sflag:$0x9], $0x10, s15, s20, $0xb8;
	[tilespmem:$0xC000] =	vst v63  }
0x63: {  	_ =	swait.ge [sflag:s29], $0x800  }
0x64: {  	[sflag:s29] =	ssyncset.done $0x0  }
0x65: {  	s15 =	sadd.s32 $0x300, s1;
	[sflag:s29] =	ssyncadd.s32 $0xFFFFF800  }
0x66: {  	[tilespmem:s24], [sflag:$0x3] =	stream.indirect.gather [spmem:s4], $0x10, s15, s20, $0xb8;
	[tilespmem:$0xC000] =	vst v63  }
0x67: {  	_ =	swait.ge [sflag:s0], $0x800  }
0x68: {  	[sflag:s0] =	ssyncset.done $0x0  }
.Ltmp0:
0x69: {  	s15 =	sadd.s32 $0x2980, s1;
	[sflag:s0] =	ssyncadd.s32 $0xFFFFF800;
	(pc) =	sbr.rel @p0 .LBB2_2-.Ltmp0, $4  }
0x6a: {  	[spmem:s3] =	stream.indirect.scatter.add.f32 [tilespmem:s26], [sflag:$0x9], $0x10, s15, s20, $0xb8;
	[tilespmem:$0xC000] =	vst v63  }
0x6b: {  	_ =	swait.ge [sflag:s29], $0x800  }
0x6c: {  	[sflag:s29] =	ssyncset.done $0x0  }
0x6d: {  	s1 =	sadd.s32 $0x380, s1;
	[sflag:s29] =	ssyncadd.s32 $0xFFFFF800  }
0x6e: {  	[tilespmem:s26], [sflag:$0x4] =	stream.indirect.gather [spmem:s4], $0x10, s1, s20, $0xb8;
	[tilespmem:$0xC000] =	vst v63  }
0x6f: {  	_ =	swait.ge [sflag:s28], $0x800  }
0x70: {  	[sflag:s28] =	ssyncset.done $0x0  }
0x71: {  	s15 =	simm.s32 $0x4E00;
	[sflag:s28] =	ssyncadd.s32 $0xFFFFF800  }
0x72: {  	[spmem:s3] =	stream.indirect.scatter.add.f32 [tilespmem:s21], [sflag:$0x9], $0x10, s15, s20, $0xb8;
	[tilespmem:$0xC000] =	vst v63  }
0x73: {  	_ =	swait.ge [sflag:s29], $0x800  }
0x74: {  	[sflag:s29] =	ssyncset.done $0x0  }
0x75: {  	[sflag:s29] =	ssyncadd.s32 $0xFFFFF800  }
0x76: {  	_ =	swait.ge [sflag:s30], $0x800  }
0x77: {  	[sflag:s30] =	ssyncset.done $0x0  }
0x78: {  	s2 =	simm.s32 $0x4E80;
	[sflag:s30] =	ssyncadd.s32 $0xFFFFF800  }
0x79: {  	[spmem:s3] =	stream.indirect.scatter.add.f32 [tilespmem:s22], [sflag:$0x9], $0x10, s2, s20, $0xb8;
	[tilespmem:$0xC000] =	vst v63  }
0x7a: {  	_ =	swait.ge [sflag:s29], $0x800  }
0x7b: {  	[sflag:s29] =	ssyncset.done $0x0  }
0x7c: {  	[sflag:s29] =	ssyncadd.s32 $0xFFFFF800  }
0x7d: {  	_ =	swait.ge [sflag:s31], $0x800  }
0x7e: {  	[sflag:s31] =	ssyncset.done $0x0  }
0x7f: {  	s15 =	simm.s32 $0x4F00;
	[sflag:s31] =	ssyncadd.s32 $0xFFFFF800  }
0x80: {  	[spmem:s3] =	stream.indirect.scatter.add.f32 [tilespmem:s24], [sflag:$0x9], $0x10, s15, s20, $0xb8;
	[tilespmem:$0xC000] =	vst v63  }
0x81: {  	_ =	swait.ge [sflag:s29], $0x800  }
0x82: {  	[sflag:s29] =	ssyncset.done $0x0  }
0x83: {  	[sflag:s29] =	ssyncadd.s32 $0xFFFFF800  }
0x84: {  	_ =	swait.ge [sflag:s0], $0x800  }
0x85: {  	[sflag:s0] =	ssyncset.done $0x0  }
0x86: {  	[sflag:s0] =	ssyncadd.s32 $0xFFFFF800  }
0x87: {  	[spmem:s3] =	stream.indirect.scatter.add.f32 [tilespmem:s26], [sflag:$0x9], $0x10, s23, s20, $0xb8;
	[tilespmem:$0xC000] =	vst v63  }
0x88: {  	_ =	swait.ge [sflag:s29], $0x800  }
0x89: {  	s25 =	sadd.s32 $0x1, s25;
	[sflag:s29] =	ssyncset.done $0x0  }
0x8a: {  	p0 =	sne.s32 s25, s11;
	[sflag:s29] =	ssyncadd.s32 $0xFFFFF800  }
.Ltmp1:
0x8b: {  	[bflag:$0x0] =	sbarrier.arrive $0xFFFF;
	(pc) =	sbr.rel @p0 .LBB2_1-.Ltmp1, $4  }
0x8c: {  	[hbm:s10], [sflag:s6] =	dma.local [spmem:s12], $0x500  }
0x8d: {  	_ =	swait.ge [sflag:s16], $0x500  }
0x8e: {  	[sflag:s16] =	ssyncset.done $0x0  }
0x8f: {  	[sflag:s16] =	ssyncadd.s32 $0xFFFFFB00  }
0x90: {  	_ =	sfence.sel $0x180000  }
0x91: {  	[bflag:$0x0] =	sbarrier.arrive $0xFFFF  }
0x92: {  	_ =	strace $0x9000004D  }
0x93: {  	s0 =	stileid.u32;
	[bflag:$0x2] =	sbarrier.arrive $0xFFFF  }
0x94: {  	p0 =	sne.s32 s0, $0x0;
	s0 =	rddreg [dreg:$0x4]  }
0x95: {  	s0 =	sadd.s32 @!p0 $0x100000, s0  }
0x96: {  	[sflag:s0] =	ssyncadd.tile.s32 @!p0 $0x1;
	_ =	shalt  }
.Lfunc_end2:
_tile_overlayer_lowered:
.L_overlay_start_2:
0x97: {  	(tag) =	ssettag $0x2  }
0x98: {  	s0 =	rddreg [dreg:$0x0];
	s2 =	stileid.u32  }
0x99: {  	s1 =	rddreg [dreg:$0x1];
	p0 =	sne.s32 s2, $0x0  }
0x9a: {  	s3 =	rddreg [dreg:$0x2];
	[bflag:$0x3] =	sbarrier.arrive $0xFFFF;
	s2 =	simm.s32 @!p0 $0x1C09  }
0x9b: {  	[timem:s3], [sflag:s2] =	dma.local @!p0 [hbm:s0], s1  }
0x9c: {  	s0 =	simm.s32 @!p0 $0x9  }
0x9d: {  	_ =	swait.ge @!p0 [sflag:s0], s1  }
0x9e: {  	s1 =	ssub.s32 @!p0 $0x0, s1;
	[sflag:s0] =	ssyncset.done @!p0 $0x0  }
0x9f: {  	[sflag:s0] =	ssyncadd.s32 @!p0 s1  }
0xa0: {  	[bflag:$0x3] =	sbarrier.arrive $0xFFFF  }
0xa1: {  	_ =	shalt  }

// kernel: kernel.9.cloned.1.call-start
scs
__scs_entry_jumppad:
0x0: {  	(pc) =	sbr.rel $0x88, $3  }
0x1: {  	(tag) =	ssettag $0x0;
	lr =	simm.s32 $0x1  }
0x2: {  	[smem:$0x3F96] =	sst lr;
	_ =	strace $0xD0000000  }
0x3: {  	_ = 	snop  }
0x4: {  	_ = 	snop  }
0x5: {  	_ = 	snop  }
0x6: {  	_ = 	snop  }
0x7: {  	_ = 	snop  }
__scs_overlays_trampoline_lowered:
0x8: {  	[smem:$0x3FA5] =	sst s0  }
0x9: {  	[smem:$0x3FA6] =	sst s1  }
0xa: {  	[smem:$0x3FA7] =	sst s2  }
0xb: {  	[smem:$0x3FA8] =	sst s3  }
0xc: {  	[smem:$0x3FA9] =	sst s4  }
0xd: {  	[smem:$0x3FAA] =	sst s5  }
0xe: {  	[smem:$0x3FAB] =	sst s6  }
0xf: {  	[smem:$0x3FAC] =	sst s7  }
0x10: {  	[smem:$0x3FAD] =	sst s8  }
0x11: {  	[smem:$0x3FAE] =	sst s9;
	s0 =	simm.s32 @!p0 $0x0  }
0x12: {  	s1 =	sld [smem:$0x3F94];
	s0 =	simm.s32 @p0 $0x1  }
0x13: {  	[smem:$0x3FAF] =	sst s0;
	s0 =	simm.s32 @!p1 $0x0  }
0x14: {  	s2 =	sld [smem:$0x3F93];
	s0 =	simm.s32 @p1 $0x1  }
0x15: {  	[smem:$0x3FB0] =	sst s0;
	s0 =	simm.s32 @!p2 $0x0  }
0x16: {  	s3 =	sld [smem:$0x3FDB];
	s0 =	simm.s32 @p2 $0x1  }
0x17: {  	s4 =	simm.s32 $0x1BF5;
	[smem:$0x3FB2] =	sst s0  }
0x18: {  	s0 =	sld [smem:$0x3F95];
	_ =	swait.ge [sflag:s4], $0x0  }
0x19: {  	s7 =	sld [smem:$0x3F96]  }
0x1a: {  	s8 =	sadd.s32 $0xFFFFE003, lr  }
0x1b: {  	s9 =	sadd.s32 $0xFFFFFEF7, lr;
	s5 =	simm.s32 $0xFFFFFFFF;
	p2 =	slt.u32 s8, $0xFFFFF086  }
0x1c: {  	p1 =	slt.u32 s9, $0xF7A;
	s5 =	simm.s32 @!p2 $0x0  }
0x1d: {  	s5 =	simm.s32 @p1 $0x1;
	p0 =	seq.s32 s7, s2  }
0x1e: {  	s7 =	smul.u32 @!p0 $0xF7A, s2;
	p2 =	seq.s32 @!p0 s5, $0x0  }
0x1f: {  	s9 =	smul.u32 $0xF7A, s1;
	s8 =	simm.s32 @!p0 $0x1BF5;
	p2 =	por !p2, p0  }
0x20: {  	[sflag:s8] =	ssyncset.s32 @!p0 $0xFFFFF086;
	s6 =	sadd.s32 @!p0 s3, s7;
	s7 =	simm.s32 @!p0 $0x108  }
0x21: {  	s3 =	sadd.s32 s3, s9;
	s6 =	sadd.s32 @!p0 $0x88, s6;
	s7 =	simm.s32 @p2 $0x1082  }
0x22: {  	[simem:s7], [sflag:s8] =	dma.local @!p0 [hbm:s6], $0xF7A  }
0x23: {  	s9 =	sor.u32 $0xD0000000, s2;
	s6 =	simm.s32 $0x108;
	_ =	swait.ge @!p0 [sflag:s8], $0x0  }
0x24: {  	s3 =	sadd.s32 $0x88, s3;
	s6 =	simm.s32 @!p1 $0x1082;
	[sflag:s4] =	ssyncset.s32 $0xFFFFF086  }
0x25: {  	[simem:s6], [sflag:s4] =	dma.local [hbm:s3], $0xF7A  }
0x26: {  	[smem:$0x3F96] =	sst s1;
	(tag) =	ssettag s2;
	_ =	strace s9  }
0x27: {  	s1 =	sld [smem:$0x3FA6]  }
0x28: {  	s2 =	sld [smem:$0x3FA7]  }
0x29: {  	s4 =	sld [smem:$0x3FA9]  }
0x2a: {  	p0 =	seq.s32 s5, $0x0;
	s5 =	sld [smem:$0x3FAA]  }
0x2b: {  	s6 =	sld [smem:$0x3FAB]  }
0x2c: {  	s7 =	sld [smem:$0x3FAC]  }
0x2d: {  	s3 =	simm.s32 $0x108;
	s8 =	sld [smem:$0x3FAD]  }
0x2e: {  	s3 =	simm.s32 @!p0 $0x1082;
	s9 =	sld [smem:$0x3FAE]  }
0x2f: {  	lr =	sadd.s32 s0, s3;
	s0 =	sld [smem:$0x3FA5]  }
0x30: {  	s3 =	sld [smem:$0x3FA8]  }
0x31: {  	[smem:$0x3FB1] =	sst s10  }
0x32: {  	s10 =	sld [smem:$0x3FAF];
	_ =	sdelay $0x3  }
0x33: {  	p0 =	seq.s32 s10, $0x1;
	s10 =	sld [smem:$0x3FB1];
	_ =	sdelay $0x3  }
0x34: {  	[smem:$0x3FB1] =	sst s10  }
0x35: {  	s10 =	sld [smem:$0x3FB0];
	_ =	sdelay $0x3  }
0x36: {  	p1 =	seq.s32 s10, $0x1;
	s10 =	sld [smem:$0x3FB1];
	_ =	sdelay $0x3  }
0x37: {  	[smem:$0x3FB1] =	sst s10  }
0x38: {  	s10 =	sld [smem:$0x3FB2]  }
0x39: {  	_ = 	snop;
	(pc) =	sbr.ind lr, $3  }
0x3a: {  	_ = 	snop  }
0x3b: {  	_ = 	snop  }
0x3c: {  	p2 =	seq.s32 s10, $0x1;
	s10 =	sld [smem:$0x3FB1]  }
0x3d: {  	_ =	shalt  }
0x3e: {  	_ =	shalt  }
0x3f: {  	_ =	shalt  }
0x40: {  	_ =	shalt  }
0x41: {  	_ =	shalt  }
0x42: {  	_ =	shalt  }
0x43: {  	_ =	shalt  }
0x44: {  	_ =	shalt  }
0x45: {  	_ =	shalt  }
0x46: {  	_ =	shalt  }
0x47: {  	_ =	shalt  }
0x48: {  	_ =	shalt  }
0x49: {  	_ =	shalt  }
0x4a: {  	_ =	shalt  }
0x4b: {  	_ =	shalt  }
0x4c: {  	_ =	shalt  }
0x4d: {  	_ =	shalt  }
0x4e: {  	_ =	shalt  }
0x4f: {  	_ =	shalt  }
0x50: {  	_ =	shalt  }
0x51: {  	_ =	shalt  }
0x52: {  	_ =	shalt  }
0x53: {  	_ =	shalt  }
0x54: {  	_ =	shalt  }
0x55: {  	_ =	shalt  }
0x56: {  	_ =	shalt  }
0x57: {  	_ =	shalt  }
0x58: {  	_ =	shalt  }
0x59: {  	_ =	shalt  }
0x5a: {  	_ =	shalt  }
0x5b: {  	_ =	shalt  }
0x5c: {  	_ =	shalt  }
0x5d: {  	_ =	shalt  }
0x5e: {  	_ =	shalt  }
0x5f: {  	_ =	shalt  }
0x60: {  	_ =	shalt  }
0x61: {  	_ =	shalt  }
0x62: {  	_ =	shalt  }
0x63: {  	_ =	shalt  }
0x64: {  	_ =	shalt  }
0x65: {  	_ =	shalt  }
0x66: {  	_ =	shalt  }
0x67: {  	_ =	shalt  }
0x68: {  	_ =	shalt  }
0x69: {  	_ =	shalt  }
0x6a: {  	_ =	shalt  }
0x6b: {  	_ =	shalt  }
0x6c: {  	_ =	shalt  }
0x6d: {  	_ =	shalt  }
0x6e: {  	_ =	shalt  }
0x6f: {  	_ =	shalt  }
0x70: {  	_ =	shalt  }
0x71: {  	_ =	shalt  }
0x72: {  	_ =	shalt  }
0x73: {  	_ =	shalt  }
0x74: {  	_ =	shalt  }
0x75: {  	_ =	shalt  }
0x76: {  	_ =	shalt  }
0x77: {  	_ =	shalt  }
0x78: {  	_ =	shalt  }
0x79: {  	_ =	shalt  }
0x7a: {  	_ =	shalt  }
0x7b: {  	_ =	shalt  }
0x7c: {  	_ =	shalt  }
0x7d: {  	_ =	shalt  }
0x7e: {  	_ =	shalt  }
0x7f: {  	_ =	shalt  }
0x80: {  	_ =	shalt  }
0x81: {  	_ =	shalt  }
0x82: {  	_ =	shalt  }
0x83: {  	_ =	shalt  }
0x84: {  	_ =	shalt  }
0x85: {  	_ =	shalt  }
0x86: {  	_ =	shalt  }
0x87: {  	_ =	shalt  }
.Lfunc_end0:
.L_simem_size_0:
called_computation_lowered:
.L_overlay_start_0:
0x88: {  	s2 =	sld [smem:$0x3FD9]  }
0x89: {  	s3 =	sld [smem:$0x3FFE];
	_ =	sdelay $0x1  }
0x8a: {  	s1 =	srdreg.scid  }
0x8b: {  	s0 =	sand.u32 $0x1, s1  }
0x8c: {  	s17 =	sshll.u32 s0, $0xA;
	s2 =	sadd.s32 s3, s2  }
0x8d: {  	s2 =	sadd.s32 s2, s17  }
0x8e: {  	[smem:$0x3FBD] =	sst s2  }
0x8f: {  	_ = 	snop  }
0x90: {  	s2 =	sld [smem:$0x3FD0];
	(tm) =	ssettm $0x1  }
0x91: {  	s18 =	sld [smem:$0x3FFB];
	_ =	sdelay $0x3  }
0x92: {  	_ =	strace s18  }
0x93: {  	s3 =	sld [smem:$0x3FFC];
	_ =	sdelay $0x3  }
0x94: {  	_ =	strace s3  }
0x95: {  	s3 =	sld [smem:$0x3FFD];
	_ =	sdelay $0x3  }
0x96: {  	_ =	strace s3  }
0x97: {  	_ =	strace $0x8FFFFFFF  }
0x98: {  	s19 =	sld [smem:$0x3FDB];
	_ =	sdelay $0x1  }
0x99: {  	s4 =	simm.s32 $_scs_section_size  }
0x9a: {  	s5 =	simm.s32 $_size__tile_overlayer_lowered;
	s6 =	simm.s32 $_tile_overlayer_lowered  }
0x9b: {  	s22 =	simm.s32 $0x1BFF;
	s21 =	sshll.u32 s6, $0x1;
	s3 =	sadd.s32 s4, s19  }
0x9c: {  	s7 =	simm.s32 $0x0;
	s20 =	sshll.u32 s5, $0x1;
	s5 =	sadd.s32 s21, s3  }
0x9d: {  	[timem:s7], [sflag:s22] =	dma.local [hbm:s5], s20  }
0x9e: {  	_ =	swait.ge [sflag:s22], s20  }
0x9f: {  	s4 =	ssub.s32 $0x0, s20;
	[sflag:s22] =	ssyncset.done $0x0  }
0xa0: {  	[sflag:s22] =	ssyncadd.s32 s4;
	_ =	sdelay $0x1  }
0xa1: {  	s23 =	simm.s32 $0x1B8B  }
0xa2: {  	_ =	swait.ge [sflag:s23], $0x1  }
0xa3: {  	[sflag:s23] =	ssyncset.done $0x0  }
0xa4: {  	s25 =	simm.s32 $0x1B8E;
	s24 =	sld [smem:$0x3FFE];
	[sflag:s23] =	ssyncadd.s32 $0xFFFFFFFF  }
0xa5: {  	s26 =	simm.s32 $execute0_lowered;
	[smem:$0x3FD2] =	sst s25  }
0xa6: {  	s5 =	sshll.u32 s26, $0x1;
	_ =	strace $0x80000046;
	[dreg:$0x1] =	wrdreg $0xFFFFFFFF  }
0xa7: {  	s28 =	simm.s32 $_size_execute0_lowered;
	s3 =	sadd.s32 s3, s5;
	[dreg:$0x0] =	wrdreg $0x0  }
0xa8: {  	s5 =	sshll.u32 s28, $0x1;
	[dreg:$0x2] =	wrdreg s3  }
0xa9: {  	[dreg:$0x3] =	wrdreg s5  }
0xaa: {  	[dreg:$0x4] =	wrdreg $0xC0  }
0xab: {  	_ =	task [dreg:s7], $0x5FFFF  }
0xac: {  	[dreg:$0x1] =	wrdreg $0xFFFFFFFF  }
0xad: {  	[dreg:$0x0] =	wrdreg $0x60  }
0xae: {  	[dreg:$0x2] =	wrdreg s24  }
0xaf: {  	[dreg:$0x3] =	wrdreg s2  }
0xb0: {  	[dreg:$0x4] =	wrdreg $0x50000  }
0xb1: {  	[dreg:$0x5] =	wrdreg $0x78000  }
0xb2: {  	[dreg:$0x6] =	wrdreg $0xC8000  }
0xb3: {  	[dreg:$0x7] =	wrdreg $0x9  }
0xb4: {  	_ =	task.clear_ibuf [dreg:s7], $0x8FFFF;
	_ =	strace $0x90000046  }
0xb5: {  	s29 =	simm.s32 $0x9;
	_ =	strace $0x80000048  }
0xb6: {  	_ =	swait.ge [sflag:s29], $0x1  }
0xb7: {  	[sflag:s29] =	ssyncadd.s32 $0xFFFFFFFF  }
0xb8: {  	_ =	strace $0x90000048  }
0xb9: {  	_ =	sfence  }
0xba: {  	s30 =	sld [smem:$0x0];
	_ =	sdelay $0x2  }
0xbb: {  	s31 =	sshll.u32 s1, $0xD;
	s1 =	sshrl.u32 s1, $0x2  }
0xbc: {  	s3 =	sand.u32 $0x4000, s31;
	s1 =	sadd.s32 s1, s30  }
0xbd: {  	s0 =	sor.u32 s3, s0;
	s1 =	sshll.u32 s1, $0x11  }
0xbe: {  	s0 =	sor.u32 s1, s0  }
0xbf: {  	s0 =	sadd.s32 $0x8F2B, s0  }
0xc0: {  	[sflag:s0] =	ssyncadd.remote.s32 $0x1  }
0xc1: {  	_ =	sfence.sel $0xFFFF  }
0xc2: {  	[dreg:$0x0] =	wrdreg $0xFFFFFFFF;
	(pc) =	sbr.abs _section_cstart, $3  }
0xc3: {  	[dreg:$0x1] =	wrdreg $0xFFFFFFFF  }
0xc4: {  	_ =	task.clear_ibuf [dreg:s7], $0x2FFFF;
	_ =	strace $0x9FFFFFFF  }
0xc5: {  	(tm) =	ssettm $0x7FFFFFFF  }
tec
execute0_lowered:
.L_overlay_start_1:
0x0: {  	(tag) =	ssettag $0x1  }
0x1: {  	s0 =	rddreg [dreg:$0x0]  }
0x2: {  	s3 =	rddreg [dreg:$0x2]  }
0x3: {  	s4 =	rddreg [dreg:$0x3];
	s1 =	srdreg.scid  }
0x4: {  	s5 =	rddreg [dreg:$0x4];
	s11 =	stileid.u32  }
0x5: {  	s6 =	simm.s32 $0x0;
	s28 =	simm.s32 $0xA;
	s29 =	simm.s32 $0x80  }
0x6: {  	s30 =	simm.s32 $0xA000;
	s31 =	simm.s32 $0xA800;
	s18 =	simm.s32 $0x1  }
0x7: {  	s14 =	simm.s32 $0x4F80;
	s16 =	simm.s32 $0x0;
	s1 =	sand.u32 $0x1, s1  }
0x8: {  	s2 =	smul.u32 $0x2800, s11;
	[smem:$0x7FF] =	sst s6;
	s10 =	sadd.s32 $0x1B400, s0  }
0x9: {  	s7 =	sshll.u32 s1, $0x4;
	s8 =	smul.u32 $0x28000, s1;
	_ =	strace $0x80000047  }
0xa: {  	s1 =	ssub.s32 $0x2, s1;
	[dreg:$0x6] =	wrdreg s10;
	s10 =	simm.s32 $0x4  }
0xb: {  	s7 =	sor.u32 s11, s7;
	s9 =	sshrl.u32 s2, $0x3;
	s20 =	sshrl.u32 s1, $0x1  }
0xc: {  	s21 =	sadd.s32 s2, s3;
	s11 =	sshll.u32 s11, $0x6;
	s12 =	sadd.s32 s2, s4  }
0xd: {  	s7 =	smul.u32 $0x500, s7;
	s9 =	sadd.s32 s9, s0;
	s8 =	sadd.s32 s2, s8  }
0xe: {  	s1 =	ssub.s32 s1, s20;
	s2 =	sadd.s32 s2, s5;
	s15 =	sshrl.u32 s21, $0x3  }
0xf: {  	s25 =	sor.u32 $0x1C06, s11;
	s26 =	sshrl.u32 s12, $0x3;
	s19 =	sor.u32 $0x1C09, s11  }
0x10: {  	s21 =	simm.s32 $0xC000;
	s8 =	sshrl.u32 s8, $0x3;
	[dreg:$0xd] =	wrdreg s25  }
0x11: {  	s9 =	sadd.s32 $0x2400, s9;
	s24 =	smax.u32 s1, $0x1;
	[dreg:$0xe] =	wrdreg s26  }
0x12: {  	s20 =	sshrl.u32 s2, $0x3;
	s25 =	simm.s32 $0x8;
	s26 =	simm.s32 $0x9  }
0x13: {  	s2 =	simm.s32 $0xB000;
	s7 =	sadd.s32 s7, s0;
	[dreg:$0x7] =	wrdreg s9  }
0x14: {  	s1 =	simm.s32 $0xB800;
	[dreg:$0xc] =	wrdreg s24;
	s22 =	sadd.s32 $0x11400, s7  }
0x15: {  	s0 =	sadd.s32 s8, s0;
	s7 =	sadd.s32 $0x7400, s7;
	[dreg:$0x8] =	wrdreg s22  }
0x16: {  	s8 =	sor.u32 $0x1C05, s11;
	s23 =	sadd.s32 $0x25600, s0;
	[dreg:$0x9] =	wrdreg s7  }
0x17: {  	s24 =	simm.s32 $0x7;
	s0 =	sadd.s32 $0x1B600, s0;
	[dreg:$0xa] =	wrdreg s23  }
0x18: {  	s9 =	simm.s32 $0x3;
	[dreg:$0xb] =	wrdreg s0;
	s22 =	simm.s32 $0x5  }
0x19: {  	s23 =	simm.s32 $0x6;
	s0 =	simm.s32 $0xB;
	s7 =	simm.s32 $0x2  }
.LBB2_1:
0x1a: {  	s11 =	rddreg [dreg:$0x1]  }
0x1b: {  	[spmem:s15], [sflag:s8] =	dma.local [hbm:s11], $0x500  }
0x1c: {  	s12 =	rddreg [dreg:$0x7]  }
0x1d: {  	s17 =	rddreg [dreg:$0xd]  }
0x1e: {  	s13 =	rddreg [dreg:$0xe]  }
0x1f: {  	[spmem:s13], [sflag:s17] =	dma.local [hbm:s12], $0x500  }
0x20: {  	s12 =	rddreg [dreg:$0x8]  }
0x21: {  	[tilespmem:s6], [sflag:$0x7] =	stream.linear.gather [hbm4b:s12+s6], $0x2800, $0x38;
	[tilespmem:$0xF000] =	vst v63  }
0x22: {  	s17 =	simm.s32 $0x2800;
	s13 =	rddreg [dreg:$0x9]  }
0x23: {  	[tilespmem:s17], [sflag:$0x8] =	stream.linear.gather [hbm4b:s13+s6], $0x2800, $0x38;
	[tilespmem:$0xF000] =	vst v63  }
0x24: {  	[spmem:s20], [sflag:s19] =	dma.local [hbm:s11], $0x500  }
0x25: {  	s11 =	rddreg [dreg:$0x6]  }
0x26: {  	[tilespmem:s21], [sflag:$0xA] =	stream.linear.gather [hbm4b:s11+s6], $0x800, $0x38;
	[tilespmem:$0xF000] =	vst v63  }
0x27: {  	_ =	swait.ge [sflag:s22], $0x500  }
0x28: {  	[sflag:s22] =	ssyncset.done $0x0  }
0x29: {  	[sflag:s22] =	ssyncadd.s32 $0xFFFFFB00  }
0x2a: {  	_ =	swait.ge [sflag:s23], $0x500  }
0x2b: {  	[sflag:s23] =	ssyncset.done $0x0  }
0x2c: {  	[sflag:s23] =	ssyncadd.s32 $0xFFFFFB00  }
0x2d: {  	_ =	swait.ge [sflag:s24], $0x2800  }
0x2e: {  	[sflag:s24] =	ssyncset.done $0x0  }
0x2f: {  	[sflag:s24] =	ssyncadd.s32 $0xFFFFD800  }
0x30: {  	_ =	swait.ge [sflag:s25], $0x2800  }
0x31: {  	[sflag:s25] =	ssyncset.done $0x0  }
0x32: {  	[sflag:s25] =	ssyncadd.s32 $0xFFFFD800  }
0x33: {  	_ =	swait.ge [sflag:s26], $0x500  }
0x34: {  	[sflag:s26] =	ssyncset.done $0x0  }
0x35: {  	[sflag:s26] =	ssyncadd.s32 $0xFFFFFB00  }
0x36: {  	_ =	swait.ge [sflag:s28], $0x800  }
0x37: {  	[sflag:s28] =	ssyncset.done $0x0  }
0x38: {  	[sflag:s28] =	ssyncadd.s32 $0xFFFFF800  }
0x39: {  	[bflag:$0x0] =	sbarrier.arrive $0xFFFF  }
0x3a: {  	[tilespmem:s30], [sflag:$0x1] =	stream.indirect.gather [spmem:s4], $0x10, s6, s29, $0xb8;
	[tilespmem:$0xF000] =	vst v63  }
0x3b: {  	_ = 	snop  }
0x3c: {  	[tilespmem:s31], [sflag:$0x2] =	stream.indirect.gather [spmem:s4], $0x10, s29, s29, $0xb8;
	[tilespmem:$0xF000] =	vst v63  }
0x3d: {  	s12 =	simm.s32 $0x100  }
0x3e: {  	[tilespmem:s2], [sflag:$0x3] =	stream.indirect.gather [spmem:s4], $0x10, s12, s29, $0xb8;
	[tilespmem:$0xF000] =	vst v63  }
0x3f: {  	s13 =	simm.s32 $0x180  }
0x40: {  	[tilespmem:s1], [sflag:$0x4] =	stream.indirect.gather [spmem:s4], $0x10, s13, s29, $0xb8;
	[tilespmem:$0xF000] =	vst v63  }
0x41: {  	_ =	swait.ge [sflag:s18], $0x800  }
0x42: {  	[sflag:s18] =	ssyncset.done $0x0  }
0x43: {  	s17 =	simm.s32 $0x2800;
	[sflag:s18] =	ssyncadd.s32 $0xFFFFF800  }
0x44: {  	[spmem:s3] =	stream.indirect.scatter.add.f32 [tilespmem:s30], [sflag:$0xB], $0x10, s17, s29, $0xb8;
	[tilespmem:$0xF000] =	vst v63  }
0x45: {  	_ =	swait.ge [sflag:s0], $0x800  }
0x46: {  	[sflag:s0] =	ssyncset.done $0x0  }
0x47: {  	[sflag:s0] =	ssyncadd.s32 $0xFFFFF800  }
0x48: {  	[spmem:s5] =	stream.indirect.scatter.add.f32 [tilespmem:s21], [sflag:$0xB], $0x10, s17, s29, $0xb8;
	[tilespmem:$0xF000] =	vst v63  }
0x49: {  	_ =	swait.ge [sflag:s0], $0x800  }
0x4a: {  	[sflag:s0] =	ssyncset.done $0x0  }
0x4b: {  	s12 =	simm.s32 $0x200;
	[sflag:s0] =	ssyncadd.s32 $0xFFFFF800  }
0x4c: {  	[tilespmem:s30], [sflag:$0x1] =	stream.indirect.gather [spmem:s4], $0x10, s12, s29, $0xb8;
	[tilespmem:$0xF000] =	vst v63  }
0x4d: {  	_ =	swait.ge [sflag:s7], $0x800  }
0x4e: {  	[sflag:s7] =	ssyncset.done $0x0  }
0x4f: {  	s13 =	simm.s32 $0x2880;
	[sflag:s7] =	ssyncadd.s32 $0xFFFFF800  }
0x50: {  	[spmem:s3] =	stream.indirect.scatter.add.f32 [tilespmem:s31], [sflag:$0xB], $0x10, s13, s29, $0xb8;
	[tilespmem:$0xF000] =	vst v63  }
0x51: {  	_ =	swait.ge [sflag:s0], $0x800  }
0x52: {  	[sflag:s0] =	ssyncset.done $0x0  }
0x53: {  	[sflag:s0] =	ssyncadd.s32 $0xFFFFF800  }
0x54: {  	[spmem:s5] =	stream.indirect.scatter.add.f32 [tilespmem:s21], [sflag:$0xB], $0x10, s13, s29, $0xb8;
	[tilespmem:$0xF000] =	vst v63  }
0x55: {  	_ =	swait.ge [sflag:s0], $0x800  }
0x56: {  	[sflag:s0] =	ssyncset.done $0x0  }
0x57: {  	s17 =	simm.s32 $0x280;
	[sflag:s0] =	ssyncadd.s32 $0xFFFFF800  }
0x58: {  	[tilespmem:s31], [sflag:$0x2] =	stream.indirect.gather [spmem:s4], $0x10, s17, s29, $0xb8;
	[tilespmem:$0xF000] =	vst v63  }
0x59: {  	_ =	swait.ge [sflag:s9], $0x800  }
0x5a: {  	[sflag:s9] =	ssyncset.done $0x0  }
0x5b: {  	s12 =	simm.s32 $0x2900;
	[sflag:s9] =	ssyncadd.s32 $0xFFFFF800  }
0x5c: {  	[spmem:s3] =	stream.indirect.scatter.add.f32 [tilespmem:s2], [sflag:$0xB], $0x10, s12, s29, $0xb8;
	[tilespmem:$0xF000] =	vst v63  }
0x5d: {  	_ =	swait.ge [sflag:s0], $0x800  }
0x5e: {  	[sflag:s0] =	ssyncset.done $0x0  }
0x5f: {  	[sflag:s0] =	ssyncadd.s32 $0xFFFFF800  }
0x60: {  	[spmem:s5] =	stream.indirect.scatter.add.f32 [tilespmem:s21], [sflag:$0xB], $0x10, s12, s29, $0xb8;
	[tilespmem:$0xF000] =	vst v63  }
0x61: {  	_ =	swait.ge [sflag:s0], $0x800  }
0x62: {  	[sflag:s0] =	ssyncset.done $0x0  }
0x63: {  	s13 =	simm.s32 $0x300;
	[sflag:s0] =	ssyncadd.s32 $0xFFFFF800  }
0x64: {  	[tilespmem:s2], [sflag:$0x3] =	stream.indirect.gather [spmem:s4], $0x10, s13, s29, $0xb8;
	[tilespmem:$0xF000] =	vst v63  }
0x65: {  	_ =	swait.ge [sflag:s10], $0x800  }
0x66: {  	[sflag:s10] =	ssyncset.done $0x0  }
0x67: {  	s17 =	simm.s32 $0x2980;
	[sflag:s10] =	ssyncadd.s32 $0xFFFFF800  }
0x68: {  	[spmem:s3] =	stream.indirect.scatter.add.f32 [tilespmem:s1], [sflag:$0xB], $0x10, s17, s29, $0xb8;
	[tilespmem:$0xF000] =	vst v63  }
0x69: {  	_ =	swait.ge [sflag:s0], $0x800  }
0x6a: {  	[sflag:s0] =	ssyncset.done $0x0  }
0x6b: {  	[sflag:s0] =	ssyncadd.s32 $0xFFFFF800  }
0x6c: {  	[spmem:s5] =	stream.indirect.scatter.add.f32 [tilespmem:s21], [sflag:$0xB], $0x10, s17, s29, $0xb8;
	[tilespmem:$0xF000] =	vst v63  }
0x6d: {  	_ =	swait.ge [sflag:s0], $0x800  }
0x6e: {  	[sflag:s0] =	ssyncset.done $0x0  }
0x6f: {  	s11 =	simm.s32 $0x380;
	s17 =	simm.s32 $0x800;
	[sflag:s0] =	ssyncadd.s32 $0xFFFFF800  }
.LBB2_2:
0x70: {  	[tilespmem:s1], [sflag:$0x4] =	stream.indirect.gather [spmem:s4], $0x10, s11, s29, $0xb8;
	[tilespmem:$0xF000] =	vst v63  }
0x71: {  	s11 =	smov.u32 s17  }
0x72: {  	p0 =	sne.s32 s17, $0x9000;
	s17 =	sadd.s32 $0x800, s17;
	_ =	swait.ge [sflag:s18], $0x800  }
0x73: {  	s11 =	sshra.s32 s11, $0x2;
	[sflag:s18] =	ssyncset.done $0x0  }
0x74: {  	s12 =	sadd.s32 $0x2800, s11;
	[sflag:s18] =	ssyncadd.s32 $0xFFFFF800  }
0x75: {  	[spmem:s3] =	stream.indirect.scatter.add.f32 [tilespmem:s30], [sflag:$0xB], $0x10, s12, s29, $0xb8;
	[tilespmem:$0xF000] =	vst v63  }
0x76: {  	_ =	swait.ge [sflag:s0], $0x800  }
0x77: {  	[sflag:s0] =	ssyncset.done $0x0  }
0x78: {  	[sflag:s0] =	ssyncadd.s32 $0xFFFFF800  }
0x79: {  	[spmem:s5] =	stream.indirect.scatter.add.f32 [tilespmem:s21], [sflag:$0xB], $0x10, s12, s29, $0xb8;
	[tilespmem:$0xF000] =	vst v63  }
0x7a: {  	_ =	swait.ge [sflag:s0], $0x800  }
0x7b: {  	[sflag:s0] =	ssyncset.done $0x0  }
0x7c: {  	s12 =	sadd.s32 $0x200, s11;
	[sflag:s0] =	ssyncadd.s32 $0xFFFFF800  }
0x7d: {  	[tilespmem:s30], [sflag:$0x1] =	stream.indirect.gather [spmem:s4], $0x10, s12, s29, $0xb8;
	[tilespmem:$0xF000] =	vst v63  }
0x7e: {  	_ =	swait.ge [sflag:s7], $0x800  }
0x7f: {  	[sflag:s7] =	ssyncset.done $0x0  }
0x80: {  	s12 =	sadd.s32 $0x2880, s11;
	[sflag:s7] =	ssyncadd.s32 $0xFFFFF800  }
0x81: {  	[spmem:s3] =	stream.indirect.scatter.add.f32 [tilespmem:s31], [sflag:$0xB], $0x10, s12, s29, $0xb8;
	[tilespmem:$0xF000] =	vst v63  }
0x82: {  	_ =	swait.ge [sflag:s0], $0x800  }
0x83: {  	[sflag:s0] =	ssyncset.done $0x0  }
0x84: {  	[sflag:s0] =	ssyncadd.s32 $0xFFFFF800  }
0x85: {  	[spmem:s5] =	stream.indirect.scatter.add.f32 [tilespmem:s21], [sflag:$0xB], $0x10, s12, s29, $0xb8;
	[tilespmem:$0xF000] =	vst v63  }
0x86: {  	_ =	swait.ge [sflag:s0], $0x800  }
0x87: {  	[sflag:s0] =	ssyncset.done $0x0  }
0x88: {  	s12 =	sadd.s32 $0x280, s11;
	[sflag:s0] =	ssyncadd.s32 $0xFFFFF800  }
0x89: {  	[tilespmem:s31], [sflag:$0x2] =	stream.indirect.gather [spmem:s4], $0x10, s12, s29, $0xb8;
	[tilespmem:$0xF000] =	vst v63  }
0x8a: {  	_ =	swait.ge [sflag:s9], $0x800  }
0x8b: {  	[sflag:s9] =	ssyncset.done $0x0  }
0x8c: {  	s12 =	sadd.s32 $0x2900, s11;
	[sflag:s9] =	ssyncadd.s32 $0xFFFFF800  }
0x8d: {  	[spmem:s3] =	stream.indirect.scatter.add.f32 [tilespmem:s2], [sflag:$0xB], $0x10, s12, s29, $0xb8;
	[tilespmem:$0xF000] =	vst v63  }
0x8e: {  	_ =	swait.ge [sflag:s0], $0x800  }
0x8f: {  	[sflag:s0] =	ssyncset.done $0x0  }
0x90: {  	[sflag:s0] =	ssyncadd.s32 $0xFFFFF800  }
0x91: {  	[spmem:s5] =	stream.indirect.scatter.add.f32 [tilespmem:s21], [sflag:$0xB], $0x10, s12, s29, $0xb8;
	[tilespmem:$0xF000] =	vst v63  }
0x92: {  	_ =	swait.ge [sflag:s0], $0x800  }
0x93: {  	[sflag:s0] =	ssyncset.done $0x0  }
0x94: {  	s12 =	sadd.s32 $0x300, s11;
	[sflag:s0] =	ssyncadd.s32 $0xFFFFF800  }
0x95: {  	[tilespmem:s2], [sflag:$0x3] =	stream.indirect.gather [spmem:s4], $0x10, s12, s29, $0xb8;
	[tilespmem:$0xF000] =	vst v63  }
0x96: {  	_ =	swait.ge [sflag:s10], $0x800  }
0x97: {  	[sflag:s10] =	ssyncset.done $0x0  }
0x98: {  	s12 =	sadd.s32 $0x2980, s11;
	[sflag:s10] =	ssyncadd.s32 $0xFFFFF800  }
0x99: {  	[spmem:s3] =	stream.indirect.scatter.add.f32 [tilespmem:s1], [sflag:$0xB], $0x10, s12, s29, $0xb8;
	[tilespmem:$0xF000] =	vst v63  }
0x9a: {  	_ =	swait.ge [sflag:s0], $0x800  }
0x9b: {  	[sflag:s0] =	ssyncset.done $0x0  }
.Ltmp0:
0x9c: {  	[sflag:s0] =	ssyncadd.s32 $0xFFFFF800;
	(pc) =	sbr.rel @p0 .LBB2_2-.Ltmp0, $4  }
0x9d: {  	[spmem:s5] =	stream.indirect.scatter.add.f32 [tilespmem:s21], [sflag:$0xB], $0x10, s12, s29, $0xb8;
	[tilespmem:$0xF000] =	vst v63  }
0x9e: {  	_ =	swait.ge [sflag:s0], $0x800  }
0x9f: {  	[sflag:s0] =	ssyncset.done $0x0  }
0xa0: {  	s11 =	sadd.s32 $0x380, s11;
	[sflag:s0] =	ssyncadd.s32 $0xFFFFF800  }
0xa1: {  	[tilespmem:s1], [sflag:$0x4] =	stream.indirect.gather [spmem:s4], $0x10, s11, s29, $0xb8;
	[tilespmem:$0xF000] =	vst v63  }
0xa2: {  	_ =	swait.ge [sflag:s18], $0x800  }
0xa3: {  	[sflag:s18] =	ssyncset.done $0x0  }
0xa4: {  	s13 =	simm.s32 $0x4E00;
	[sflag:s18] =	ssyncadd.s32 $0xFFFFF800  }
0xa5: {  	[spmem:s3] =	stream.indirect.scatter.add.f32 [tilespmem:s30], [sflag:$0xB], $0x10, s13, s29, $0xb8;
	[tilespmem:$0xF000] =	vst v63  }
0xa6: {  	_ =	swait.ge [sflag:s0], $0x800  }
0xa7: {  	[sflag:s0] =	ssyncset.done $0x0  }
0xa8: {  	[sflag:s0] =	ssyncadd.s32 $0xFFFFF800  }
0xa9: {  	[spmem:s5] =	stream.indirect.scatter.add.f32 [tilespmem:s21], [sflag:$0xB], $0x10, s13, s29, $0xb8;
	[tilespmem:$0xF000] =	vst v63  }
0xaa: {  	_ =	swait.ge [sflag:s0], $0x800  }
0xab: {  	[sflag:s0] =	ssyncset.done $0x0  }
0xac: {  	[sflag:s0] =	ssyncadd.s32 $0xFFFFF800  }
0xad: {  	_ =	swait.ge [sflag:s7], $0x800  }
0xae: {  	[sflag:s7] =	ssyncset.done $0x0  }
0xaf: {  	s17 =	simm.s32 $0x4E80;
	[sflag:s7] =	ssyncadd.s32 $0xFFFFF800  }
0xb0: {  	[spmem:s3] =	stream.indirect.scatter.add.f32 [tilespmem:s31], [sflag:$0xB], $0x10, s17, s29, $0xb8;
	[tilespmem:$0xF000] =	vst v63  }
0xb1: {  	_ =	swait.ge [sflag:s0], $0x800  }
0xb2: {  	[sflag:s0] =	ssyncset.done $0x0  }
0xb3: {  	[sflag:s0] =	ssyncadd.s32 $0xFFFFF800  }
0xb4: {  	[spmem:s5] =	stream.indirect.scatter.add.f32 [tilespmem:s21], [sflag:$0xB], $0x10, s17, s29, $0xb8;
	[tilespmem:$0xF000] =	vst v63  }
0xb5: {  	_ =	swait.ge [sflag:s0], $0x800  }
0xb6: {  	[sflag:s0] =	ssyncset.done $0x0  }
0xb7: {  	[sflag:s0] =	ssyncadd.s32 $0xFFFFF800  }
0xb8: {  	_ =	swait.ge [sflag:s9], $0x800  }
0xb9: {  	[sflag:s9] =	ssyncset.done $0x0  }
0xba: {  	s12 =	simm.s32 $0x4F00;
	[sflag:s9] =	ssyncadd.s32 $0xFFFFF800  }
0xbb: {  	[spmem:s3] =	stream.indirect.scatter.add.f32 [tilespmem:s2], [sflag:$0xB], $0x10, s12, s29, $0xb8;
	[tilespmem:$0xF000] =	vst v63  }
0xbc: {  	_ =	swait.ge [sflag:s0], $0x800  }
0xbd: {  	[sflag:s0] =	ssyncset.done $0x0  }
0xbe: {  	[sflag:s0] =	ssyncadd.s32 $0xFFFFF800  }
0xbf: {  	[spmem:s5] =	stream.indirect.scatter.add.f32 [tilespmem:s21], [sflag:$0xB], $0x10, s12, s29, $0xb8;
	[tilespmem:$0xF000] =	vst v63  }
0xc0: {  	_ =	swait.ge [sflag:s0], $0x800  }
0xc1: {  	[sflag:s0] =	ssyncset.done $0x0  }
0xc2: {  	[sflag:s0] =	ssyncadd.s32 $0xFFFFF800  }
0xc3: {  	_ =	swait.ge [sflag:s10], $0x800  }
0xc4: {  	[sflag:s10] =	ssyncset.done $0x0  }
0xc5: {  	[sflag:s10] =	ssyncadd.s32 $0xFFFFF800  }
0xc6: {  	[spmem:s3] =	stream.indirect.scatter.add.f32 [tilespmem:s1], [sflag:$0xB], $0x10, s14, s29, $0xb8;
	[tilespmem:$0xF000] =	vst v63  }
0xc7: {  	_ =	swait.ge [sflag:s0], $0x800  }
0xc8: {  	[sflag:s0] =	ssyncset.done $0x0  }
0xc9: {  	[sflag:s0] =	ssyncadd.s32 $0xFFFFF800  }
0xca: {  	[spmem:s5] =	stream.indirect.scatter.add.f32 [tilespmem:s21], [sflag:$0xB], $0x10, s14, s29, $0xb8;
	[tilespmem:$0xF000] =	vst v63  }
0xcb: {  	_ =	swait.ge [sflag:s0], $0x800  }
0xcc: {  	[sflag:s0] =	ssyncset.done $0x0  }
0xcd: {  	[sflag:s0] =	ssyncadd.s32 $0xFFFFF800  }
0xce: {  	[bflag:$0x0] =	sbarrier.arrive $0xFFFF  }
0xcf: {  	s13 =	rddreg [dreg:$0xa]  }
0xd0: {  	[hbm:s13], [sflag:s8] =	dma.local [spmem:s15], $0x500  }
0xd1: {  	s11 =	rddreg [dreg:$0xb]  }
0xd2: {  	[hbm:s11], [sflag:s19] =	dma.local [spmem:s20], $0x500  }
0xd3: {  	_ =	swait.ge [sflag:s22], $0x500  }
0xd4: {  	[sflag:s22] =	ssyncset.done $0x0  }
0xd5: {  	[sflag:s22] =	ssyncadd.s32 $0xFFFFFB00  }
0xd6: {  	_ =	swait.ge [sflag:s26], $0x500  }
0xd7: {  	s16 =	sadd.s32 $0x1, s16;
	s17 =	rddreg [dreg:$0xc]  }
0xd8: {  	p0 =	sne.s32 s16, s17  }
.Ltmp1:
0xd9: {  	_ = 	snop;
	(pc) =	sbr.rel @p0 .LBB2_1-.Ltmp1, $3  }
0xda: {  	_ =	sdelay $0x1  }
0xdb: {  	[sflag:s26] =	ssyncset.done $0x0  }
0xdc: {  	[sflag:s26] =	ssyncadd.s32 $0xFFFFFB00  }
0xdd: {  	_ =	sfence.sel $0x180000  }
0xde: {  	[bflag:$0x0] =	sbarrier.arrive $0xFFFF  }
0xdf: {  	_ =	strace $0x90000047  }
0xe0: {  	s0 =	stileid.u32;
	[bflag:$0x2] =	sbarrier.arrive $0xFFFF  }
0xe1: {  	p0 =	sne.s32 s0, $0x0;
	s0 =	rddreg [dreg:$0x5]  }
0xe2: {  	s0 =	sadd.s32 @!p0 $0x100000, s0  }
0xe3: {  	[sflag:s0] =	ssyncadd.tile.s32 @!p0 $0x1;
	_ =	shalt  }
.Lfunc_end2:
_tile_overlayer_lowered:
.L_overlay_start_2:
0xe4: {  	(tag) =	ssettag $0x2  }
0xe5: {  	s0 =	rddreg [dreg:$0x0];
	s2 =	stileid.u32  }
0xe6: {  	s1 =	rddreg [dreg:$0x1];
	p0 =	sne.s32 s2, $0x0  }
0xe7: {  	s3 =	rddreg [dreg:$0x2];
	[bflag:$0x3] =	sbarrier.arrive $0xFFFF;
	s2 =	simm.s32 @!p0 $0x1C0B  }
0xe8: {  	[timem:s3], [sflag:s2] =	dma.local @!p0 [hbm:s0], s1  }
0xe9: {  	s0 =	simm.s32 @!p0 $0xB  }
0xea: {  	_ =	swait.ge @!p0 [sflag:s0], s1  }
0xeb: {  	s1 =	ssub.s32 @!p0 $0x0, s1;
	[sflag:s0] =	ssyncset.done @!p0 $0x0  }
0xec: {  	[sflag:s0] =	ssyncadd.s32 @!p0 s1  }
0xed: {  	[bflag:$0x3] =	sbarrier.arrive $0xFFFF  }
0xee: {  	_ =	shalt  }

</sc_bundles>
